<compile_context>
chip_gen: v7x
topology: tpu7x:2x2x1
jax: 0.10.2.dev20260603
libtpu: 0.0.44.dev20260713+nightly
codegen_flags: <defaults>
</compile_context>

<pallas_src>
import functools

import jax
import jax.numpy as jnp
from jax import lax
from jax.experimental import pallas as pl
from jax.experimental.pallas import tpu as pltpu
from jax.experimental.pallas import tpu_sc as plsc

N_NODES = 10000
N_EDGES = 320000
IN_DIM = 128
HID = 64
EMB = 128
NUM_GRAPHS = 64

NC = 2
NS = 16
NW = NC * NS
E_TILE = N_EDGES // NW
CHUNK = 128
K_CH = -(-E_TILE // CHUNK)
E_TILE_P = K_CH * CHUNK
NP = 10240
DUMP = NP - 1
ROWS_T = NP // NS
E_VEC = E_TILE // 16

_MESH = plsc.VectorSubcoreMesh(core_axis_name="c", subcore_axis_name="s")
def _edge_chunks(edge_index):
    src_flat = edge_index[0].astype(jnp.int32).reshape(NW, E_TILE)
    dst_flat = edge_index[1].astype(jnp.int32).reshape(NW, E_TILE)
    pad = E_TILE_P - E_TILE
    src = jnp.concatenate(
        [src_flat, jnp.zeros((NW, pad), jnp.int32)], axis=1)
    dst = jnp.concatenate(
        [dst_flat, jnp.full((NW, pad), DUMP, jnp.int32)], axis=1)
    return (src.reshape(NC, NS, K_CH, CHUNK), dst.reshape(NC, NS, K_CH, CHUNK))


@functools.partial(
    pl.kernel,
    mesh=_MESH,
    out_type=jax.ShapeDtypeStruct((NW, NP), jnp.float32),
    scratch_types=[
        pltpu.VMEM((E_VEC, 16), jnp.int32),
        pltpu.VMEM((NP,), jnp.float32),
    ],
    compiler_params=pltpu.CompilerParams(needs_layout_passes=False),
)
def _deg_kernel(dst_hbm, out_hbm, dst_v, deg_local):
    c = lax.axis_index("c")
    s = lax.axis_index("s")
    pltpu.sync_copy(dst_hbm.at[c, s], dst_v)

    def zbody(j, carry):
        deg_local[pl.ds(j * 16, 16)] = jnp.zeros((16,), jnp.float32)
        return carry

    lax.fori_loop(0, NP // 16, zbody, 0)

    ones16 = jnp.ones((16,), jnp.float32)

    def body(j, carry):
        idx = dst_v[j]
        plsc.addupdate_scatter(deg_local, [idx], ones16)
        return carry

    lax.fori_loop(0, E_VEC, body, 0)
    pltpu.sync_copy(deg_local, out_hbm.at[c * NS + s])


@functools.partial(
    pl.kernel,
    mesh=_MESH,
    out_type=jax.ShapeDtypeStruct((NC, NP, HID), jnp.float32),
    scratch_types=[
        pltpu.VMEM((K_CH, CHUNK), jnp.int32),
        pltpu.VMEM((K_CH, CHUNK), jnp.int32),
        pltpu.VMEM((2, CHUNK), jnp.int32),
        pltpu.VMEM((2, CHUNK), jnp.int32),
        pltpu.VMEM((CHUNK, HID), jnp.float32),
        pltpu.VMEM((CHUNK, HID), jnp.float32),
        pltpu.VMEM((128, HID), jnp.float32),
        pltpu.VMEM_SHARED((NP, HID), jnp.float32),
        pltpu.SemaphoreType.DMA,
        pltpu.SemaphoreType.DMA,
    ],
    compiler_params=pltpu.CompilerParams(use_tc_tiling_on_sc=False),
)
def _agg_kernel(p_hbm, src_hbm, dst_hbm, out_hbm,
                src_v, dst_v, ics, dcs, buf0, buf1, stage, acc, sem0, sem1):
    c = lax.axis_index("c")
    s = lax.axis_index("s")
    pltpu.sync_copy(src_hbm.at[c, s], src_v)
    pltpu.sync_copy(dst_hbm.at[c, s], dst_v)

    def zrow(i, carry):
        for k in range(HID // 16):
            stage[i, pl.ds(k * 16, 16)] = jnp.zeros((16,), jnp.float32)
        return carry

    lax.fori_loop(0, 128, zrow, 0)

    def zcp(m, carry):
        pltpu.sync_copy(stage, acc.at[pl.ds(s * ROWS_T + m * 128, 128)])
        return carry

    lax.fori_loop(0, ROWS_T // 128, zcp, 0)
    plsc.subcore_barrier()

    def copy_idx(j, b):
        for k in range(CHUNK // 16):
            ics[b, pl.ds(k * 16, 16)] = src_v[j, pl.ds(k * 16, 16)]
            dcs[b, pl.ds(k * 16, 16)] = dst_v[j, pl.ds(k * 16, 16)]

    copy_idx(0, 0)
    pltpu.make_async_copy(p_hbm.at[ics.at[0]], buf0, sem0).start()

    def body(jj, carry):
        j0 = 2 * jj
        copy_idx(j0 + 1, 1)
        pltpu.make_async_copy(p_hbm.at[ics.at[1]], buf1, sem1).start()
        pltpu.make_async_copy(p_hbm.at[ics.at[0]], buf0, sem0).wait()
        pltpu.sync_copy(buf0, acc.at[dcs.at[0]], add=True)
        copy_idx(j0 + 2, 0)
        pltpu.make_async_copy(p_hbm.at[ics.at[0]], buf0, sem0).start()
        pltpu.make_async_copy(p_hbm.at[ics.at[1]], buf1, sem1).wait()
        pltpu.sync_copy(buf1, acc.at[dcs.at[1]], add=True)
        return carry

    lax.fori_loop(0, K_CH // 2, body, 0)
    pltpu.make_async_copy(p_hbm.at[ics.at[0]], buf0, sem0).wait()
    pltpu.sync_copy(buf0, acc.at[dcs.at[0]], add=True)
    plsc.subcore_barrier()

    def wb(m, carry):
        pltpu.sync_copy(acc.at[pl.ds(s * ROWS_T + m * 128, 128)], stage)
        pltpu.sync_copy(stage, out_hbm.at[c, pl.ds(s * ROWS_T + m * 128, 128)])
        return carry

    lax.fori_loop(0, ROWS_T // 128, wb, 0)


def _mm1_body(cnt_ref, x_ref, w1_ref, dis_ref, p1s_ref):
    cnt = jnp.sum(cnt_ref[...], axis=0)[:N_NODES].reshape(N_NODES, 1)
    dis = lax.rsqrt(cnt + 1.0)
    p1 = jnp.dot(x_ref[...], w1_ref[...], preferred_element_type=jnp.float32)
    dis_ref[...] = dis
    p1s_ref[...] = dis * p1


def _mm2_body(t_ref, p1s_ref, dis_ref, b1_ref, w2_ref, p2s_ref):
    dis = dis_ref[...]
    t = (t_ref[0] + t_ref[1])[:N_NODES]
    h1 = jnp.maximum(dis * (t + p1s_ref[...]) + b1_ref[...], 0.0)
    p2 = jnp.dot(h1, w2_ref[...], preferred_element_type=jnp.float32)
    p2s_ref[...] = dis * p2


def _final_body(u_ref, p2s_ref, dis_ref, b2_ref, batch_ref, wl_ref, bl_ref,
                out_ref):
    dis = dis_ref[...]
    u = (u_ref[0] + u_ref[1])[:N_NODES]
    h2 = jnp.maximum(dis * (u + p2s_ref[...]) + b2_ref[...], 0.0)
    gid = lax.broadcasted_iota(jnp.int32, (NUM_GRAPHS, N_NODES), 0)
    onehot = (gid == batch_ref[...]).astype(jnp.float32)
    sums = jnp.dot(onehot, h2, preferred_element_type=jnp.float32)
    cnt = jnp.sum(onehot, axis=1, keepdims=True)
    pool = sums / jnp.maximum(cnt, 1.0)
    out_ref[...] = (jnp.dot(pool, wl_ref[...], preferred_element_type=jnp.float32)
                    + bl_ref[...])


def kernel(x, edge_index, batch, W1, b1, W2, b2, Wl, bl):
    src, dst = _edge_chunks(edge_index)
    dst_f = edge_index[1].astype(jnp.int32).reshape(NC, NS, E_VEC, 16)
    batch32 = batch.astype(jnp.int32).reshape(1, N_NODES)

    cnt = _deg_kernel(dst_f)

    dis, p1s = pl.pallas_call(
        _mm1_body,
        out_shape=[jax.ShapeDtypeStruct((N_NODES, 1), jnp.float32),
                   jax.ShapeDtypeStruct((N_NODES, HID), jnp.float32)],
    )(cnt, x, W1)

    t = _agg_kernel(p1s, src, dst)

    p2s = pl.pallas_call(
        _mm2_body,
        out_shape=jax.ShapeDtypeStruct((N_NODES, HID), jnp.float32),
    )(t, p1s, dis, b1, W2)

    u = _agg_kernel(p2s, src, dst)

    out = pl.pallas_call(
        _final_body,
        out_shape=jax.ShapeDtypeStruct((NUM_GRAPHS, EMB), jnp.float32),
    )(u, p2s, dis, b2, batch32, Wl, bl)
    return out

# --- scband reference (transcript-rebuilt; emitter-appended) ---
"""Pipeline reference for scband-graph-koopman-encoder-57088705298762 (READ-ONLY COPY).

The authoritative reference and input builder live on the scoring server;
editing this copy changes nothing except your own understanding.
"""

import jax, jax.numpy as jnp
import numpy as np

N_NODES = 10000
N_EDGES = 320000
IN_DIM = 128
HID = 64
EMB = 128
NUM_GRAPHS = 64


def setup_inputs(seed: int = 0) -> dict:
    key = jax.random.key(seed)
    ks = jax.random.split(key, 10)
    x = jax.random.normal(ks[0], (N_NODES, IN_DIM), dtype=jnp.float32)
    edge_index = jax.random.randint(ks[1], (2, N_EDGES), 0, N_NODES, dtype=jnp.int64)
    batch = jnp.sort(jax.random.randint(ks[2], (N_NODES,), 0, NUM_GRAPHS, dtype=jnp.int64))
    W1 = jax.random.normal(ks[3], (IN_DIM, HID), dtype=jnp.float32) * (1.0 / np.sqrt(IN_DIM))
    b1 = jnp.zeros((HID,), dtype=jnp.float32)
    W2 = jax.random.normal(ks[4], (HID, HID), dtype=jnp.float32) * (1.0 / np.sqrt(HID))
    b2 = jnp.zeros((HID,), dtype=jnp.float32)
    Wl = jax.random.normal(ks[5], (HID, EMB), dtype=jnp.float32) * (1.0 / np.sqrt(HID))
    bl = jnp.zeros((EMB,), dtype=jnp.float32)
    return {"x": x, "edge_index": edge_index, "batch": batch,
            "W1": W1, "b1": b1, "W2": W2, "b2": b2, "Wl": Wl, "bl": bl}


def _gcn_conv(x, edge_index, W, b, num_nodes):
    # PyG GCNConv: add self-loops, symmetric normalization, linear transform, scatter-add aggregate
    loop = jnp.arange(num_nodes, dtype=edge_index.dtype)
    src = jnp.concatenate([edge_index[0], loop])
    dst = jnp.concatenate([edge_index[1], loop])
    h = x @ W
    deg = jnp.zeros((num_nodes,), dtype=h.dtype).at[dst].add(1.0)
    deg_inv_sqrt = jnp.where(deg > 0, deg ** -0.5, 0.0)
    norm = deg_inv_sqrt[src] * deg_inv_sqrt[dst]
    msg = h[src] * norm[:, None]
    out = jnp.zeros((num_nodes, h.shape[1]), dtype=h.dtype).at[dst].add(msg)
    return out + b


def _global_mean_pool(h, batch, num_graphs):
    sums = jax.ops.segment_sum(h, batch, num_segments=num_graphs)
    cnt = jax.ops.segment_sum(jnp.ones((h.shape[0],), dtype=h.dtype), batch, num_segments=num_graphs)
    cnt = jnp.where(cnt > 0, cnt, 1.0)
    return sums / cnt[:, None]


def reference(x, edge_index, batch, W1, b1, W2, b2, Wl, bl):
    h = jax.nn.relu(_gcn_conv(x, edge_index, W1, b1, N_NODES))
    h = jax.nn.relu(_gcn_conv(h, edge_index, W2, b2, N_NODES))
    h = _global_mean_pool(h, batch, NUM_GRAPHS)
    return h @ Wl + bl

if __name__ == "__main__":
    import jax
    _d = setup_inputs()
    print(jax.jit(kernel)(*tuple(_d.values())))

</pallas_src>

<mosaic_0001>
#map = affine_map<(d0, d1) -> (0, 0)>
#map1 = affine_map<(d0, d1) -> (0, 0, 0, 0)>
#map2 = affine_map<(d0, d1) -> (0, 0, 0)>
module attributes {stable_mosaic.version = 14 : i64} {
  func.func @_agg_kernel(%arg0: i32, %arg1: i32, %arg2: memref<10000x64xf32, #tpu.memory_space<hbm>>, %arg3: memref<2x16x79x128xi32, #tpu.memory_space<hbm>>, %arg4: memref<2x16x79x128xi32, #tpu.memory_space<hbm>>, %arg5: memref<2x10240x64xf32, #tpu.memory_space<hbm>>, %arg6: memref<79x128xi32, #tpu.memory_space<vmem>>, %arg7: memref<79x128xi32, #tpu.memory_space<vmem>>, %arg8: memref<2x128xi32, #tpu.memory_space<vmem>>, %arg9: memref<2x128xi32, #tpu.memory_space<vmem>>, %arg10: memref<128x64xf32, #tpu.memory_space<vmem>>, %arg11: memref<128x64xf32, #tpu.memory_space<vmem>>, %arg12: memref<128x64xf32, #tpu.memory_space<vmem>>, %arg13: memref<10240x64xf32, #tpu.memory_space<vmem_shared>>, %arg14: memref<!tpu.dma_semaphore, #tpu.memory_space<semaphore_mem>>, %arg15: memref<!tpu.dma_semaphore, #tpu.memory_space<semaphore_mem>>) attributes {dimension_semantics = [#tpu.dimension_semantics<core_parallel>, #tpu.dimension_semantics<subcore_parallel>], iteration_bounds = array<i64: 2, 16>, scalar_prefetch = 0 : i64, scratch_operands = 10 : i64, tpu.core_type = #tpu.core_type<sc_vector_subcore>, window_params = [{transform_indices = #map}, {transform_indices = #map1}, {transform_indices = #map1}, {transform_indices = #map2}]} {
    "tpu.region"() ({
      %run_scoped3A_210 = tpu.sem_alloc : memref<!tpu.dma_semaphore, #tpu.memory_space<semaphore_mem>>
      %dma_start3A_211 = arith.constant 0 : i32
      %dma_start3A_212 = arith.constant 0 : i32
      %dma_start3A_213 = tpu.memref_slice %arg3[%arg0, %arg1, %dma_start3A_211, %dma_start3A_212] : memref<2x16x79x128xi32, #tpu.memory_space<hbm>> -> memref<1x1x79x128xi32, #tpu.memory_space<hbm>>
      %dma_start3A_214 = tpu.memref_squeeze %dma_start3A_213 : memref<1x1x79x128xi32, #tpu.memory_space<hbm>> -> memref<79x128xi32, #tpu.memory_space<hbm>>
      %dma_start3A_215 = arith.constant 0 : i32
      %dma_start3A_216 = arith.constant 0 : i32
      %dma_start3A_217 = tpu.memref_slice %arg3[%arg0, %arg1, %dma_start3A_215, %dma_start3A_216] : memref<2x16x79x128xi32, #tpu.memory_space<hbm>> -> memref<1x1x79x128xi32, #tpu.memory_space<hbm>>
      %dma_start3A_218 = tpu.memref_squeeze %dma_start3A_217 : memref<1x1x79x128xi32, #tpu.memory_space<hbm>> -> memref<79x128xi32, #tpu.memory_space<hbm>>
      tpu.enqueue_dma source(%dma_start3A_218 : memref<79x128xi32, #tpu.memory_space<hbm>>) target(%arg6 : memref<79x128xi32, #tpu.memory_space<vmem>>) target_semaphore(%run_scoped3A_210 : memref<!tpu.dma_semaphore, #tpu.memory_space<semaphore_mem>>)
      %dma_wait3A_219 = arith.constant 0 : i32
      %dma_wait3A_220 = arith.constant 0 : i32
      %dma_wait3A_221 = tpu.memref_slice %arg3[%arg0, %arg1, %dma_wait3A_219, %dma_wait3A_220] : memref<2x16x79x128xi32, #tpu.memory_space<hbm>> -> memref<1x1x79x128xi32, #tpu.memory_space<hbm>>
      %dma_wait3A_222 = tpu.memref_squeeze %dma_wait3A_221 : memref<1x1x79x128xi32, #tpu.memory_space<hbm>> -> memref<79x128xi32, #tpu.memory_space<hbm>>
      %dma_wait3A_223 = arith.constant 0 : i32
      %dma_wait3A_224 = arith.constant 0 : i32
      %dma_wait3A_225 = tpu.memref_slice %arg3[%arg0, %arg1, %dma_wait3A_223, %dma_wait3A_224] : memref<2x16x79x128xi32, #tpu.memory_space<hbm>> -> memref<1x1x79x128xi32, #tpu.memory_space<hbm>>
      %dma_wait3A_226 = tpu.memref_squeeze %dma_wait3A_225 : memref<1x1x79x128xi32, #tpu.memory_space<hbm>> -> memref<79x128xi32, #tpu.memory_space<hbm>>
      tpu.wait_dma2 semaphore(%run_scoped3A_210 : memref<!tpu.dma_semaphore, #tpu.memory_space<semaphore_mem>>) src(%dma_wait3A_226 : memref<79x128xi32, #tpu.memory_space<hbm>>) dst(%arg6 : memref<79x128xi32, #tpu.memory_space<vmem>>)
      tpu.yield
    }) : () -> ()
    "tpu.region"() ({
      %run_scoped3A_210 = tpu.sem_alloc : memref<!tpu.dma_semaphore, #tpu.memory_space<semaphore_mem>>
      %dma_start3A_211 = arith.constant 0 : i32
      %dma_start3A_212 = arith.constant 0 : i32
      %dma_start3A_213 = tpu.memref_slice %arg4[%arg0, %arg1, %dma_start3A_211, %dma_start3A_212] : memref<2x16x79x128xi32, #tpu.memory_space<hbm>> -> memref<1x1x79x128xi32, #tpu.memory_space<hbm>>
      %dma_start3A_214 = tpu.memref_squeeze %dma_start3A_213 : memref<1x1x79x128xi32, #tpu.memory_space<hbm>> -> memref<79x128xi32, #tpu.memory_space<hbm>>
      %dma_start3A_215 = arith.constant 0 : i32
      %dma_start3A_216 = arith.constant 0 : i32
      %dma_start3A_217 = tpu.memref_slice %arg4[%arg0, %arg1, %dma_start3A_215, %dma_start3A_216] : memref<2x16x79x128xi32, #tpu.memory_space<hbm>> -> memref<1x1x79x128xi32, #tpu.memory_space<hbm>>
      %dma_start3A_218 = tpu.memref_squeeze %dma_start3A_217 : memref<1x1x79x128xi32, #tpu.memory_space<hbm>> -> memref<79x128xi32, #tpu.memory_space<hbm>>
      tpu.enqueue_dma source(%dma_start3A_218 : memref<79x128xi32, #tpu.memory_space<hbm>>) target(%arg7 : memref<79x128xi32, #tpu.memory_space<vmem>>) target_semaphore(%run_scoped3A_210 : memref<!tpu.dma_semaphore, #tpu.memory_space<semaphore_mem>>)
      %dma_wait3A_219 = arith.constant 0 : i32
      %dma_wait3A_220 = arith.constant 0 : i32
      %dma_wait3A_221 = tpu.memref_slice %arg4[%arg0, %arg1, %dma_wait3A_219, %dma_wait3A_220] : memref<2x16x79x128xi32, #tpu.memory_space<hbm>> -> memref<1x1x79x128xi32, #tpu.memory_space<hbm>>
      %dma_wait3A_222 = tpu.memref_squeeze %dma_wait3A_221 : memref<1x1x79x128xi32, #tpu.memory_space<hbm>> -> memref<79x128xi32, #tpu.memory_space<hbm>>
      %dma_wait3A_223 = arith.constant 0 : i32
      %dma_wait3A_224 = arith.constant 0 : i32
      %dma_wait3A_225 = tpu.memref_slice %arg4[%arg0, %arg1, %dma_wait3A_223, %dma_wait3A_224] : memref<2x16x79x128xi32, #tpu.memory_space<hbm>> -> memref<1x1x79x128xi32, #tpu.memory_space<hbm>>
      %dma_wait3A_226 = tpu.memref_squeeze %dma_wait3A_225 : memref<1x1x79x128xi32, #tpu.memory_space<hbm>> -> memref<79x128xi32, #tpu.memory_space<hbm>>
      tpu.wait_dma2 semaphore(%run_scoped3A_210 : memref<!tpu.dma_semaphore, #tpu.memory_space<semaphore_mem>>) src(%dma_wait3A_226 : memref<79x128xi32, #tpu.memory_space<hbm>>) dst(%arg7 : memref<79x128xi32, #tpu.memory_space<vmem>>)
      tpu.yield
    }) : () -> ()
    %scan3A = arith.constant 0 : i32
    %scan3A_0 = arith.constant 0 : i32
    %scan3A_1 = arith.constant 128 : i32
    %scan3A_2 = arith.addi %scan3A_0, %scan3A_1 : i32
    %scan3A_3 = arith.constant 1 : i32
    scf.for %scan3A_210 = %scan3A_0 to %scan3A_2 step %scan3A_3  : i32 {
      %broadcast_in_dim3A = arith.constant 0.000000e+00 : f32
      %broadcast_in_dim3A_211 = vector.broadcast %broadcast_in_dim3A : f32 to vector<16xf32>
      %swap3A_212 = arith.index_cast %scan3A_210 : i32 to index
      %swap3A_213 = arith.constant 0 : index
      %swap3A_214 = tpu.vector_load %arg12[%swap3A_212, %swap3A_213] {strides = array<i32>} : memref<128x64xf32, #tpu.memory_space<vmem>>, vector<1x16xf32>,
      %swap3A_215 = vector.shape_cast %swap3A_214 : vector<1x16xf32> to vector<16xf32>
      %swap3A_216 = vector.shape_cast %broadcast_in_dim3A_211 : vector<16xf32> to vector<1x16xf32>
      tpu.vector_store %arg12[%swap3A_212, %swap3A_213], %swap3A_216 {strides = array<i32>} : memref<128x64xf32, #tpu.memory_space<vmem>>, vector<1x16xf32>,
      %broadcast_in_dim3A_217 = arith.constant 0.000000e+00 : f32
      %broadcast_in_dim3A_218 = vector.broadcast %broadcast_in_dim3A_217 : f32 to vector<16xf32>
      %swap3A_219 = arith.index_cast %scan3A_210 : i32 to index
      %swap3A_220 = arith.constant 16 : index
      %swap3A_221 = tpu.vector_load %arg12[%swap3A_219, %swap3A_220] {strides = array<i32>} : memref<128x64xf32, #tpu.memory_space<vmem>>, vector<1x16xf32>,
      %swap3A_222 = vector.shape_cast %swap3A_221 : vector<1x16xf32> to vector<16xf32>
      %swap3A_223 = vector.shape_cast %broadcast_in_dim3A_218 : vector<16xf32> to vector<1x16xf32>
      tpu.vector_store %arg12[%swap3A_219, %swap3A_220], %swap3A_223 {strides = array<i32>} : memref<128x64xf32, #tpu.memory_space<vmem>>, vector<1x16xf32>,
      %broadcast_in_dim3A_224 = arith.constant 0.000000e+00 : f32
      %broadcast_in_dim3A_225 = vector.broadcast %broadcast_in_dim3A_224 : f32 to vector<16xf32>
      %swap3A_226 = arith.index_cast %scan3A_210 : i32 to index
      %swap3A_227 = arith.constant 32 : index
      %swap3A_228 = tpu.vector_load %arg12[%swap3A_226, %swap3A_227] {strides = array<i32>} : memref<128x64xf32, #tpu.memory_space<vmem>>, vector<1x16xf32>,
      %swap3A_229 = vector.shape_cast %swap3A_228 : vector<1x16xf32> to vector<16xf32>
      %swap3A_230 = vector.shape_cast %broadcast_in_dim3A_225 : vector<16xf32> to vector<1x16xf32>
      tpu.vector_store %arg12[%swap3A_226, %swap3A_227], %swap3A_230 {strides = array<i32>} : memref<128x64xf32, #tpu.memory_space<vmem>>, vector<1x16xf32>,
      %broadcast_in_dim3A_231 = arith.constant 0.000000e+00 : f32
      %broadcast_in_dim3A_232 = vector.broadcast %broadcast_in_dim3A_231 : f32 to vector<16xf32>
      %swap3A_233 = arith.index_cast %scan3A_210 : i32 to index
      %swap3A_234 = arith.constant 48 : index
      %swap3A_235 = tpu.vector_load %arg12[%swap3A_233, %swap3A_234] {strides = array<i32>} : memref<128x64xf32, #tpu.memory_space<vmem>>, vector<1x16xf32>,
      %swap3A_236 = vector.shape_cast %swap3A_235 : vector<1x16xf32> to vector<16xf32>
      %swap3A_237 = vector.shape_cast %broadcast_in_dim3A_232 : vector<16xf32> to vector<1x16xf32>
      tpu.vector_store %arg12[%swap3A_233, %swap3A_234], %swap3A_237 {strides = array<i32>} : memref<128x64xf32, #tpu.memory_space<vmem>>, vector<1x16xf32>,
    }
    %scan3A_4 = arith.constant 128 : i32
    %scan3A_5 = arith.constant 0 : i32
    %scan3A_6 = arith.constant 0 : i32
    %scan3A_7 = arith.constant 5 : i32
    %scan3A_8 = arith.addi %scan3A_6, %scan3A_7 : i32
    %scan3A_9 = arith.constant 1 : i32
    scf.for %scan3A_210 = %scan3A_6 to %scan3A_8 step %scan3A_9  : i32 {
      %mul3A = arith.constant 640 : i32
      %mul3A_211 = arith.muli %arg1, %mul3A : i32
      %mul3A_212 = arith.constant 128 : i32
      %mul3A_213 = arith.muli %scan3A_210, %mul3A_212 : i32
      %add3A = arith.addi %mul3A_211, %mul3A_213 : i32
      "tpu.region"() ({
        %run_scoped3A_214 = tpu.sem_alloc : memref<!tpu.dma_semaphore, #tpu.memory_space<semaphore_mem>>
        %dma_start3A_215 = arith.constant 0 : i32
        %dma_start3A_216 = tpu.memref_slice %arg13[%add3A, %dma_start3A_215] : memref<10240x64xf32, #tpu.memory_space<vmem_shared>> -> memref<128x64xf32, #tpu.memory_space<vmem_shared>>
        %dma_start3A_217 = arith.constant 0 : i32
        %dma_start3A_218 = tpu.memref_slice %arg13[%add3A, %dma_start3A_217] : memref<10240x64xf32, #tpu.memory_space<vmem_shared>> -> memref<128x64xf32, #tpu.memory_space<vmem_shared>>
        tpu.enqueue_dma source(%arg12 : memref<128x64xf32, #tpu.memory_space<vmem>>) target(%dma_start3A_218 : memref<128x64xf32, #tpu.memory_space<vmem_shared>>) target_semaphore(%run_scoped3A_214 : memref<!tpu.dma_semaphore, #tpu.memory_space<semaphore_mem>>)
        %dma_wait3A_219 = arith.constant 0 : i32
        %dma_wait3A_220 = tpu.memref_slice %arg13[%add3A, %dma_wait3A_219] : memref<10240x64xf32, #tpu.memory_space<vmem_shared>> -> memref<128x64xf32, #tpu.memory_space<vmem_shared>>
        %dma_wait3A_221 = arith.constant 0 : i32
        %dma_wait3A_222 = tpu.memref_slice %arg13[%add3A, %dma_wait3A_221] : memref<10240x64xf32, #tpu.memory_space<vmem_shared>> -> memref<128x64xf32, #tpu.memory_space<vmem_shared>>
        tpu.wait_dma2 semaphore(%run_scoped3A_214 : memref<!tpu.dma_semaphore, #tpu.memory_space<semaphore_mem>>) src(%arg12 : memref<128x64xf32, #tpu.memory_space<vmem>>) dst(%dma_wait3A_222 : memref<128x64xf32, #tpu.memory_space<vmem_shared>>)
        tpu.yield
      }) : () -> ()
    }
    %scan3A_10 = arith.constant 5 : i32
    %barrier3A = arith.constant 0 : index
    tpu.barrier barrier_id(%barrier3A)
    %get3A = arith.constant 0 : i32
    %get3A_11 = arith.index_cast %get3A : i32 to index
    %get3A_12 = arith.constant 0 : index
    %get3A_13 = tpu.vector_load %arg6[%get3A_11, %get3A_12] {strides = array<i32>} : memref<79x128xi32, #tpu.memory_space<vmem>>, vector<1x16xi32>,
    %get3A_14 = vector.shape_cast %get3A_13 : vector<1x16xi32> to vector<16xi32>
    %swap3A = arith.constant 0 : i32
    %swap3A_15 = arith.index_cast %swap3A : i32 to index
    %swap3A_16 = arith.constant 0 : index
    %swap3A_17 = tpu.vector_load %arg8[%swap3A_15, %swap3A_16] {strides = array<i32>} : memref<2x128xi32, #tpu.memory_space<vmem>>, vector<1x16xi32>,
    %swap3A_18 = vector.shape_cast %swap3A_17 : vector<1x16xi32> to vector<16xi32>
    %swap3A_19 = vector.shape_cast %get3A_14 : vector<16xi32> to vector<1x16xi32>
    tpu.vector_store %arg8[%swap3A_15, %swap3A_16], %swap3A_19 {strides = array<i32>} : memref<2x128xi32, #tpu.memory_space<vmem>>, vector<1x16xi32>,
    %get3A_20 = arith.constant 0 : i32
    %get3A_21 = arith.index_cast %get3A_20 : i32 to index
    %get3A_22 = arith.constant 0 : index
    %get3A_23 = tpu.vector_load %arg7[%get3A_21, %get3A_22] {strides = array<i32>} : memref<79x128xi32, #tpu.memory_space<vmem>>, vector<1x16xi32>,
    %get3A_24 = vector.shape_cast %get3A_23 : vector<1x16xi32> to vector<16xi32>
    %swap3A_25 = arith.constant 0 : i32
    %swap3A_26 = arith.index_cast %swap3A_25 : i32 to index
    %swap3A_27 = arith.constant 0 : index
    %swap3A_28 = tpu.vector_load %arg9[%swap3A_26, %swap3A_27] {strides = array<i32>} : memref<2x128xi32, #tpu.memory_space<vmem>>, vector<1x16xi32>,
    %swap3A_29 = vector.shape_cast %swap3A_28 : vector<1x16xi32> to vector<16xi32>
    %swap3A_30 = vector.shape_cast %get3A_24 : vector<16xi32> to vector<1x16xi32>
    tpu.vector_store %arg9[%swap3A_26, %swap3A_27], %swap3A_30 {strides = array<i32>} : memref<2x128xi32, #tpu.memory_space<vmem>>, vector<1x16xi32>,
    %get3A_31 = arith.constant 0 : i32
    %get3A_32 = arith.index_cast %get3A_31 : i32 to index
    %get3A_33 = arith.constant 16 : index
    %get3A_34 = tpu.vector_load %arg6[%get3A_32, %get3A_33] {strides = array<i32>} : memref<79x128xi32, #tpu.memory_space<vmem>>, vector<1x16xi32>,
    %get3A_35 = vector.shape_cast %get3A_34 : vector<1x16xi32> to vector<16xi32>
    %swap3A_36 = arith.constant 0 : i32
    %swap3A_37 = arith.index_cast %swap3A_36 : i32 to index
    %swap3A_38 = arith.constant 16 : index
    %swap3A_39 = tpu.vector_load %arg8[%swap3A_37, %swap3A_38] {strides = array<i32>} : memref<2x128xi32, #tpu.memory_space<vmem>>, vector<1x16xi32>,
    %swap3A_40 = vector.shape_cast %swap3A_39 : vector<1x16xi32> to vector<16xi32>
    %swap3A_41 = vector.shape_cast %get3A_35 : vector<16xi32> to vector<1x16xi32>
    tpu.vector_store %arg8[%swap3A_37, %swap3A_38], %swap3A_41 {strides = array<i32>} : memref<2x128xi32, #tpu.memory_space<vmem>>, vector<1x16xi32>,
    %get3A_42 = arith.constant 0 : i32
    %get3A_43 = arith.index_cast %get3A_42 : i32 to index
    %get3A_44 = arith.constant 16 : index
    %get3A_45 = tpu.vector_load %arg7[%get3A_43, %get3A_44] {strides = array<i32>} : memref<79x128xi32, #tpu.memory_space<vmem>>, vector<1x16xi32>,
    %get3A_46 = vector.shape_cast %get3A_45 : vector<1x16xi32> to vector<16xi32>
    %swap3A_47 = arith.constant 0 : i32
    %swap3A_48 = arith.index_cast %swap3A_47 : i32 to index
    %swap3A_49 = arith.constant 16 : index
    %swap3A_50 = tpu.vector_load %arg9[%swap3A_48, %swap3A_49] {strides = array<i32>} : memref<2x128xi32, #tpu.memory_space<vmem>>, vector<1x16xi32>,
    %swap3A_51 = vector.shape_cast %swap3A_50 : vector<1x16xi32> to vector<16xi32>
    %swap3A_52 = vector.shape_cast %get3A_46 : vector<16xi32> to vector<1x16xi32>
    tpu.vector_store %arg9[%swap3A_48, %swap3A_49], %swap3A_52 {strides = array<i32>} : memref<2x128xi32, #tpu.memory_space<vmem>>, vector<1x16xi32>,
    %get3A_53 = arith.constant 0 : i32
    %get3A_54 = arith.index_cast %get3A_53 : i32 to index
    %get3A_55 = arith.constant 32 : index
    %get3A_56 = tpu.vector_load %arg6[%get3A_54, %get3A_55] {strides = array<i32>} : memref<79x128xi32, #tpu.memory_space<vmem>>, vector<1x16xi32>,
    %get3A_57 = vector.shape_cast %get3A_56 : vector<1x16xi32> to vector<16xi32>
    %swap3A_58 = arith.constant 0 : i32
    %swap3A_59 = arith.index_cast %swap3A_58 : i32 to index
    %swap3A_60 = arith.constant 32 : index
    %swap3A_61 = tpu.vector_load %arg8[%swap3A_59, %swap3A_60] {strides = array<i32>} : memref<2x128xi32, #tpu.memory_space<vmem>>, vector<1x16xi32>,
    %swap3A_62 = vector.shape_cast %swap3A_61 : vector<1x16xi32> to vector<16xi32>
    %swap3A_63 = vector.shape_cast %get3A_57 : vector<16xi32> to vector<1x16xi32>
    tpu.vector_store %arg8[%swap3A_59, %swap3A_60], %swap3A_63 {strides = array<i32>} : memref<2x128xi32, #tpu.memory_space<vmem>>, vector<1x16xi32>,
    %get3A_64 = arith.constant 0 : i32
    %get3A_65 = arith.index_cast %get3A_64 : i32 to index
    %get3A_66 = arith.constant 32 : index
    %get3A_67 = tpu.vector_load %arg7[%get3A_65, %get3A_66] {strides = array<i32>} : memref<79x128xi32, #tpu.memory_space<vmem>>, vector<1x16xi32>,
    %get3A_68 = vector.shape_cast %get3A_67 : vector<1x16xi32> to vector<16xi32>
    %swap3A_69 = arith.constant 0 : i32
    %swap3A_70 = arith.index_cast %swap3A_69 : i32 to index
    %swap3A_71 = arith.constant 32 : index
    %swap3A_72 = tpu.vector_load %arg9[%swap3A_70, %swap3A_71] {strides = array<i32>} : memref<2x128xi32, #tpu.memory_space<vmem>>, vector<1x16xi32>,
    %swap3A_73 = vector.shape_cast %swap3A_72 : vector<1x16xi32> to vector<16xi32>
    %swap3A_74 = vector.shape_cast %get3A_68 : vector<16xi32> to vector<1x16xi32>
    tpu.vector_store %arg9[%swap3A_70, %swap3A_71], %swap3A_74 {strides = array<i32>} : memref<2x128xi32, #tpu.memory_space<vmem>>, vector<1x16xi32>,
    %get3A_75 = arith.constant 0 : i32
    %get3A_76 = arith.index_cast %get3A_75 : i32 to index
    %get3A_77 = arith.constant 48 : index
    %get3A_78 = tpu.vector_load %arg6[%get3A_76, %get3A_77] {strides = array<i32>} : memref<79x128xi32, #tpu.memory_space<vmem>>, vector<1x16xi32>,
    %get3A_79 = vector.shape_cast %get3A_78 : vector<1x16xi32> to vector<16xi32>
    %swap3A_80 = arith.constant 0 : i32
    %swap3A_81 = arith.index_cast %swap3A_80 : i32 to index
    %swap3A_82 = arith.constant 48 : index
    %swap3A_83 = tpu.vector_load %arg8[%swap3A_81, %swap3A_82] {strides = array<i32>} : memref<2x128xi32, #tpu.memory_space<vmem>>, vector<1x16xi32>,
    %swap3A_84 = vector.shape_cast %swap3A_83 : vector<1x16xi32> to vector<16xi32>
    %swap3A_85 = vector.shape_cast %get3A_79 : vector<16xi32> to vector<1x16xi32>
    tpu.vector_store %arg8[%swap3A_81, %swap3A_82], %swap3A_85 {strides = array<i32>} : memref<2x128xi32, #tpu.memory_space<vmem>>, vector<1x16xi32>,
    %get3A_86 = arith.constant 0 : i32
    %get3A_87 = arith.index_cast %get3A_86 : i32 to index
    %get3A_88 = arith.constant 48 : index
    %get3A_89 = tpu.vector_load %arg7[%get3A_87, %get3A_88] {strides = array<i32>} : memref<79x128xi32, #tpu.memory_space<vmem>>, vector<1x16xi32>,
    %get3A_90 = vector.shape_cast %get3A_89 : vector<1x16xi32> to vector<16xi32>
    %swap3A_91 = arith.constant 0 : i32
    %swap3A_92 = arith.index_cast %swap3A_91 : i32 to index
    %swap3A_93 = arith.constant 48 : index
    %swap3A_94 = tpu.vector_load %arg9[%swap3A_92, %swap3A_93] {strides = array<i32>} : memref<2x128xi32, #tpu.memory_space<vmem>>, vector<1x16xi32>,
    %swap3A_95 = vector.shape_cast %swap3A_94 : vector<1x16xi32> to vector<16xi32>
    %swap3A_96 = vector.shape_cast %get3A_90 : vector<16xi32> to vector<1x16xi32>
    tpu.vector_store %arg9[%swap3A_92, %swap3A_93], %swap3A_96 {strides = array<i32>} : memref<2x128xi32, #tpu.memory_space<vmem>>, vector<1x16xi32>,
    %get3A_97 = arith.constant 0 : i32
    %get3A_98 = arith.index_cast %get3A_97 : i32 to index
    %get3A_99 = arith.constant 64 : index
    %get3A_100 = tpu.vector_load %arg6[%get3A_98, %get3A_99] {strides = array<i32>} : memref<79x128xi32, #tpu.memory_space<vmem>>, vector<1x16xi32>,
    %get3A_101 = vector.shape_cast %get3A_100 : vector<1x16xi32> to vector<16xi32>
    %swap3A_102 = arith.constant 0 : i32
    %swap3A_103 = arith.index_cast %swap3A_102 : i32 to index
    %swap3A_104 = arith.constant 64 : index
    %swap3A_105 = tpu.vector_load %arg8[%swap3A_103, %swap3A_104] {strides = array<i32>} : memref<2x128xi32, #tpu.memory_space<vmem>>, vector<1x16xi32>,
    %swap3A_106 = vector.shape_cast %swap3A_105 : vector<1x16xi32> to vector<16xi32>
    %swap3A_107 = vector.shape_cast %get3A_101 : vector<16xi32> to vector<1x16xi32>
    tpu.vector_store %arg8[%swap3A_103, %swap3A_104], %swap3A_107 {strides = array<i32>} : memref<2x128xi32, #tpu.memory_space<vmem>>, vector<1x16xi32>,
    %get3A_108 = arith.constant 0 : i32
    %get3A_109 = arith.index_cast %get3A_108 : i32 to index
    %get3A_110 = arith.constant 64 : index
    %get3A_111 = tpu.vector_load %arg7[%get3A_109, %get3A_110] {strides = array<i32>} : memref<79x128xi32, #tpu.memory_space<vmem>>, vector<1x16xi32>,
    %get3A_112 = vector.shape_cast %get3A_111 : vector<1x16xi32> to vector<16xi32>
    %swap3A_113 = arith.constant 0 : i32
    %swap3A_114 = arith.index_cast %swap3A_113 : i32 to index
    %swap3A_115 = arith.constant 64 : index
    %swap3A_116 = tpu.vector_load %arg9[%swap3A_114, %swap3A_115] {strides = array<i32>} : memref<2x128xi32, #tpu.memory_space<vmem>>, vector<1x16xi32>,
    %swap3A_117 = vector.shape_cast %swap3A_116 : vector<1x16xi32> to vector<16xi32>
    %swap3A_118 = vector.shape_cast %get3A_112 : vector<16xi32> to vector<1x16xi32>
    tpu.vector_store %arg9[%swap3A_114, %swap3A_115], %swap3A_118 {strides = array<i32>} : memref<2x128xi32, #tpu.memory_space<vmem>>, vector<1x16xi32>,
    %get3A_119 = arith.constant 0 : i32
    %get3A_120 = arith.index_cast %get3A_119 : i32 to index
    %get3A_121 = arith.constant 80 : index
    %get3A_122 = tpu.vector_load %arg6[%get3A_120, %get3A_121] {strides = array<i32>} : memref<79x128xi32, #tpu.memory_space<vmem>>, vector<1x16xi32>,
    %get3A_123 = vector.shape_cast %get3A_122 : vector<1x16xi32> to vector<16xi32>
    %swap3A_124 = arith.constant 0 : i32
    %swap3A_125 = arith.index_cast %swap3A_124 : i32 to index
    %swap3A_126 = arith.constant 80 : index
    %swap3A_127 = tpu.vector_load %arg8[%swap3A_125, %swap3A_126] {strides = array<i32>} : memref<2x128xi32, #tpu.memory_space<vmem>>, vector<1x16xi32>,
    %swap3A_128 = vector.shape_cast %swap3A_127 : vector<1x16xi32> to vector<16xi32>
    %swap3A_129 = vector.shape_cast %get3A_123 : vector<16xi32> to vector<1x16xi32>
    tpu.vector_store %arg8[%swap3A_125, %swap3A_126], %swap3A_129 {strides = array<i32>} : memref<2x128xi32, #tpu.memory_space<vmem>>, vector<1x16xi32>,
    %get3A_130 = arith.constant 0 : i32
    %get3A_131 = arith.index_cast %get3A_130 : i32 to index
    %get3A_132 = arith.constant 80 : index
    %get3A_133 = tpu.vector_load %arg7[%get3A_131, %get3A_132] {strides = array<i32>} : memref<79x128xi32, #tpu.memory_space<vmem>>, vector<1x16xi32>,
    %get3A_134 = vector.shape_cast %get3A_133 : vector<1x16xi32> to vector<16xi32>
    %swap3A_135 = arith.constant 0 : i32
    %swap3A_136 = arith.index_cast %swap3A_135 : i32 to index
    %swap3A_137 = arith.constant 80 : index
    %swap3A_138 = tpu.vector_load %arg9[%swap3A_136, %swap3A_137] {strides = array<i32>} : memref<2x128xi32, #tpu.memory_space<vmem>>, vector<1x16xi32>,
    %swap3A_139 = vector.shape_cast %swap3A_138 : vector<1x16xi32> to vector<16xi32>
    %swap3A_140 = vector.shape_cast %get3A_134 : vector<16xi32> to vector<1x16xi32>
    tpu.vector_store %arg9[%swap3A_136, %swap3A_137], %swap3A_140 {strides = array<i32>} : memref<2x128xi32, #tpu.memory_space<vmem>>, vector<1x16xi32>,
    %get3A_141 = arith.constant 0 : i32
    %get3A_142 = arith.index_cast %get3A_141 : i32 to index
    %get3A_143 = arith.constant 96 : index
    %get3A_144 = tpu.vector_load %arg6[%get3A_142, %get3A_143] {strides = array<i32>} : memref<79x128xi32, #tpu.memory_space<vmem>>, vector<1x16xi32>,
    %get3A_145 = vector.shape_cast %get3A_144 : vector<1x16xi32> to vector<16xi32>
    %swap3A_146 = arith.constant 0 : i32
    %swap3A_147 = arith.index_cast %swap3A_146 : i32 to index
    %swap3A_148 = arith.constant 96 : index
    %swap3A_149 = tpu.vector_load %arg8[%swap3A_147, %swap3A_148] {strides = array<i32>} : memref<2x128xi32, #tpu.memory_space<vmem>>, vector<1x16xi32>,
    %swap3A_150 = vector.shape_cast %swap3A_149 : vector<1x16xi32> to vector<16xi32>
    %swap3A_151 = vector.shape_cast %get3A_145 : vector<16xi32> to vector<1x16xi32>
    tpu.vector_store %arg8[%swap3A_147, %swap3A_148], %swap3A_151 {strides = array<i32>} : memref<2x128xi32, #tpu.memory_space<vmem>>, vector<1x16xi32>,
    %get3A_152 = arith.constant 0 : i32
    %get3A_153 = arith.index_cast %get3A_152 : i32 to index
    %get3A_154 = arith.constant 96 : index
    %get3A_155 = tpu.vector_load %arg7[%get3A_153, %get3A_154] {strides = array<i32>} : memref<79x128xi32, #tpu.memory_space<vmem>>, vector<1x16xi32>,
    %get3A_156 = vector.shape_cast %get3A_155 : vector<1x16xi32> to vector<16xi32>
    %swap3A_157 = arith.constant 0 : i32
    %swap3A_158 = arith.index_cast %swap3A_157 : i32 to index
    %swap3A_159 = arith.constant 96 : index
    %swap3A_160 = tpu.vector_load %arg9[%swap3A_158, %swap3A_159] {strides = array<i32>} : memref<2x128xi32, #tpu.memory_space<vmem>>, vector<1x16xi32>,
    %swap3A_161 = vector.shape_cast %swap3A_160 : vector<1x16xi32> to vector<16xi32>
    %swap3A_162 = vector.shape_cast %get3A_156 : vector<16xi32> to vector<1x16xi32>
    tpu.vector_store %arg9[%swap3A_158, %swap3A_159], %swap3A_162 {strides = array<i32>} : memref<2x128xi32, #tpu.memory_space<vmem>>, vector<1x16xi32>,
    %get3A_163 = arith.constant 0 : i32
    %get3A_164 = arith.index_cast %get3A_163 : i32 to index
    %get3A_165 = arith.constant 112 : index
    %get3A_166 = tpu.vector_load %arg6[%get3A_164, %get3A_165] {strides = array<i32>} : memref<79x128xi32, #tpu.memory_space<vmem>>, vector<1x16xi32>,
    %get3A_167 = vector.shape_cast %get3A_166 : vector<1x16xi32> to vector<16xi32>
    %swap3A_168 = arith.constant 0 : i32
    %swap3A_169 = arith.index_cast %swap3A_168 : i32 to index
    %swap3A_170 = arith.constant 112 : index
    %swap3A_171 = tpu.vector_load %arg8[%swap3A_169, %swap3A_170] {strides = array<i32>} : memref<2x128xi32, #tpu.memory_space<vmem>>, vector<1x16xi32>,
    %swap3A_172 = vector.shape_cast %swap3A_171 : vector<1x16xi32> to vector<16xi32>
    %swap3A_173 = vector.shape_cast %get3A_167 : vector<16xi32> to vector<1x16xi32>
    tpu.vector_store %arg8[%swap3A_169, %swap3A_170], %swap3A_173 {strides = array<i32>} : memref<2x128xi32, #tpu.memory_space<vmem>>, vector<1x16xi32>,
    %get3A_174 = arith.constant 0 : i32
    %get3A_175 = arith.index_cast %get3A_174 : i32 to index
    %get3A_176 = arith.constant 112 : index
    %get3A_177 = tpu.vector_load %arg7[%get3A_175, %get3A_176] {strides = array<i32>} : memref<79x128xi32, #tpu.memory_space<vmem>>, vector<1x16xi32>,
    %get3A_178 = vector.shape_cast %get3A_177 : vector<1x16xi32> to vector<16xi32>
    %swap3A_179 = arith.constant 0 : i32
    %swap3A_180 = arith.index_cast %swap3A_179 : i32 to index
    %swap3A_181 = arith.constant 112 : index
    %swap3A_182 = tpu.vector_load %arg9[%swap3A_180, %swap3A_181] {strides = array<i32>} : memref<2x128xi32, #tpu.memory_space<vmem>>, vector<1x16xi32>,
    %swap3A_183 = vector.shape_cast %swap3A_182 : vector<1x16xi32> to vector<16xi32>
    %swap3A_184 = vector.shape_cast %get3A_178 : vector<16xi32> to vector<1x16xi32>
    tpu.vector_store %arg9[%swap3A_180, %swap3A_181], %swap3A_184 {strides = array<i32>} : memref<2x128xi32, #tpu.memory_space<vmem>>, vector<1x16xi32>,
    %dma_start3A = arith.constant 0 : i32
    %dma_start3A_185 = arith.constant 0 : i32
    %dma_start3A_186 = tpu.memref_slice %arg8[%dma_start3A, %dma_start3A_185] : memref<2x128xi32, #tpu.memory_space<vmem>> -> memref<1x128xi32, #tpu.memory_space<vmem>>
    %dma_start3A_187 = tpu.memref_squeeze %dma_start3A_186 : memref<1x128xi32, #tpu.memory_space<vmem>> -> memref<128xi32, #tpu.memory_space<vmem>>
    %dma_start3A_188 = arith.constant 0 : i32
    %dma_start3A_189 = arith.constant 0 : i32
    %dma_start3A_190 = tpu.memref_slice %arg2[%dma_start3A_188, %dma_start3A_189] : memref<10000x64xf32, #tpu.memory_space<hbm>> -> memref<10000x64xf32, #tpu.memory_space<hbm>>
    tpu.enqueue_indirect_dma source(%dma_start3A_190 : memref<10000x64xf32, #tpu.memory_space<hbm>>) target(%arg10 : memref<128x64xf32, #tpu.memory_space<vmem>>) offsets(%dma_start3A_187 : memref<128xi32, #tpu.memory_space<vmem>>) semaphore(%arg14 : memref<!tpu.dma_semaphore, #tpu.memory_space<semaphore_mem>>)
    %scan3A_191 = arith.constant 0 : i32
    %scan3A_192 = arith.constant 0 : i32
    %scan3A_193 = arith.constant 39 : i32
    %scan3A_194 = arith.addi %scan3A_192, %scan3A_193 : i32
    %scan3A_195 = arith.constant 1 : i32
    scf.for %scan3A_210 = %scan3A_192 to %scan3A_194 step %scan3A_195  : i32 {
      %mul3A = arith.constant 2 : i32
      %mul3A_211 = arith.muli %mul3A, %scan3A_210 : i32
      %add3A = arith.constant 1 : i32
      %add3A_212 = arith.addi %mul3A_211, %add3A : i32
      %get3A_213 = arith.index_cast %add3A_212 : i32 to index
      %get3A_214 = arith.constant 0 : index
      %get3A_215 = tpu.vector_load %arg6[%get3A_213, %get3A_214] {strides = array<i32>} : memref<79x128xi32, #tpu.memory_space<vmem>>, vector<1x16xi32>,
      %get3A_216 = vector.shape_cast %get3A_215 : vector<1x16xi32> to vector<16xi32>
      %swap3A_217 = arith.constant 1 : i32
      %swap3A_218 = arith.index_cast %swap3A_217 : i32 to index
      %swap3A_219 = arith.constant 0 : index
      %swap3A_220 = tpu.vector_load %arg8[%swap3A_218, %swap3A_219] {strides = array<i32>} : memref<2x128xi32, #tpu.memory_space<vmem>>, vector<1x16xi32>,
      %swap3A_221 = vector.shape_cast %swap3A_220 : vector<1x16xi32> to vector<16xi32>
      %swap3A_222 = vector.shape_cast %get3A_216 : vector<16xi32> to vector<1x16xi32>
      tpu.vector_store %arg8[%swap3A_218, %swap3A_219], %swap3A_222 {strides = array<i32>} : memref<2x128xi32, #tpu.memory_space<vmem>>, vector<1x16xi32>,
      %get3A_223 = arith.index_cast %add3A_212 : i32 to index
      %get3A_224 = arith.constant 0 : index
      %get3A_225 = tpu.vector_load %arg7[%get3A_223, %get3A_224] {strides = array<i32>} : memref<79x128xi32, #tpu.memory_space<vmem>>, vector<1x16xi32>,
      %get3A_226 = vector.shape_cast %get3A_225 : vector<1x16xi32> to vector<16xi32>
      %swap3A_227 = arith.constant 1 : i32
      %swap3A_228 = arith.index_cast %swap3A_227 : i32 to index
      %swap3A_229 = arith.constant 0 : index
      %swap3A_230 = tpu.vector_load %arg9[%swap3A_228, %swap3A_229] {strides = array<i32>} : memref<2x128xi32, #tpu.memory_space<vmem>>, vector<1x16xi32>,
      %swap3A_231 = vector.shape_cast %swap3A_230 : vector<1x16xi32> to vector<16xi32>
      %swap3A_232 = vector.shape_cast %get3A_226 : vector<16xi32> to vector<1x16xi32>
      tpu.vector_store %arg9[%swap3A_228, %swap3A_229], %swap3A_232 {strides = array<i32>} : memref<2x128xi32, #tpu.memory_space<vmem>>, vector<1x16xi32>,
      %get3A_233 = arith.index_cast %add3A_212 : i32 to index
      %get3A_234 = arith.constant 16 : index
      %get3A_235 = tpu.vector_load %arg6[%get3A_233, %get3A_234] {strides = array<i32>} : memref<79x128xi32, #tpu.memory_space<vmem>>, vector<1x16xi32>,
      %get3A_236 = vector.shape_cast %get3A_235 : vector<1x16xi32> to vector<16xi32>
      %swap3A_237 = arith.constant 1 : i32
      %swap3A_238 = arith.index_cast %swap3A_237 : i32 to index
      %swap3A_239 = arith.constant 16 : index
      %swap3A_240 = tpu.vector_load %arg8[%swap3A_238, %swap3A_239] {strides = array<i32>} : memref<2x128xi32, #tpu.memory_space<vmem>>, vector<1x16xi32>,
      %swap3A_241 = vector.shape_cast %swap3A_240 : vector<1x16xi32> to vector<16xi32>
      %swap3A_242 = vector.shape_cast %get3A_236 : vector<16xi32> to vector<1x16xi32>
      tpu.vector_store %arg8[%swap3A_238, %swap3A_239], %swap3A_242 {strides = array<i32>} : memref<2x128xi32, #tpu.memory_space<vmem>>, vector<1x16xi32>,
      %get3A_243 = arith.index_cast %add3A_212 : i32 to index
      %get3A_244 = arith.constant 16 : index
      %get3A_245 = tpu.vector_load %arg7[%get3A_243, %get3A_244] {strides = array<i32>} : memref<79x128xi32, #tpu.memory_space<vmem>>, vector<1x16xi32>,
      %get3A_246 = vector.shape_cast %get3A_245 : vector<1x16xi32> to vector<16xi32>
      %swap3A_247 = arith.constant 1 : i32
      %swap3A_248 = arith.index_cast %swap3A_247 : i32 to index
      %swap3A_249 = arith.constant 16 : index
      %swap3A_250 = tpu.vector_load %arg9[%swap3A_248, %swap3A_249] {strides = array<i32>} : memref<2x128xi32, #tpu.memory_space<vmem>>, vector<1x16xi32>,
      %swap3A_251 = vector.shape_cast %swap3A_250 : vector<1x16xi32> to vector<16xi32>
      %swap3A_252 = vector.shape_cast %get3A_246 : vector<16xi32> to vector<1x16xi32>
      tpu.vector_store %arg9[%swap3A_248, %swap3A_249], %swap3A_252 {strides = array<i32>} : memref<2x128xi32, #tpu.memory_space<vmem>>, vector<1x16xi32>,
      %get3A_253 = arith.index_cast %add3A_212 : i32 to index
      %get3A_254 = arith.constant 32 : index
      %get3A_255 = tpu.vector_load %arg6[%get3A_253, %get3A_254] {strides = array<i32>} : memref<79x128xi32, #tpu.memory_space<vmem>>, vector<1x16xi32>,
      %get3A_256 = vector.shape_cast %get3A_255 : vector<1x16xi32> to vector<16xi32>
      %swap3A_257 = arith.constant 1 : i32
      %swap3A_258 = arith.index_cast %swap3A_257 : i32 to index
      %swap3A_259 = arith.constant 32 : index
      %swap3A_260 = tpu.vector_load %arg8[%swap3A_258, %swap3A_259] {strides = array<i32>} : memref<2x128xi32, #tpu.memory_space<vmem>>, vector<1x16xi32>,
      %swap3A_261 = vector.shape_cast %swap3A_260 : vector<1x16xi32> to vector<16xi32>
      %swap3A_262 = vector.shape_cast %get3A_256 : vector<16xi32> to vector<1x16xi32>
      tpu.vector_store %arg8[%swap3A_258, %swap3A_259], %swap3A_262 {strides = array<i32>} : memref<2x128xi32, #tpu.memory_space<vmem>>, vector<1x16xi32>,
      %get3A_263 = arith.index_cast %add3A_212 : i32 to index
      %get3A_264 = arith.constant 32 : index
      %get3A_265 = tpu.vector_load %arg7[%get3A_263, %get3A_264] {strides = array<i32>} : memref<79x128xi32, #tpu.memory_space<vmem>>, vector<1x16xi32>,
      %get3A_266 = vector.shape_cast %get3A_265 : vector<1x16xi32> to vector<16xi32>
      %swap3A_267 = arith.constant 1 : i32
      %swap3A_268 = arith.index_cast %swap3A_267 : i32 to index
      %swap3A_269 = arith.constant 32 : index
      %swap3A_270 = tpu.vector_load %arg9[%swap3A_268, %swap3A_269] {strides = array<i32>} : memref<2x128xi32, #tpu.memory_space<vmem>>, vector<1x16xi32>,
      %swap3A_271 = vector.shape_cast %swap3A_270 : vector<1x16xi32> to vector<16xi32>
      %swap3A_272 = vector.shape_cast %get3A_266 : vector<16xi32> to vector<1x16xi32>
      tpu.vector_store %arg9[%swap3A_268, %swap3A_269], %swap3A_272 {strides = array<i32>} : memref<2x128xi32, #tpu.memory_space<vmem>>, vector<1x16xi32>,
      %get3A_273 = arith.index_cast %add3A_212 : i32 to index
      %get3A_274 = arith.constant 48 : index
      %get3A_275 = tpu.vector_load %arg6[%get3A_273, %get3A_274] {strides = array<i32>} : memref<79x128xi32, #tpu.memory_space<vmem>>, vector<1x16xi32>,
      %get3A_276 = vector.shape_cast %get3A_275 : vector<1x16xi32> to vector<16xi32>
      %swap3A_277 = arith.constant 1 : i32
      %swap3A_278 = arith.index_cast %swap3A_277 : i32 to index
      %swap3A_279 = arith.constant 48 : index
      %swap3A_280 = tpu.vector_load %arg8[%swap3A_278, %swap3A_279] {strides = array<i32>} : memref<2x128xi32, #tpu.memory_space<vmem>>, vector<1x16xi32>,
      %swap3A_281 = vector.shape_cast %swap3A_280 : vector<1x16xi32> to vector<16xi32>
      %swap3A_282 = vector.shape_cast %get3A_276 : vector<16xi32> to vector<1x16xi32>
      tpu.vector_store %arg8[%swap3A_278, %swap3A_279], %swap3A_282 {strides = array<i32>} : memref<2x128xi32, #tpu.memory_space<vmem>>, vector<1x16xi32>,
      %get3A_283 = arith.index_cast %add3A_212 : i32 to index
      %get3A_284 = arith.constant 48 : index
      %get3A_285 = tpu.vector_load %arg7[%get3A_283, %get3A_284] {strides = array<i32>} : memref<79x128xi32, #tpu.memory_space<vmem>>, vector<1x16xi32>,
      %get3A_286 = vector.shape_cast %get3A_285 : vector<1x16xi32> to vector<16xi32>
      %swap3A_287 = arith.constant 1 : i32
      %swap3A_288 = arith.index_cast %swap3A_287 : i32 to index
      %swap3A_289 = arith.constant 48 : index
      %swap3A_290 = tpu.vector_load %arg9[%swap3A_288, %swap3A_289] {strides = array<i32>} : memref<2x128xi32, #tpu.memory_space<vmem>>, vector<1x16xi32>,
      %swap3A_291 = vector.shape_cast %swap3A_290 : vector<1x16xi32> to vector<16xi32>
      %swap3A_292 = vector.shape_cast %get3A_286 : vector<16xi32> to vector<1x16xi32>
      tpu.vector_store %arg9[%swap3A_288, %swap3A_289], %swap3A_292 {strides = array<i32>} : memref<2x128xi32, #tpu.memory_space<vmem>>, vector<1x16xi32>,
      %get3A_293 = arith.index_cast %add3A_212 : i32 to index
      %get3A_294 = arith.constant 64 : index
      %get3A_295 = tpu.vector_load %arg6[%get3A_293, %get3A_294] {strides = array<i32>} : memref<79x128xi32, #tpu.memory_space<vmem>>, vector<1x16xi32>,
      %get3A_296 = vector.shape_cast %get3A_295 : vector<1x16xi32> to vector<16xi32>
      %swap3A_297 = arith.constant 1 : i32
      %swap3A_298 = arith.index_cast %swap3A_297 : i32 to index
      %swap3A_299 = arith.constant 64 : index
      %swap3A_300 = tpu.vector_load %arg8[%swap3A_298, %swap3A_299] {strides = array<i32>} : memref<2x128xi32, #tpu.memory_space<vmem>>, vector<1x16xi32>,
      %swap3A_301 = vector.shape_cast %swap3A_300 : vector<1x16xi32> to vector<16xi32>
      %swap3A_302 = vector.shape_cast %get3A_296 : vector<16xi32> to vector<1x16xi32>
      tpu.vector_store %arg8[%swap3A_298, %swap3A_299], %swap3A_302 {strides = array<i32>} : memref<2x128xi32, #tpu.memory_space<vmem>>, vector<1x16xi32>,
      %get3A_303 = arith.index_cast %add3A_212 : i32 to index
      %get3A_304 = arith.constant 64 : index
      %get3A_305 = tpu.vector_load %arg7[%get3A_303, %get3A_304] {strides = array<i32>} : memref<79x128xi32, #tpu.memory_space<vmem>>, vector<1x16xi32>,
      %get3A_306 = vector.shape_cast %get3A_305 : vector<1x16xi32> to vector<16xi32>
      %swap3A_307 = arith.constant 1 : i32
      %swap3A_308 = arith.index_cast %swap3A_307 : i32 to index
      %swap3A_309 = arith.constant 64 : index
      %swap3A_310 = tpu.vector_load %arg9[%swap3A_308, %swap3A_309] {strides = array<i32>} : memref<2x128xi32, #tpu.memory_space<vmem>>, vector<1x16xi32>,
      %swap3A_311 = vector.shape_cast %swap3A_310 : vector<1x16xi32> to vector<16xi32>
      %swap3A_312 = vector.shape_cast %get3A_306 : vector<16xi32> to vector<1x16xi32>
      tpu.vector_store %arg9[%swap3A_308, %swap3A_309], %swap3A_312 {strides = array<i32>} : memref<2x128xi32, #tpu.memory_space<vmem>>, vector<1x16xi32>,
      %get3A_313 = arith.index_cast %add3A_212 : i32 to index
      %get3A_314 = arith.constant 80 : index
      %get3A_315 = tpu.vector_load %arg6[%get3A_313, %get3A_314] {strides = array<i32>} : memref<79x128xi32, #tpu.memory_space<vmem>>, vector<1x16xi32>,
      %get3A_316 = vector.shape_cast %get3A_315 : vector<1x16xi32> to vector<16xi32>
      %swap3A_317 = arith.constant 1 : i32
      %swap3A_318 = arith.index_cast %swap3A_317 : i32 to index
      %swap3A_319 = arith.constant 80 : index
      %swap3A_320 = tpu.vector_load %arg8[%swap3A_318, %swap3A_319] {strides = array<i32>} : memref<2x128xi32, #tpu.memory_space<vmem>>, vector<1x16xi32>,
      %swap3A_321 = vector.shape_cast %swap3A_320 : vector<1x16xi32> to vector<16xi32>
      %swap3A_322 = vector.shape_cast %get3A_316 : vector<16xi32> to vector<1x16xi32>
      tpu.vector_store %arg8[%swap3A_318, %swap3A_319], %swap3A_322 {strides = array<i32>} : memref<2x128xi32, #tpu.memory_space<vmem>>, vector<1x16xi32>,
      %get3A_323 = arith.index_cast %add3A_212 : i32 to index
      %get3A_324 = arith.constant 80 : index
      %get3A_325 = tpu.vector_load %arg7[%get3A_323, %get3A_324] {strides = array<i32>} : memref<79x128xi32, #tpu.memory_space<vmem>>, vector<1x16xi32>,
      %get3A_326 = vector.shape_cast %get3A_325 : vector<1x16xi32> to vector<16xi32>
      %swap3A_327 = arith.constant 1 : i32
      %swap3A_328 = arith.index_cast %swap3A_327 : i32 to index
      %swap3A_329 = arith.constant 80 : index
      %swap3A_330 = tpu.vector_load %arg9[%swap3A_328, %swap3A_329] {strides = array<i32>} : memref<2x128xi32, #tpu.memory_space<vmem>>, vector<1x16xi32>,
      %swap3A_331 = vector.shape_cast %swap3A_330 : vector<1x16xi32> to vector<16xi32>
      %swap3A_332 = vector.shape_cast %get3A_326 : vector<16xi32> to vector<1x16xi32>
      tpu.vector_store %arg9[%swap3A_328, %swap3A_329], %swap3A_332 {strides = array<i32>} : memref<2x128xi32, #tpu.memory_space<vmem>>, vector<1x16xi32>,
      %get3A_333 = arith.index_cast %add3A_212 : i32 to index
      %get3A_334 = arith.constant 96 : index
      %get3A_335 = tpu.vector_load %arg6[%get3A_333, %get3A_334] {strides = array<i32>} : memref<79x128xi32, #tpu.memory_space<vmem>>, vector<1x16xi32>,
      %get3A_336 = vector.shape_cast %get3A_335 : vector<1x16xi32> to vector<16xi32>
      %swap3A_337 = arith.constant 1 : i32
      %swap3A_338 = arith.index_cast %swap3A_337 : i32 to index
      %swap3A_339 = arith.constant 96 : index
      %swap3A_340 = tpu.vector_load %arg8[%swap3A_338, %swap3A_339] {strides = array<i32>} : memref<2x128xi32, #tpu.memory_space<vmem>>, vector<1x16xi32>,
      %swap3A_341 = vector.shape_cast %swap3A_340 : vector<1x16xi32> to vector<16xi32>
      %swap3A_342 = vector.shape_cast %get3A_336 : vector<16xi32> to vector<1x16xi32>
      tpu.vector_store %arg8[%swap3A_338, %swap3A_339], %swap3A_342 {strides = array<i32>} : memref<2x128xi32, #tpu.memory_space<vmem>>, vector<1x16xi32>,
      %get3A_343 = arith.index_cast %add3A_212 : i32 to index
      %get3A_344 = arith.constant 96 : index
      %get3A_345 = tpu.vector_load %arg7[%get3A_343, %get3A_344] {strides = array<i32>} : memref<79x128xi32, #tpu.memory_space<vmem>>, vector<1x16xi32>,
      %get3A_346 = vector.shape_cast %get3A_345 : vector<1x16xi32> to vector<16xi32>
      %swap3A_347 = arith.constant 1 : i32
      %swap3A_348 = arith.index_cast %swap3A_347 : i32 to index
      %swap3A_349 = arith.constant 96 : index
      %swap3A_350 = tpu.vector_load %arg9[%swap3A_348, %swap3A_349] {strides = array<i32>} : memref<2x128xi32, #tpu.memory_space<vmem>>, vector<1x16xi32>,
      %swap3A_351 = vector.shape_cast %swap3A_350 : vector<1x16xi32> to vector<16xi32>
      %swap3A_352 = vector.shape_cast %get3A_346 : vector<16xi32> to vector<1x16xi32>
      tpu.vector_store %arg9[%swap3A_348, %swap3A_349], %swap3A_352 {strides = array<i32>} : memref<2x128xi32, #tpu.memory_space<vmem>>, vector<1x16xi32>,
      %get3A_353 = arith.index_cast %add3A_212 : i32 to index
      %get3A_354 = arith.constant 112 : index
      %get3A_355 = tpu.vector_load %arg6[%get3A_353, %get3A_354] {strides = array<i32>} : memref<79x128xi32, #tpu.memory_space<vmem>>, vector<1x16xi32>,
      %get3A_356 = vector.shape_cast %get3A_355 : vector<1x16xi32> to vector<16xi32>
      %swap3A_357 = arith.constant 1 : i32
      %swap3A_358 = arith.index_cast %swap3A_357 : i32 to index
      %swap3A_359 = arith.constant 112 : index
      %swap3A_360 = tpu.vector_load %arg8[%swap3A_358, %swap3A_359] {strides = array<i32>} : memref<2x128xi32, #tpu.memory_space<vmem>>, vector<1x16xi32>,
      %swap3A_361 = vector.shape_cast %swap3A_360 : vector<1x16xi32> to vector<16xi32>
      %swap3A_362 = vector.shape_cast %get3A_356 : vector<16xi32> to vector<1x16xi32>
      tpu.vector_store %arg8[%swap3A_358, %swap3A_359], %swap3A_362 {strides = array<i32>} : memref<2x128xi32, #tpu.memory_space<vmem>>, vector<1x16xi32>,
      %get3A_363 = arith.index_cast %add3A_212 : i32 to index
      %get3A_364 = arith.constant 112 : index
      %get3A_365 = tpu.vector_load %arg7[%get3A_363, %get3A_364] {strides = array<i32>} : memref<79x128xi32, #tpu.memory_space<vmem>>, vector<1x16xi32>,
      %get3A_366 = vector.shape_cast %get3A_365 : vector<1x16xi32> to vector<16xi32>
      %swap3A_367 = arith.constant 1 : i32
      %swap3A_368 = arith.index_cast %swap3A_367 : i32 to index
      %swap3A_369 = arith.constant 112 : index
      %swap3A_370 = tpu.vector_load %arg9[%swap3A_368, %swap3A_369] {strides = array<i32>} : memref<2x128xi32, #tpu.memory_space<vmem>>, vector<1x16xi32>,
      %swap3A_371 = vector.shape_cast %swap3A_370 : vector<1x16xi32> to vector<16xi32>
      %swap3A_372 = vector.shape_cast %get3A_366 : vector<16xi32> to vector<1x16xi32>
      tpu.vector_store %arg9[%swap3A_368, %swap3A_369], %swap3A_372 {strides = array<i32>} : memref<2x128xi32, #tpu.memory_space<vmem>>, vector<1x16xi32>,
      %dma_start3A_373 = arith.constant 1 : i32
      %dma_start3A_374 = arith.constant 0 : i32
      %dma_start3A_375 = tpu.memref_slice %arg8[%dma_start3A_373, %dma_start3A_374] : memref<2x128xi32, #tpu.memory_space<vmem>> -> memref<1x128xi32, #tpu.memory_space<vmem>>
      %dma_start3A_376 = tpu.memref_squeeze %dma_start3A_375 : memref<1x128xi32, #tpu.memory_space<vmem>> -> memref<128xi32, #tpu.memory_space<vmem>>
      %dma_start3A_377 = arith.constant 0 : i32
      %dma_start3A_378 = arith.constant 0 : i32
      %dma_start3A_379 = tpu.memref_slice %arg2[%dma_start3A_377, %dma_start3A_378] : memref<10000x64xf32, #tpu.memory_space<hbm>> -> memref<10000x64xf32, #tpu.memory_space<hbm>>
      tpu.enqueue_indirect_dma source(%dma_start3A_379 : memref<10000x64xf32, #tpu.memory_space<hbm>>) target(%arg11 : memref<128x64xf32, #tpu.memory_space<vmem>>) offsets(%dma_start3A_376 : memref<128xi32, #tpu.memory_space<vmem>>) semaphore(%arg15 : memref<!tpu.dma_semaphore, #tpu.memory_space<semaphore_mem>>)
      %dma_wait3A_380 = arith.constant 0 : i32
      %dma_wait3A_381 = arith.constant 0 : i32
      %dma_wait3A_382 = tpu.memref_slice %arg8[%dma_wait3A_380, %dma_wait3A_381] : memref<2x128xi32, #tpu.memory_space<vmem>> -> memref<1x128xi32, #tpu.memory_space<vmem>>
      %dma_wait3A_383 = tpu.memref_squeeze %dma_wait3A_382 : memref<1x128xi32, #tpu.memory_space<vmem>> -> memref<128xi32, #tpu.memory_space<vmem>>
      %dma_wait3A_384 = arith.constant 0 : i32
      %dma_wait3A_385 = arith.constant 0 : i32
      %dma_wait3A_386 = tpu.memref_slice %arg2[%dma_wait3A_384, %dma_wait3A_385] : memref<10000x64xf32, #tpu.memory_space<hbm>> -> memref<10000x64xf32, #tpu.memory_space<hbm>>
      tpu.wait_indirect_dma semaphore(%arg14 : memref<!tpu.dma_semaphore, #tpu.memory_space<semaphore_mem>>) src(%dma_wait3A_386 : memref<10000x64xf32, #tpu.memory_space<hbm>>) dst(%arg10 : memref<128x64xf32, #tpu.memory_space<vmem>>)
      %run_scoped3A_387 = arith.constant 0 : i32
      "tpu.region"() ({
        %run_scoped3A_565 = tpu.sem_alloc : memref<!tpu.dma_semaphore, #tpu.memory_space<semaphore_mem>>
        %dma_start3A_566 = arith.constant 0 : i32
        %dma_start3A_567 = tpu.memref_slice %arg9[%run_scoped3A_387, %dma_start3A_566] : memref<2x128xi32, #tpu.memory_space<vmem>> -> memref<1x128xi32, #tpu.memory_space<vmem>>
        %dma_start3A_568 = tpu.memref_squeeze %dma_start3A_567 : memref<1x128xi32, #tpu.memory_space<vmem>> -> memref<128xi32, #tpu.memory_space<vmem>>
        %dma_start3A_569 = arith.constant 0 : i32
        %dma_start3A_570 = arith.constant 0 : i32
        %dma_start3A_571 = tpu.memref_slice %arg13[%dma_start3A_569, %dma_start3A_570] : memref<10240x64xf32, #tpu.memory_space<vmem_shared>> -> memref<10240x64xf32, #tpu.memory_space<vmem_shared>>
        tpu.enqueue_indirect_dma source(%arg10 : memref<128x64xf32, #tpu.memory_space<vmem>>) target(%dma_start3A_571 : memref<10240x64xf32, #tpu.memory_space<vmem_shared>>) offsets(%dma_start3A_568 : memref<128xi32, #tpu.memory_space<vmem>>) semaphore(%run_scoped3A_565 : memref<!tpu.dma_semaphore, #tpu.memory_space<semaphore_mem>>) {add = true}
        %dma_wait3A_572 = arith.constant 0 : i32
        %dma_wait3A_573 = tpu.memref_slice %arg9[%run_scoped3A_387, %dma_wait3A_572] : memref<2x128xi32, #tpu.memory_space<vmem>> -> memref<1x128xi32, #tpu.memory_space<vmem>>
        %dma_wait3A_574 = tpu.memref_squeeze %dma_wait3A_573 : memref<1x128xi32, #tpu.memory_space<vmem>> -> memref<128xi32, #tpu.memory_space<vmem>>
        %dma_wait3A_575 = arith.constant 0 : i32
        %dma_wait3A_576 = arith.constant 0 : i32
        %dma_wait3A_577 = tpu.memref_slice %arg13[%dma_wait3A_575, %dma_wait3A_576] : memref<10240x64xf32, #tpu.memory_space<vmem_shared>> -> memref<10240x64xf32, #tpu.memory_space<vmem_shared>>
        tpu.wait_indirect_dma semaphore(%run_scoped3A_565 : memref<!tpu.dma_semaphore, #tpu.memory_space<semaphore_mem>>) src(%arg10 : memref<128x64xf32, #tpu.memory_space<vmem>>) dst(%dma_wait3A_577 : memref<10240x64xf32, #tpu.memory_space<vmem_shared>>)
        tpu.yield
      }) : () -> ()
      %add3A_388 = arith.constant 2 : i32
      %add3A_389 = arith.addi %mul3A_211, %add3A_388 : i32
      %get3A_390 = arith.index_cast %add3A_389 : i32 to index
      %get3A_391 = arith.constant 0 : index
      %get3A_392 = tpu.vector_load %arg6[%get3A_390, %get3A_391] {strides = array<i32>} : memref<79x128xi32, #tpu.memory_space<vmem>>, vector<1x16xi32>,
      %get3A_393 = vector.shape_cast %get3A_392 : vector<1x16xi32> to vector<16xi32>
      %swap3A_394 = arith.constant 0 : i32
      %swap3A_395 = arith.index_cast %swap3A_394 : i32 to index
      %swap3A_396 = arith.constant 0 : index
      %swap3A_397 = tpu.vector_load %arg8[%swap3A_395, %swap3A_396] {strides = array<i32>} : memref<2x128xi32, #tpu.memory_space<vmem>>, vector<1x16xi32>,
      %swap3A_398 = vector.shape_cast %swap3A_397 : vector<1x16xi32> to vector<16xi32>
      %swap3A_399 = vector.shape_cast %get3A_393 : vector<16xi32> to vector<1x16xi32>
      tpu.vector_store %arg8[%swap3A_395, %swap3A_396], %swap3A_399 {strides = array<i32>} : memref<2x128xi32, #tpu.memory_space<vmem>>, vector<1x16xi32>,
      %get3A_400 = arith.index_cast %add3A_389 : i32 to index
      %get3A_401 = arith.constant 0 : index
      %get3A_402 = tpu.vector_load %arg7[%get3A_400, %get3A_401] {strides = array<i32>} : memref<79x128xi32, #tpu.memory_space<vmem>>, vector<1x16xi32>,
      %get3A_403 = vector.shape_cast %get3A_402 : vector<1x16xi32> to vector<16xi32>
      %swap3A_404 = arith.constant 0 : i32
      %swap3A_405 = arith.index_cast %swap3A_404 : i32 to index
      %swap3A_406 = arith.constant 0 : index
      %swap3A_407 = tpu.vector_load %arg9[%swap3A_405, %swap3A_406] {strides = array<i32>} : memref<2x128xi32, #tpu.memory_space<vmem>>, vector<1x16xi32>,
      %swap3A_408 = vector.shape_cast %swap3A_407 : vector<1x16xi32> to vector<16xi32>
      %swap3A_409 = vector.shape_cast %get3A_403 : vector<16xi32> to vector<1x16xi32>
      tpu.vector_store %arg9[%swap3A_405, %swap3A_406], %swap3A_409 {strides = array<i32>} : memref<2x128xi32, #tpu.memory_space<vmem>>, vector<1x16xi32>,
      %get3A_410 = arith.index_cast %add3A_389 : i32 to index
      %get3A_411 = arith.constant 16 : index
      %get3A_412 = tpu.vector_load %arg6[%get3A_410, %get3A_411] {strides = array<i32>} : memref<79x128xi32, #tpu.memory_space<vmem>>, vector<1x16xi32>,
      %get3A_413 = vector.shape_cast %get3A_412 : vector<1x16xi32> to vector<16xi32>
      %swap3A_414 = arith.constant 0 : i32
      %swap3A_415 = arith.index_cast %swap3A_414 : i32 to index
      %swap3A_416 = arith.constant 16 : index
      %swap3A_417 = tpu.vector_load %arg8[%swap3A_415, %swap3A_416] {strides = array<i32>} : memref<2x128xi32, #tpu.memory_space<vmem>>, vector<1x16xi32>,
      %swap3A_418 = vector.shape_cast %swap3A_417 : vector<1x16xi32> to vector<16xi32>
      %swap3A_419 = vector.shape_cast %get3A_413 : vector<16xi32> to vector<1x16xi32>
      tpu.vector_store %arg8[%swap3A_415, %swap3A_416], %swap3A_419 {strides = array<i32>} : memref<2x128xi32, #tpu.memory_space<vmem>>, vector<1x16xi32>,
      %get3A_420 = arith.index_cast %add3A_389 : i32 to index
      %get3A_421 = arith.constant 16 : index
      %get3A_422 = tpu.vector_load %arg7[%get3A_420, %get3A_421] {strides = array<i32>} : memref<79x128xi32, #tpu.memory_space<vmem>>, vector<1x16xi32>,
      %get3A_423 = vector.shape_cast %get3A_422 : vector<1x16xi32> to vector<16xi32>
      %swap3A_424 = arith.constant 0 : i32
      %swap3A_425 = arith.index_cast %swap3A_424 : i32 to index
      %swap3A_426 = arith.constant 16 : index
      %swap3A_427 = tpu.vector_load %arg9[%swap3A_425, %swap3A_426] {strides = array<i32>} : memref<2x128xi32, #tpu.memory_space<vmem>>, vector<1x16xi32>,
      %swap3A_428 = vector.shape_cast %swap3A_427 : vector<1x16xi32> to vector<16xi32>
      %swap3A_429 = vector.shape_cast %get3A_423 : vector<16xi32> to vector<1x16xi32>
      tpu.vector_store %arg9[%swap3A_425, %swap3A_426], %swap3A_429 {strides = array<i32>} : memref<2x128xi32, #tpu.memory_space<vmem>>, vector<1x16xi32>,
      %get3A_430 = arith.index_cast %add3A_389 : i32 to index
      %get3A_431 = arith.constant 32 : index
      %get3A_432 = tpu.vector_load %arg6[%get3A_430, %get3A_431] {strides = array<i32>} : memref<79x128xi32, #tpu.memory_space<vmem>>, vector<1x16xi32>,
      %get3A_433 = vector.shape_cast %get3A_432 : vector<1x16xi32> to vector<16xi32>
      %swap3A_434 = arith.constant 0 : i32
      %swap3A_435 = arith.index_cast %swap3A_434 : i32 to index
      %swap3A_436 = arith.constant 32 : index
      %swap3A_437 = tpu.vector_load %arg8[%swap3A_435, %swap3A_436] {strides = array<i32>} : memref<2x128xi32, #tpu.memory_space<vmem>>, vector<1x16xi32>,
      %swap3A_438 = vector.shape_cast %swap3A_437 : vector<1x16xi32> to vector<16xi32>
      %swap3A_439 = vector.shape_cast %get3A_433 : vector<16xi32> to vector<1x16xi32>
      tpu.vector_store %arg8[%swap3A_435, %swap3A_436], %swap3A_439 {strides = array<i32>} : memref<2x128xi32, #tpu.memory_space<vmem>>, vector<1x16xi32>,
      %get3A_440 = arith.index_cast %add3A_389 : i32 to index
      %get3A_441 = arith.constant 32 : index
      %get3A_442 = tpu.vector_load %arg7[%get3A_440, %get3A_441] {strides = array<i32>} : memref<79x128xi32, #tpu.memory_space<vmem>>, vector<1x16xi32>,
      %get3A_443 = vector.shape_cast %get3A_442 : vector<1x16xi32> to vector<16xi32>
      %swap3A_444 = arith.constant 0 : i32
      %swap3A_445 = arith.index_cast %swap3A_444 : i32 to index
      %swap3A_446 = arith.constant 32 : index
      %swap3A_447 = tpu.vector_load %arg9[%swap3A_445, %swap3A_446] {strides = array<i32>} : memref<2x128xi32, #tpu.memory_space<vmem>>, vector<1x16xi32>,
      %swap3A_448 = vector.shape_cast %swap3A_447 : vector<1x16xi32> to vector<16xi32>
      %swap3A_449 = vector.shape_cast %get3A_443 : vector<16xi32> to vector<1x16xi32>
      tpu.vector_store %arg9[%swap3A_445, %swap3A_446], %swap3A_449 {strides = array<i32>} : memref<2x128xi32, #tpu.memory_space<vmem>>, vector<1x16xi32>,
      %get3A_450 = arith.index_cast %add3A_389 : i32 to index
      %get3A_451 = arith.constant 48 : index
      %get3A_452 = tpu.vector_load %arg6[%get3A_450, %get3A_451] {strides = array<i32>} : memref<79x128xi32, #tpu.memory_space<vmem>>, vector<1x16xi32>,
      %get3A_453 = vector.shape_cast %get3A_452 : vector<1x16xi32> to vector<16xi32>
      %swap3A_454 = arith.constant 0 : i32
      %swap3A_455 = arith.index_cast %swap3A_454 : i32 to index
      %swap3A_456 = arith.constant 48 : index
      %swap3A_457 = tpu.vector_load %arg8[%swap3A_455, %swap3A_456] {strides = array<i32>} : memref<2x128xi32, #tpu.memory_space<vmem>>, vector<1x16xi32>,
      %swap3A_458 = vector.shape_cast %swap3A_457 : vector<1x16xi32> to vector<16xi32>
      %swap3A_459 = vector.shape_cast %get3A_453 : vector<16xi32> to vector<1x16xi32>
      tpu.vector_store %arg8[%swap3A_455, %swap3A_456], %swap3A_459 {strides = array<i32>} : memref<2x128xi32, #tpu.memory_space<vmem>>, vector<1x16xi32>,
      %get3A_460 = arith.index_cast %add3A_389 : i32 to index
      %get3A_461 = arith.constant 48 : index
      %get3A_462 = tpu.vector_load %arg7[%get3A_460, %get3A_461] {strides = array<i32>} : memref<79x128xi32, #tpu.memory_space<vmem>>, vector<1x16xi32>,
      %get3A_463 = vector.shape_cast %get3A_462 : vector<1x16xi32> to vector<16xi32>
      %swap3A_464 = arith.constant 0 : i32
      %swap3A_465 = arith.index_cast %swap3A_464 : i32 to index
      %swap3A_466 = arith.constant 48 : index
      %swap3A_467 = tpu.vector_load %arg9[%swap3A_465, %swap3A_466] {strides = array<i32>} : memref<2x128xi32, #tpu.memory_space<vmem>>, vector<1x16xi32>,
      %swap3A_468 = vector.shape_cast %swap3A_467 : vector<1x16xi32> to vector<16xi32>
      %swap3A_469 = vector.shape_cast %get3A_463 : vector<16xi32> to vector<1x16xi32>
      tpu.vector_store %arg9[%swap3A_465, %swap3A_466], %swap3A_469 {strides = array<i32>} : memref<2x128xi32, #tpu.memory_space<vmem>>, vector<1x16xi32>,
      %get3A_470 = arith.index_cast %add3A_389 : i32 to index
      %get3A_471 = arith.constant 64 : index
      %get3A_472 = tpu.vector_load %arg6[%get3A_470, %get3A_471] {strides = array<i32>} : memref<79x128xi32, #tpu.memory_space<vmem>>, vector<1x16xi32>,
      %get3A_473 = vector.shape_cast %get3A_472 : vector<1x16xi32> to vector<16xi32>
      %swap3A_474 = arith.constant 0 : i32
      %swap3A_475 = arith.index_cast %swap3A_474 : i32 to index
      %swap3A_476 = arith.constant 64 : index
      %swap3A_477 = tpu.vector_load %arg8[%swap3A_475, %swap3A_476] {strides = array<i32>} : memref<2x128xi32, #tpu.memory_space<vmem>>, vector<1x16xi32>,
      %swap3A_478 = vector.shape_cast %swap3A_477 : vector<1x16xi32> to vector<16xi32>
      %swap3A_479 = vector.shape_cast %get3A_473 : vector<16xi32> to vector<1x16xi32>
      tpu.vector_store %arg8[%swap3A_475, %swap3A_476], %swap3A_479 {strides = array<i32>} : memref<2x128xi32, #tpu.memory_space<vmem>>, vector<1x16xi32>,
      %get3A_480 = arith.index_cast %add3A_389 : i32 to index
      %get3A_481 = arith.constant 64 : index
      %get3A_482 = tpu.vector_load %arg7[%get3A_480, %get3A_481] {strides = array<i32>} : memref<79x128xi32, #tpu.memory_space<vmem>>, vector<1x16xi32>,
      %get3A_483 = vector.shape_cast %get3A_482 : vector<1x16xi32> to vector<16xi32>
      %swap3A_484 = arith.constant 0 : i32
      %swap3A_485 = arith.index_cast %swap3A_484 : i32 to index
      %swap3A_486 = arith.constant 64 : index
      %swap3A_487 = tpu.vector_load %arg9[%swap3A_485, %swap3A_486] {strides = array<i32>} : memref<2x128xi32, #tpu.memory_space<vmem>>, vector<1x16xi32>,
      %swap3A_488 = vector.shape_cast %swap3A_487 : vector<1x16xi32> to vector<16xi32>
      %swap3A_489 = vector.shape_cast %get3A_483 : vector<16xi32> to vector<1x16xi32>
      tpu.vector_store %arg9[%swap3A_485, %swap3A_486], %swap3A_489 {strides = array<i32>} : memref<2x128xi32, #tpu.memory_space<vmem>>, vector<1x16xi32>,
      %get3A_490 = arith.index_cast %add3A_389 : i32 to index
      %get3A_491 = arith.constant 80 : index
      %get3A_492 = tpu.vector_load %arg6[%get3A_490, %get3A_491] {strides = array<i32>} : memref<79x128xi32, #tpu.memory_space<vmem>>, vector<1x16xi32>,
      %get3A_493 = vector.shape_cast %get3A_492 : vector<1x16xi32> to vector<16xi32>
      %swap3A_494 = arith.constant 0 : i32
      %swap3A_495 = arith.index_cast %swap3A_494 : i32 to index
      %swap3A_496 = arith.constant 80 : index
      %swap3A_497 = tpu.vector_load %arg8[%swap3A_495, %swap3A_496] {strides = array<i32>} : memref<2x128xi32, #tpu.memory_space<vmem>>, vector<1x16xi32>,
      %swap3A_498 = vector.shape_cast %swap3A_497 : vector<1x16xi32> to vector<16xi32>
      %swap3A_499 = vector.shape_cast %get3A_493 : vector<16xi32> to vector<1x16xi32>
      tpu.vector_store %arg8[%swap3A_495, %swap3A_496], %swap3A_499 {strides = array<i32>} : memref<2x128xi32, #tpu.memory_space<vmem>>, vector<1x16xi32>,
      %get3A_500 = arith.index_cast %add3A_389 : i32 to index
      %get3A_501 = arith.constant 80 : index
      %get3A_502 = tpu.vector_load %arg7[%get3A_500, %get3A_501] {strides = array<i32>} : memref<79x128xi32, #tpu.memory_space<vmem>>, vector<1x16xi32>,
      %get3A_503 = vector.shape_cast %get3A_502 : vector<1x16xi32> to vector<16xi32>
      %swap3A_504 = arith.constant 0 : i32
      %swap3A_505 = arith.index_cast %swap3A_504 : i32 to index
      %swap3A_506 = arith.constant 80 : index
      %swap3A_507 = tpu.vector_load %arg9[%swap3A_505, %swap3A_506] {strides = array<i32>} : memref<2x128xi32, #tpu.memory_space<vmem>>, vector<1x16xi32>,
      %swap3A_508 = vector.shape_cast %swap3A_507 : vector<1x16xi32> to vector<16xi32>
      %swap3A_509 = vector.shape_cast %get3A_503 : vector<16xi32> to vector<1x16xi32>
      tpu.vector_store %arg9[%swap3A_505, %swap3A_506], %swap3A_509 {strides = array<i32>} : memref<2x128xi32, #tpu.memory_space<vmem>>, vector<1x16xi32>,
      %get3A_510 = arith.index_cast %add3A_389 : i32 to index
      %get3A_511 = arith.constant 96 : index
      %get3A_512 = tpu.vector_load %arg6[%get3A_510, %get3A_511] {strides = array<i32>} : memref<79x128xi32, #tpu.memory_space<vmem>>, vector<1x16xi32>,
      %get3A_513 = vector.shape_cast %get3A_512 : vector<1x16xi32> to vector<16xi32>
      %swap3A_514 = arith.constant 0 : i32
      %swap3A_515 = arith.index_cast %swap3A_514 : i32 to index
      %swap3A_516 = arith.constant 96 : index
      %swap3A_517 = tpu.vector_load %arg8[%swap3A_515, %swap3A_516] {strides = array<i32>} : memref<2x128xi32, #tpu.memory_space<vmem>>, vector<1x16xi32>,
      %swap3A_518 = vector.shape_cast %swap3A_517 : vector<1x16xi32> to vector<16xi32>
      %swap3A_519 = vector.shape_cast %get3A_513 : vector<16xi32> to vector<1x16xi32>
      tpu.vector_store %arg8[%swap3A_515, %swap3A_516], %swap3A_519 {strides = array<i32>} : memref<2x128xi32, #tpu.memory_space<vmem>>, vector<1x16xi32>,
      %get3A_520 = arith.index_cast %add3A_389 : i32 to index
      %get3A_521 = arith.constant 96 : index
      %get3A_522 = tpu.vector_load %arg7[%get3A_520, %get3A_521] {strides = array<i32>} : memref<79x128xi32, #tpu.memory_space<vmem>>, vector<1x16xi32>,
      %get3A_523 = vector.shape_cast %get3A_522 : vector<1x16xi32> to vector<16xi32>
      %swap3A_524 = arith.constant 0 : i32
      %swap3A_525 = arith.index_cast %swap3A_524 : i32 to index
      %swap3A_526 = arith.constant 96 : index
      %swap3A_527 = tpu.vector_load %arg9[%swap3A_525, %swap3A_526] {strides = array<i32>} : memref<2x128xi32, #tpu.memory_space<vmem>>, vector<1x16xi32>,
      %swap3A_528 = vector.shape_cast %swap3A_527 : vector<1x16xi32> to vector<16xi32>
      %swap3A_529 = vector.shape_cast %get3A_523 : vector<16xi32> to vector<1x16xi32>
      tpu.vector_store %arg9[%swap3A_525, %swap3A_526], %swap3A_529 {strides = array<i32>} : memref<2x128xi32, #tpu.memory_space<vmem>>, vector<1x16xi32>,
      %get3A_530 = arith.index_cast %add3A_389 : i32 to index
      %get3A_531 = arith.constant 112 : index
      %get3A_532 = tpu.vector_load %arg6[%get3A_530, %get3A_531] {strides = array<i32>} : memref<79x128xi32, #tpu.memory_space<vmem>>, vector<1x16xi32>,
      %get3A_533 = vector.shape_cast %get3A_532 : vector<1x16xi32> to vector<16xi32>
      %swap3A_534 = arith.constant 0 : i32
      %swap3A_535 = arith.index_cast %swap3A_534 : i32 to index
      %swap3A_536 = arith.constant 112 : index
      %swap3A_537 = tpu.vector_load %arg8[%swap3A_535, %swap3A_536] {strides = array<i32>} : memref<2x128xi32, #tpu.memory_space<vmem>>, vector<1x16xi32>,
      %swap3A_538 = vector.shape_cast %swap3A_537 : vector<1x16xi32> to vector<16xi32>
      %swap3A_539 = vector.shape_cast %get3A_533 : vector<16xi32> to vector<1x16xi32>
      tpu.vector_store %arg8[%swap3A_535, %swap3A_536], %swap3A_539 {strides = array<i32>} : memref<2x128xi32, #tpu.memory_space<vmem>>, vector<1x16xi32>,
      %get3A_540 = arith.index_cast %add3A_389 : i32 to index
      %get3A_541 = arith.constant 112 : index
      %get3A_542 = tpu.vector_load %arg7[%get3A_540, %get3A_541] {strides = array<i32>} : memref<79x128xi32, #tpu.memory_space<vmem>>, vector<1x16xi32>,
      %get3A_543 = vector.shape_cast %get3A_542 : vector<1x16xi32> to vector<16xi32>
      %swap3A_544 = arith.constant 0 : i32
      %swap3A_545 = arith.index_cast %swap3A_544 : i32 to index
      %swap3A_546 = arith.constant 112 : index
      %swap3A_547 = tpu.vector_load %arg9[%swap3A_545, %swap3A_546] {strides = array<i32>} : memref<2x128xi32, #tpu.memory_space<vmem>>, vector<1x16xi32>,
      %swap3A_548 = vector.shape_cast %swap3A_547 : vector<1x16xi32> to vector<16xi32>
      %swap3A_549 = vector.shape_cast %get3A_543 : vector<16xi32> to vector<1x16xi32>
      tpu.vector_store %arg9[%swap3A_545, %swap3A_546], %swap3A_549 {strides = array<i32>} : memref<2x128xi32, #tpu.memory_space<vmem>>, vector<1x16xi32>,
      %dma_start3A_550 = arith.constant 0 : i32
      %dma_start3A_551 = arith.constant 0 : i32
      %dma_start3A_552 = tpu.memref_slice %arg8[%dma_start3A_550, %dma_start3A_551] : memref<2x128xi32, #tpu.memory_space<vmem>> -> memref<1x128xi32, #tpu.memory_space<vmem>>
      %dma_start3A_553 = tpu.memref_squeeze %dma_start3A_552 : memref<1x128xi32, #tpu.memory_space<vmem>> -> memref<128xi32, #tpu.memory_space<vmem>>
      %dma_start3A_554 = arith.constant 0 : i32
      %dma_start3A_555 = arith.constant 0 : i32
      %dma_start3A_556 = tpu.memref_slice %arg2[%dma_start3A_554, %dma_start3A_555] : memref<10000x64xf32, #tpu.memory_space<hbm>> -> memref<10000x64xf32, #tpu.memory_space<hbm>>
      tpu.enqueue_indirect_dma source(%dma_start3A_556 : memref<10000x64xf32, #tpu.memory_space<hbm>>) target(%arg10 : memref<128x64xf32, #tpu.memory_space<vmem>>) offsets(%dma_start3A_553 : memref<128xi32, #tpu.memory_space<vmem>>) semaphore(%arg14 : memref<!tpu.dma_semaphore, #tpu.memory_space<semaphore_mem>>)
      %dma_wait3A_557 = arith.constant 1 : i32
      %dma_wait3A_558 = arith.constant 0 : i32
      %dma_wait3A_559 = tpu.memref_slice %arg8[%dma_wait3A_557, %dma_wait3A_558] : memref<2x128xi32, #tpu.memory_space<vmem>> -> memref<1x128xi32, #tpu.memory_space<vmem>>
      %dma_wait3A_560 = tpu.memref_squeeze %dma_wait3A_559 : memref<1x128xi32, #tpu.memory_space<vmem>> -> memref<128xi32, #tpu.memory_space<vmem>>
      %dma_wait3A_561 = arith.constant 0 : i32
      %dma_wait3A_562 = arith.constant 0 : i32
      %dma_wait3A_563 = tpu.memref_slice %arg2[%dma_wait3A_561, %dma_wait3A_562] : memref<10000x64xf32, #tpu.memory_space<hbm>> -> memref<10000x64xf32, #tpu.memory_space<hbm>>
      tpu.wait_indirect_dma semaphore(%arg15 : memref<!tpu.dma_semaphore, #tpu.memory_space<semaphore_mem>>) src(%dma_wait3A_563 : memref<10000x64xf32, #tpu.memory_space<hbm>>) dst(%arg11 : memref<128x64xf32, #tpu.memory_space<vmem>>)
      %run_scoped3A_564 = arith.constant 1 : i32
      "tpu.region"() ({
        %run_scoped3A_565 = tpu.sem_alloc : memref<!tpu.dma_semaphore, #tpu.memory_space<semaphore_mem>>
        %dma_start3A_566 = arith.constant 0 : i32
        %dma_start3A_567 = tpu.memref_slice %arg9[%run_scoped3A_564, %dma_start3A_566] : memref<2x128xi32, #tpu.memory_space<vmem>> -> memref<1x128xi32, #tpu.memory_space<vmem>>
        %dma_start3A_568 = tpu.memref_squeeze %dma_start3A_567 : memref<1x128xi32, #tpu.memory_space<vmem>> -> memref<128xi32, #tpu.memory_space<vmem>>
        %dma_start3A_569 = arith.constant 0 : i32
        %dma_start3A_570 = arith.constant 0 : i32
        %dma_start3A_571 = tpu.memref_slice %arg13[%dma_start3A_569, %dma_start3A_570] : memref<10240x64xf32, #tpu.memory_space<vmem_shared>> -> memref<10240x64xf32, #tpu.memory_space<vmem_shared>>
        tpu.enqueue_indirect_dma source(%arg11 : memref<128x64xf32, #tpu.memory_space<vmem>>) target(%dma_start3A_571 : memref<10240x64xf32, #tpu.memory_space<vmem_shared>>) offsets(%dma_start3A_568 : memref<128xi32, #tpu.memory_space<vmem>>) semaphore(%run_scoped3A_565 : memref<!tpu.dma_semaphore, #tpu.memory_space<semaphore_mem>>) {add = true}
        %dma_wait3A_572 = arith.constant 0 : i32
        %dma_wait3A_573 = tpu.memref_slice %arg9[%run_scoped3A_564, %dma_wait3A_572] : memref<2x128xi32, #tpu.memory_space<vmem>> -> memref<1x128xi32, #tpu.memory_space<vmem>>
        %dma_wait3A_574 = tpu.memref_squeeze %dma_wait3A_573 : memref<1x128xi32, #tpu.memory_space<vmem>> -> memref<128xi32, #tpu.memory_space<vmem>>
        %dma_wait3A_575 = arith.constant 0 : i32
        %dma_wait3A_576 = arith.constant 0 : i32
        %dma_wait3A_577 = tpu.memref_slice %arg13[%dma_wait3A_575, %dma_wait3A_576] : memref<10240x64xf32, #tpu.memory_space<vmem_shared>> -> memref<10240x64xf32, #tpu.memory_space<vmem_shared>>
        tpu.wait_indirect_dma semaphore(%run_scoped3A_565 : memref<!tpu.dma_semaphore, #tpu.memory_space<semaphore_mem>>) src(%arg11 : memref<128x64xf32, #tpu.memory_space<vmem>>) dst(%dma_wait3A_577 : memref<10240x64xf32, #tpu.memory_space<vmem_shared>>)
        tpu.yield
      }) : () -> ()
    }
    %scan3A_196 = arith.constant 39 : i32
    %dma_wait3A = arith.constant 0 : i32
    %dma_wait3A_197 = arith.constant 0 : i32
    %dma_wait3A_198 = tpu.memref_slice %arg8[%dma_wait3A, %dma_wait3A_197] : memref<2x128xi32, #tpu.memory_space<vmem>> -> memref<1x128xi32, #tpu.memory_space<vmem>>
    %dma_wait3A_199 = tpu.memref_squeeze %dma_wait3A_198 : memref<1x128xi32, #tpu.memory_space<vmem>> -> memref<128xi32, #tpu.memory_space<vmem>>
    %dma_wait3A_200 = arith.constant 0 : i32
    %dma_wait3A_201 = arith.constant 0 : i32
    %dma_wait3A_202 = tpu.memref_slice %arg2[%dma_wait3A_200, %dma_wait3A_201] : memref<10000x64xf32, #tpu.memory_space<hbm>> -> memref<10000x64xf32, #tpu.memory_space<hbm>>
    tpu.wait_indirect_dma semaphore(%arg14 : memref<!tpu.dma_semaphore, #tpu.memory_space<semaphore_mem>>) src(%dma_wait3A_202 : memref<10000x64xf32, #tpu.memory_space<hbm>>) dst(%arg10 : memref<128x64xf32, #tpu.memory_space<vmem>>)
    %run_scoped3A = arith.constant 0 : i32
    "tpu.region"() ({
      %run_scoped3A_210 = tpu.sem_alloc : memref<!tpu.dma_semaphore, #tpu.memory_space<semaphore_mem>>
      %dma_start3A_211 = arith.constant 0 : i32
      %dma_start3A_212 = tpu.memref_slice %arg9[%run_scoped3A, %dma_start3A_211] : memref<2x128xi32, #tpu.memory_space<vmem>> -> memref<1x128xi32, #tpu.memory_space<vmem>>
      %dma_start3A_213 = tpu.memref_squeeze %dma_start3A_212 : memref<1x128xi32, #tpu.memory_space<vmem>> -> memref<128xi32, #tpu.memory_space<vmem>>
      %dma_start3A_214 = arith.constant 0 : i32
      %dma_start3A_215 = arith.constant 0 : i32
      %dma_start3A_216 = tpu.memref_slice %arg13[%dma_start3A_214, %dma_start3A_215] : memref<10240x64xf32, #tpu.memory_space<vmem_shared>> -> memref<10240x64xf32, #tpu.memory_space<vmem_shared>>
      tpu.enqueue_indirect_dma source(%arg10 : memref<128x64xf32, #tpu.memory_space<vmem>>) target(%dma_start3A_216 : memref<10240x64xf32, #tpu.memory_space<vmem_shared>>) offsets(%dma_start3A_213 : memref<128xi32, #tpu.memory_space<vmem>>) semaphore(%run_scoped3A_210 : memref<!tpu.dma_semaphore, #tpu.memory_space<semaphore_mem>>) {add = true}
      %dma_wait3A_217 = arith.constant 0 : i32
      %dma_wait3A_218 = tpu.memref_slice %arg9[%run_scoped3A, %dma_wait3A_217] : memref<2x128xi32, #tpu.memory_space<vmem>> -> memref<1x128xi32, #tpu.memory_space<vmem>>
      %dma_wait3A_219 = tpu.memref_squeeze %dma_wait3A_218 : memref<1x128xi32, #tpu.memory_space<vmem>> -> memref<128xi32, #tpu.memory_space<vmem>>
      %dma_wait3A_220 = arith.constant 0 : i32
      %dma_wait3A_221 = arith.constant 0 : i32
      %dma_wait3A_222 = tpu.memref_slice %arg13[%dma_wait3A_220, %dma_wait3A_221] : memref<10240x64xf32, #tpu.memory_space<vmem_shared>> -> memref<10240x64xf32, #tpu.memory_space<vmem_shared>>
      tpu.wait_indirect_dma semaphore(%run_scoped3A_210 : memref<!tpu.dma_semaphore, #tpu.memory_space<semaphore_mem>>) src(%arg10 : memref<128x64xf32, #tpu.memory_space<vmem>>) dst(%dma_wait3A_222 : memref<10240x64xf32, #tpu.memory_space<vmem_shared>>)
      tpu.yield
    }) : () -> ()
    %barrier3A_203 = arith.constant 0 : index
    tpu.barrier barrier_id(%barrier3A_203)
    %scan3A_204 = arith.constant 0 : i32
    %scan3A_205 = arith.constant 0 : i32
    %scan3A_206 = arith.constant 5 : i32
    %scan3A_207 = arith.addi %scan3A_205, %scan3A_206 : i32
    %scan3A_208 = arith.constant 1 : i32
    scf.for %scan3A_210 = %scan3A_205 to %scan3A_207 step %scan3A_208  : i32 {
      %mul3A = arith.constant 640 : i32
      %mul3A_211 = arith.muli %arg1, %mul3A : i32
      %mul3A_212 = arith.constant 128 : i32
      %mul3A_213 = arith.muli %scan3A_210, %mul3A_212 : i32
      %add3A = arith.addi %mul3A_211, %mul3A_213 : i32
      "tpu.region"() ({
        %run_scoped3A_219 = tpu.sem_alloc : memref<!tpu.dma_semaphore, #tpu.memory_space<semaphore_mem>>
        %dma_start3A_220 = arith.constant 0 : i32
        %dma_start3A_221 = tpu.memref_slice %arg13[%add3A, %dma_start3A_220] : memref<10240x64xf32, #tpu.memory_space<vmem_shared>> -> memref<128x64xf32, #tpu.memory_space<vmem_shared>>
        %dma_start3A_222 = arith.constant 0 : i32
        %dma_start3A_223 = tpu.memref_slice %arg13[%add3A, %dma_start3A_222] : memref<10240x64xf32, #tpu.memory_space<vmem_shared>> -> memref<128x64xf32, #tpu.memory_space<vmem_shared>>
        tpu.enqueue_dma source(%dma_start3A_223 : memref<128x64xf32, #tpu.memory_space<vmem_shared>>) target(%arg12 : memref<128x64xf32, #tpu.memory_space<vmem>>) target_semaphore(%run_scoped3A_219 : memref<!tpu.dma_semaphore, #tpu.memory_space<semaphore_mem>>)
        %dma_wait3A_224 = arith.constant 0 : i32
        %dma_wait3A_225 = tpu.memref_slice %arg13[%add3A, %dma_wait3A_224] : memref<10240x64xf32, #tpu.memory_space<vmem_shared>> -> memref<128x64xf32, #tpu.memory_space<vmem_shared>>
        %dma_wait3A_226 = arith.constant 0 : i32
        %dma_wait3A_227 = tpu.memref_slice %arg13[%add3A, %dma_wait3A_226] : memref<10240x64xf32, #tpu.memory_space<vmem_shared>> -> memref<128x64xf32, #tpu.memory_space<vmem_shared>>
        tpu.wait_dma2 semaphore(%run_scoped3A_219 : memref<!tpu.dma_semaphore, #tpu.memory_space<semaphore_mem>>) src(%dma_wait3A_227 : memref<128x64xf32, #tpu.memory_space<vmem_shared>>) dst(%arg12 : memref<128x64xf32, #tpu.memory_space<vmem>>)
        tpu.yield
      }) : () -> ()
      %mul3A_214 = arith.constant 640 : i32
      %mul3A_215 = arith.muli %arg1, %mul3A_214 : i32
      %mul3A_216 = arith.constant 128 : i32
      %mul3A_217 = arith.muli %scan3A_210, %mul3A_216 : i32
      %add3A_218 = arith.addi %mul3A_215, %mul3A_217 : i32
      "tpu.region"() ({
        %run_scoped3A_219 = tpu.sem_alloc : memref<!tpu.dma_semaphore, #tpu.memory_space<semaphore_mem>>
        %dma_start3A_220 = arith.constant 0 : i32
        %dma_start3A_221 = tpu.memref_slice %arg5[%arg0, %add3A_218, %dma_start3A_220] : memref<2x10240x64xf32, #tpu.memory_space<hbm>> -> memref<1x128x64xf32, #tpu.memory_space<hbm>>
        %dma_start3A_222 = tpu.memref_squeeze %dma_start3A_221 : memref<1x128x64xf32, #tpu.memory_space<hbm>> -> memref<128x64xf32, #tpu.memory_space<hbm>>
        %dma_start3A_223 = arith.constant 0 : i32
        %dma_start3A_224 = tpu.memref_slice %arg5[%arg0, %add3A_218, %dma_start3A_223] : memref<2x10240x64xf32, #tpu.memory_space<hbm>> -> memref<1x128x64xf32, #tpu.memory_space<hbm>>
        %dma_start3A_225 = tpu.memref_squeeze %dma_start3A_224 : memref<1x128x64xf32, #tpu.memory_space<hbm>> -> memref<128x64xf32, #tpu.memory_space<hbm>>
        tpu.enqueue_dma source(%arg12 : memref<128x64xf32, #tpu.memory_space<vmem>>) target(%dma_start3A_225 : memref<128x64xf32, #tpu.memory_space<hbm>>) target_semaphore(%run_scoped3A_219 : memref<!tpu.dma_semaphore, #tpu.memory_space<semaphore_mem>>)
        %dma_wait3A_226 = arith.constant 0 : i32
        %dma_wait3A_227 = tpu.memref_slice %arg5[%arg0, %add3A_218, %dma_wait3A_226] : memref<2x10240x64xf32, #tpu.memory_space<hbm>> -> memref<1x128x64xf32, #tpu.memory_space<hbm>>
        %dma_wait3A_228 = tpu.memref_squeeze %dma_wait3A_227 : memref<1x128x64xf32, #tpu.memory_space<hbm>> -> memref<128x64xf32, #tpu.memory_space<hbm>>
        %dma_wait3A_229 = arith.constant 0 : i32
        %dma_wait3A_230 = tpu.memref_slice %arg5[%arg0, %add3A_218, %dma_wait3A_229] : memref<2x10240x64xf32, #tpu.memory_space<hbm>> -> memref<1x128x64xf32, #tpu.memory_space<hbm>>
        %dma_wait3A_231 = tpu.memref_squeeze %dma_wait3A_230 : memref<1x128x64xf32, #tpu.memory_space<hbm>> -> memref<128x64xf32, #tpu.memory_space<hbm>>
        tpu.wait_dma2 semaphore(%run_scoped3A_219 : memref<!tpu.dma_semaphore, #tpu.memory_space<semaphore_mem>>) src(%arg12 : memref<128x64xf32, #tpu.memory_space<vmem>>) dst(%dma_wait3A_231 : memref<128x64xf32, #tpu.memory_space<hbm>>)
        tpu.yield
      }) : () -> ()
    }
    %scan3A_209 = arith.constant 5 : i32
    return
  }
}

#map = affine_map<(d0, d1) -> (0, 0, 0, 0)>
#map1 = affine_map<(d0, d1) -> (0, 0)>
module attributes {stable_mosaic.version = 14 : i64} {
  func.func @_deg_kernel(%arg0: i32, %arg1: i32, %arg2: memref<2x16x625x16xi32, #tpu.memory_space<hbm>>, %arg3: memref<32x10240xf32, #tpu.memory_space<hbm>>, %arg4: memref<625x16xi32, #tpu.memory_space<vmem>>, %arg5: memref<10240xf32, #tpu.memory_space<vmem>>) attributes {dimension_semantics = [#tpu.dimension_semantics<core_parallel>, #tpu.dimension_semantics<subcore_parallel>], iteration_bounds = array<i64: 2, 16>, scalar_prefetch = 0 : i64, scratch_operands = 2 : i64, tpu.core_type = #tpu.core_type<sc_vector_subcore>, window_params = [{transform_indices = #map}, {transform_indices = #map1}]} {
    "tpu.region"() ({
      %run_scoped3A = tpu.sem_alloc : memref<!tpu.dma_semaphore, #tpu.memory_space<semaphore_mem>>
      %dma_start3A = arith.constant 0 : i32
      %dma_start3A_13 = arith.constant 0 : i32
      %dma_start3A_14 = tpu.memref_slice %arg2[%arg0, %arg1, %dma_start3A, %dma_start3A_13] : memref<2x16x625x16xi32, #tpu.memory_space<hbm>> -> memref<1x1x625x16xi32, #tpu.memory_space<hbm>>
      %dma_start3A_15 = tpu.memref_squeeze %dma_start3A_14 : memref<1x1x625x16xi32, #tpu.memory_space<hbm>> -> memref<625x16xi32, #tpu.memory_space<hbm>>
      %dma_start3A_16 = arith.constant 0 : i32
      %dma_start3A_17 = arith.constant 0 : i32
      %dma_start3A_18 = tpu.memref_slice %arg2[%arg0, %arg1, %dma_start3A_16, %dma_start3A_17] : memref<2x16x625x16xi32, #tpu.memory_space<hbm>> -> memref<1x1x625x16xi32, #tpu.memory_space<hbm>>
      %dma_start3A_19 = tpu.memref_squeeze %dma_start3A_18 : memref<1x1x625x16xi32, #tpu.memory_space<hbm>> -> memref<625x16xi32, #tpu.memory_space<hbm>>
      tpu.enqueue_dma source(%dma_start3A_19 : memref<625x16xi32, #tpu.memory_space<hbm>>) target(%arg4 : memref<625x16xi32, #tpu.memory_space<vmem>>) target_semaphore(%run_scoped3A : memref<!tpu.dma_semaphore, #tpu.memory_space<semaphore_mem>>)
      %dma_wait3A = arith.constant 0 : i32
      %dma_wait3A_20 = arith.constant 0 : i32
      %dma_wait3A_21 = tpu.memref_slice %arg2[%arg0, %arg1, %dma_wait3A, %dma_wait3A_20] : memref<2x16x625x16xi32, #tpu.memory_space<hbm>> -> memref<1x1x625x16xi32, #tpu.memory_space<hbm>>
      %dma_wait3A_22 = tpu.memref_squeeze %dma_wait3A_21 : memref<1x1x625x16xi32, #tpu.memory_space<hbm>> -> memref<625x16xi32, #tpu.memory_space<hbm>>
      %dma_wait3A_23 = arith.constant 0 : i32
      %dma_wait3A_24 = arith.constant 0 : i32
      %dma_wait3A_25 = tpu.memref_slice %arg2[%arg0, %arg1, %dma_wait3A_23, %dma_wait3A_24] : memref<2x16x625x16xi32, #tpu.memory_space<hbm>> -> memref<1x1x625x16xi32, #tpu.memory_space<hbm>>
      %dma_wait3A_26 = tpu.memref_squeeze %dma_wait3A_25 : memref<1x1x625x16xi32, #tpu.memory_space<hbm>> -> memref<625x16xi32, #tpu.memory_space<hbm>>
      tpu.wait_dma2 semaphore(%run_scoped3A : memref<!tpu.dma_semaphore, #tpu.memory_space<semaphore_mem>>) src(%dma_wait3A_26 : memref<625x16xi32, #tpu.memory_space<hbm>>) dst(%arg4 : memref<625x16xi32, #tpu.memory_space<vmem>>)
      tpu.yield
    }) : () -> ()
    %scan3A = arith.constant 0 : i32
    %scan3A_0 = arith.constant 0 : i32
    %scan3A_1 = arith.constant 640 : i32
    %scan3A_2 = arith.addi %scan3A_0, %scan3A_1 : i32
    %scan3A_3 = arith.constant 1 : i32
    scf.for %scan3A_13 = %scan3A_0 to %scan3A_2 step %scan3A_3  : i32 {
      %broadcast_in_dim3A_14 = arith.constant 0.000000e+00 : f32
      %broadcast_in_dim3A_15 = vector.broadcast %broadcast_in_dim3A_14 : f32 to vector<16xf32>
      %mul3A_16 = arith.constant 16 : i32
      %mul3A_17 = arith.muli %scan3A_13, %mul3A_16 : i32
      %swap3A = arith.index_cast %mul3A_17 : i32 to index
      %swap3A_18 = tpu.vector_load %arg5[%swap3A] {strides = array<i32>} : memref<10240xf32, #tpu.memory_space<vmem>>, vector<16xf32>,
      tpu.vector_store %arg5[%swap3A], %broadcast_in_dim3A_15 {strides = array<i32>} : memref<10240xf32, #tpu.memory_space<vmem>>, vector<16xf32>,
    }
    %scan3A_4 = arith.constant 640 : i32
    %broadcast_in_dim3A = arith.constant 1.000000e+00 : f32
    %broadcast_in_dim3A_5 = vector.broadcast %broadcast_in_dim3A : f32 to vector<16xf32>
    %scan3A_6 = arith.constant 0 : i32
    %scan3A_7 = arith.constant 0 : i32
    %scan3A_8 = arith.constant 625 : i32
    %scan3A_9 = arith.addi %scan3A_7, %scan3A_8 : i32
    %scan3A_10 = arith.constant 1 : i32
    scf.for %scan3A_13 = %scan3A_7 to %scan3A_9 step %scan3A_10  : i32 {
      %get3A = arith.index_cast %scan3A_13 : i32 to index
      %get3A_14 = arith.constant 0 : index
      %get3A_15 = tpu.vector_load %arg4[%get3A, %get3A_14] {strides = array<i32>} : memref<625x16xi32, #tpu.memory_space<vmem>>, vector<16xi32>,
      tpu.vector_store_idx %arg5[%get3A_15], %broadcast_in_dim3A_5 {add = true} : memref<10240xf32, #tpu.memory_space<vmem>>[vector<16xi32>], vector<16xf32>,
    }
    %scan3A_11 = arith.constant 625 : i32
    %mul3A = arith.constant 16 : i32
    %mul3A_12 = arith.muli %arg0, %mul3A : i32
    %add3A = arith.addi %mul3A_12, %arg1 : i32
    "tpu.region"() ({
      %run_scoped3A = tpu.sem_alloc : memref<!tpu.dma_semaphore, #tpu.memory_space<semaphore_mem>>
      %dma_start3A = arith.constant 0 : i32
      %dma_start3A_13 = tpu.memref_slice %arg3[%add3A, %dma_start3A] : memref<32x10240xf32, #tpu.memory_space<hbm>> -> memref<1x10240xf32, #tpu.memory_space<hbm>>
      %dma_start3A_14 = tpu.memref_squeeze %dma_start3A_13 : memref<1x10240xf32, #tpu.memory_space<hbm>> -> memref<10240xf32, #tpu.memory_space<hbm>>
      %dma_start3A_15 = arith.constant 0 : i32
      %dma_start3A_16 = tpu.memref_slice %arg3[%add3A, %dma_start3A_15] : memref<32x10240xf32, #tpu.memory_space<hbm>> -> memref<1x10240xf32, #tpu.memory_space<hbm>>
      %dma_start3A_17 = tpu.memref_squeeze %dma_start3A_16 : memref<1x10240xf32, #tpu.memory_space<hbm>> -> memref<10240xf32, #tpu.memory_space<hbm>>
      tpu.enqueue_dma source(%arg5 : memref<10240xf32, #tpu.memory_space<vmem>>) target(%dma_start3A_17 : memref<10240xf32, #tpu.memory_space<hbm>>) target_semaphore(%run_scoped3A : memref<!tpu.dma_semaphore, #tpu.memory_space<semaphore_mem>>)
      %dma_wait3A = arith.constant 0 : i32
      %dma_wait3A_18 = tpu.memref_slice %arg3[%add3A, %dma_wait3A] : memref<32x10240xf32, #tpu.memory_space<hbm>> -> memref<1x10240xf32, #tpu.memory_space<hbm>>
      %dma_wait3A_19 = tpu.memref_squeeze %dma_wait3A_18 : memref<1x10240xf32, #tpu.memory_space<hbm>> -> memref<10240xf32, #tpu.memory_space<hbm>>
      %dma_wait3A_20 = arith.constant 0 : i32
      %dma_wait3A_21 = tpu.memref_slice %arg3[%add3A, %dma_wait3A_20] : memref<32x10240xf32, #tpu.memory_space<hbm>> -> memref<1x10240xf32, #tpu.memory_space<hbm>>
      %dma_wait3A_22 = tpu.memref_squeeze %dma_wait3A_21 : memref<1x10240xf32, #tpu.memory_space<hbm>> -> memref<10240xf32, #tpu.memory_space<hbm>>
      tpu.wait_dma2 semaphore(%run_scoped3A : memref<!tpu.dma_semaphore, #tpu.memory_space<semaphore_mem>>) src(%arg5 : memref<10240xf32, #tpu.memory_space<vmem>>) dst(%dma_wait3A_22 : memref<10240xf32, #tpu.memory_space<hbm>>)
      tpu.yield
    }) : () -> ()
    return
  }
}

#map = affine_map<(d0, d1) -> (0, 0)>
#map1 = affine_map<(d0, d1) -> (0, 0, 0, 0)>
#map2 = affine_map<(d0, d1) -> (0, 0, 0)>
module attributes {stable_mosaic.version = 14 : i64} {
  func.func @_agg_kernel(%arg0: i32, %arg1: i32, %arg2: memref<10000x64xf32, #tpu.memory_space<hbm>>, %arg3: memref<2x16x79x128xi32, #tpu.memory_space<hbm>>, %arg4: memref<2x16x79x128xi32, #tpu.memory_space<hbm>>, %arg5: memref<2x10240x64xf32, #tpu.memory_space<hbm>>, %arg6: memref<79x128xi32, #tpu.memory_space<vmem>>, %arg7: memref<79x128xi32, #tpu.memory_space<vmem>>, %arg8: memref<2x128xi32, #tpu.memory_space<vmem>>, %arg9: memref<2x128xi32, #tpu.memory_space<vmem>>, %arg10: memref<128x64xf32, #tpu.memory_space<vmem>>, %arg11: memref<128x64xf32, #tpu.memory_space<vmem>>, %arg12: memref<128x64xf32, #tpu.memory_space<vmem>>, %arg13: memref<10240x64xf32, #tpu.memory_space<vmem_shared>>, %arg14: memref<!tpu.dma_semaphore, #tpu.memory_space<semaphore_mem>>, %arg15: memref<!tpu.dma_semaphore, #tpu.memory_space<semaphore_mem>>) attributes {dimension_semantics = [#tpu.dimension_semantics<core_parallel>, #tpu.dimension_semantics<subcore_parallel>], iteration_bounds = array<i64: 2, 16>, scalar_prefetch = 0 : i64, scratch_operands = 10 : i64, tpu.core_type = #tpu.core_type<sc_vector_subcore>, window_params = [{transform_indices = #map}, {transform_indices = #map1}, {transform_indices = #map1}, {transform_indices = #map2}]} {
    "tpu.region"() ({
      %run_scoped3A_210 = tpu.sem_alloc : memref<!tpu.dma_semaphore, #tpu.memory_space<semaphore_mem>>
      %dma_start3A_211 = arith.constant 0 : i32
      %dma_start3A_212 = arith.constant 0 : i32
      %dma_start3A_213 = tpu.memref_slice %arg3[%arg0, %arg1, %dma_start3A_211, %dma_start3A_212] : memref<2x16x79x128xi32, #tpu.memory_space<hbm>> -> memref<1x1x79x128xi32, #tpu.memory_space<hbm>>
      %dma_start3A_214 = tpu.memref_squeeze %dma_start3A_213 : memref<1x1x79x128xi32, #tpu.memory_space<hbm>> -> memref<79x128xi32, #tpu.memory_space<hbm>>
      %dma_start3A_215 = arith.constant 0 : i32
      %dma_start3A_216 = arith.constant 0 : i32
      %dma_start3A_217 = tpu.memref_slice %arg3[%arg0, %arg1, %dma_start3A_215, %dma_start3A_216] : memref<2x16x79x128xi32, #tpu.memory_space<hbm>> -> memref<1x1x79x128xi32, #tpu.memory_space<hbm>>
      %dma_start3A_218 = tpu.memref_squeeze %dma_start3A_217 : memref<1x1x79x128xi32, #tpu.memory_space<hbm>> -> memref<79x128xi32, #tpu.memory_space<hbm>>
      tpu.enqueue_dma source(%dma_start3A_218 : memref<79x128xi32, #tpu.memory_space<hbm>>) target(%arg6 : memref<79x128xi32, #tpu.memory_space<vmem>>) target_semaphore(%run_scoped3A_210 : memref<!tpu.dma_semaphore, #tpu.memory_space<semaphore_mem>>)
      %dma_wait3A_219 = arith.constant 0 : i32
      %dma_wait3A_220 = arith.constant 0 : i32
      %dma_wait3A_221 = tpu.memref_slice %arg3[%arg0, %arg1, %dma_wait3A_219, %dma_wait3A_220] : memref<2x16x79x128xi32, #tpu.memory_space<hbm>> -> memref<1x1x79x128xi32, #tpu.memory_space<hbm>>
      %dma_wait3A_222 = tpu.memref_squeeze %dma_wait3A_221 : memref<1x1x79x128xi32, #tpu.memory_space<hbm>> -> memref<79x128xi32, #tpu.memory_space<hbm>>
      %dma_wait3A_223 = arith.constant 0 : i32
      %dma_wait3A_224 = arith.constant 0 : i32
      %dma_wait3A_225 = tpu.memref_slice %arg3[%arg0, %arg1, %dma_wait3A_223, %dma_wait3A_224] : memref<2x16x79x128xi32, #tpu.memory_space<hbm>> -> memref<1x1x79x128xi32, #tpu.memory_space<hbm>>
      %dma_wait3A_226 = tpu.memref_squeeze %dma_wait3A_225 : memref<1x1x79x128xi32, #tpu.memory_space<hbm>> -> memref<79x128xi32, #tpu.memory_space<hbm>>
      tpu.wait_dma2 semaphore(%run_scoped3A_210 : memref<!tpu.dma_semaphore, #tpu.memory_space<semaphore_mem>>) src(%dma_wait3A_226 : memref<79x128xi32, #tpu.memory_space<hbm>>) dst(%arg6 : memref<79x128xi32, #tpu.memory_space<vmem>>)
      tpu.yield
    }) : () -> ()
    "tpu.region"() ({
      %run_scoped3A_210 = tpu.sem_alloc : memref<!tpu.dma_semaphore, #tpu.memory_space<semaphore_mem>>
      %dma_start3A_211 = arith.constant 0 : i32
      %dma_start3A_212 = arith.constant 0 : i32
      %dma_start3A_213 = tpu.memref_slice %arg4[%arg0, %arg1, %dma_start3A_211, %dma_start3A_212] : memref<2x16x79x128xi32, #tpu.memory_space<hbm>> -> memref<1x1x79x128xi32, #tpu.memory_space<hbm>>
      %dma_start3A_214 = tpu.memref_squeeze %dma_start3A_213 : memref<1x1x79x128xi32, #tpu.memory_space<hbm>> -> memref<79x128xi32, #tpu.memory_space<hbm>>
      %dma_start3A_215 = arith.constant 0 : i32
      %dma_start3A_216 = arith.constant 0 : i32
      %dma_start3A_217 = tpu.memref_slice %arg4[%arg0, %arg1, %dma_start3A_215, %dma_start3A_216] : memref<2x16x79x128xi32, #tpu.memory_space<hbm>> -> memref<1x1x79x128xi32, #tpu.memory_space<hbm>>
      %dma_start3A_218 = tpu.memref_squeeze %dma_start3A_217 : memref<1x1x79x128xi32, #tpu.memory_space<hbm>> -> memref<79x128xi32, #tpu.memory_space<hbm>>
      tpu.enqueue_dma source(%dma_start3A_218 : memref<79x128xi32, #tpu.memory_space<hbm>>) target(%arg7 : memref<79x128xi32, #tpu.memory_space<vmem>>) target_semaphore(%run_scoped3A_210 : memref<!tpu.dma_semaphore, #tpu.memory_space<semaphore_mem>>)
      %dma_wait3A_219 = arith.constant 0 : i32
      %dma_wait3A_220 = arith.constant 0 : i32
      %dma_wait3A_221 = tpu.memref_slice %arg4[%arg0, %arg1, %dma_wait3A_219, %dma_wait3A_220] : memref<2x16x79x128xi32, #tpu.memory_space<hbm>> -> memref<1x1x79x128xi32, #tpu.memory_space<hbm>>
      %dma_wait3A_222 = tpu.memref_squeeze %dma_wait3A_221 : memref<1x1x79x128xi32, #tpu.memory_space<hbm>> -> memref<79x128xi32, #tpu.memory_space<hbm>>
      %dma_wait3A_223 = arith.constant 0 : i32
      %dma_wait3A_224 = arith.constant 0 : i32
      %dma_wait3A_225 = tpu.memref_slice %arg4[%arg0, %arg1, %dma_wait3A_223, %dma_wait3A_224] : memref<2x16x79x128xi32, #tpu.memory_space<hbm>> -> memref<1x1x79x128xi32, #tpu.memory_space<hbm>>
      %dma_wait3A_226 = tpu.memref_squeeze %dma_wait3A_225 : memref<1x1x79x128xi32, #tpu.memory_space<hbm>> -> memref<79x128xi32, #tpu.memory_space<hbm>>
      tpu.wait_dma2 semaphore(%run_scoped3A_210 : memref<!tpu.dma_semaphore, #tpu.memory_space<semaphore_mem>>) src(%dma_wait3A_226 : memref<79x128xi32, #tpu.memory_space<hbm>>) dst(%arg7 : memref<79x128xi32, #tpu.memory_space<vmem>>)
      tpu.yield
    }) : () -> ()
    %scan3A = arith.constant 0 : i32
    %scan3A_0 = arith.constant 0 : i32
    %scan3A_1 = arith.constant 128 : i32
    %scan3A_2 = arith.addi %scan3A_0, %scan3A_1 : i32
    %scan3A_3 = arith.constant 1 : i32
    scf.for %scan3A_210 = %scan3A_0 to %scan3A_2 step %scan3A_3  : i32 {
      %broadcast_in_dim3A = arith.constant 0.000000e+00 : f32
      %broadcast_in_dim3A_211 = vector.broadcast %broadcast_in_dim3A : f32 to vector<16xf32>
      %swap3A_212 = arith.index_cast %scan3A_210 : i32 to index
      %swap3A_213 = arith.constant 0 : index
      %swap3A_214 = tpu.vector_load %arg12[%swap3A_212, %swap3A_213] {strides = array<i32>} : memref<128x64xf32, #tpu.memory_space<vmem>>, vector<1x16xf32>,
      %swap3A_215 = vector.shape_cast %swap3A_214 : vector<1x16xf32> to vector<16xf32>
      %swap3A_216 = vector.shape_cast %broadcast_in_dim3A_211 : vector<16xf32> to vector<1x16xf32>
      tpu.vector_store %arg12[%swap3A_212, %swap3A_213], %swap3A_216 {strides = array<i32>} : memref<128x64xf32, #tpu.memory_space<vmem>>, vector<1x16xf32>,
      %broadcast_in_dim3A_217 = arith.constant 0.000000e+00 : f32
      %broadcast_in_dim3A_218 = vector.broadcast %broadcast_in_dim3A_217 : f32 to vector<16xf32>
      %swap3A_219 = arith.index_cast %scan3A_210 : i32 to index
      %swap3A_220 = arith.constant 16 : index
      %swap3A_221 = tpu.vector_load %arg12[%swap3A_219, %swap3A_220] {strides = array<i32>} : memref<128x64xf32, #tpu.memory_space<vmem>>, vector<1x16xf32>,
      %swap3A_222 = vector.shape_cast %swap3A_221 : vector<1x16xf32> to vector<16xf32>
      %swap3A_223 = vector.shape_cast %broadcast_in_dim3A_218 : vector<16xf32> to vector<1x16xf32>
      tpu.vector_store %arg12[%swap3A_219, %swap3A_220], %swap3A_223 {strides = array<i32>} : memref<128x64xf32, #tpu.memory_space<vmem>>, vector<1x16xf32>,
      %broadcast_in_dim3A_224 = arith.constant 0.000000e+00 : f32
      %broadcast_in_dim3A_225 = vector.broadcast %broadcast_in_dim3A_224 : f32 to vector<16xf32>
      %swap3A_226 = arith.index_cast %scan3A_210 : i32 to index
      %swap3A_227 = arith.constant 32 : index
      %swap3A_228 = tpu.vector_load %arg12[%swap3A_226, %swap3A_227] {strides = array<i32>} : memref<128x64xf32, #tpu.memory_space<vmem>>, vector<1x16xf32>,
      %swap3A_229 = vector.shape_cast %swap3A_228 : vector<1x16xf32> to vector<16xf32>
      %swap3A_230 = vector.shape_cast %broadcast_in_dim3A_225 : vector<16xf32> to vector<1x16xf32>
      tpu.vector_store %arg12[%swap3A_226, %swap3A_227], %swap3A_230 {strides = array<i32>} : memref<128x64xf32, #tpu.memory_space<vmem>>, vector<1x16xf32>,
      %broadcast_in_dim3A_231 = arith.constant 0.000000e+00 : f32
      %broadcast_in_dim3A_232 = vector.broadcast %broadcast_in_dim3A_231 : f32 to vector<16xf32>
      %swap3A_233 = arith.index_cast %scan3A_210 : i32 to index
      %swap3A_234 = arith.constant 48 : index
      %swap3A_235 = tpu.vector_load %arg12[%swap3A_233, %swap3A_234] {strides = array<i32>} : memref<128x64xf32, #tpu.memory_space<vmem>>, vector<1x16xf32>,
      %swap3A_236 = vector.shape_cast %swap3A_235 : vector<1x16xf32> to vector<16xf32>
      %swap3A_237 = vector.shape_cast %broadcast_in_dim3A_232 : vector<16xf32> to vector<1x16xf32>
      tpu.vector_store %arg12[%swap3A_233, %swap3A_234], %swap3A_237 {strides = array<i32>} : memref<128x64xf32, #tpu.memory_space<vmem>>, vector<1x16xf32>,
    }
    %scan3A_4 = arith.constant 128 : i32
    %scan3A_5 = arith.constant 0 : i32
    %scan3A_6 = arith.constant 0 : i32
    %scan3A_7 = arith.constant 5 : i32
    %scan3A_8 = arith.addi %scan3A_6, %scan3A_7 : i32
    %scan3A_9 = arith.constant 1 : i32
    scf.for %scan3A_210 = %scan3A_6 to %scan3A_8 step %scan3A_9  : i32 {
      %mul3A = arith.constant 640 : i32
      %mul3A_211 = arith.muli %arg1, %mul3A : i32
      %mul3A_212 = arith.constant 128 : i32
      %mul3A_213 = arith.muli %scan3A_210, %mul3A_212 : i32
      %add3A = arith.addi %mul3A_211, %mul3A_213 : i32
      "tpu.region"() ({
        %run_scoped3A_214 = tpu.sem_alloc : memref<!tpu.dma_semaphore, #tpu.memory_space<semaphore_mem>>
        %dma_start3A_215 = arith.constant 0 : i32
        %dma_start3A_216 = tpu.memref_slice %arg13[%add3A, %dma_start3A_215] : memref<10240x64xf32, #tpu.memory_space<vmem_shared>> -> memref<128x64xf32, #tpu.memory_space<vmem_shared>>
        %dma_start3A_217 = arith.constant 0 : i32
        %dma_start3A_218 = tpu.memref_slice %arg13[%add3A, %dma_start3A_217] : memref<10240x64xf32, #tpu.memory_space<vmem_shared>> -> memref<128x64xf32, #tpu.memory_space<vmem_shared>>
        tpu.enqueue_dma source(%arg12 : memref<128x64xf32, #tpu.memory_space<vmem>>) target(%dma_start3A_218 : memref<128x64xf32, #tpu.memory_space<vmem_shared>>) target_semaphore(%run_scoped3A_214 : memref<!tpu.dma_semaphore, #tpu.memory_space<semaphore_mem>>)
        %dma_wait3A_219 = arith.constant 0 : i32
        %dma_wait3A_220 = tpu.memref_slice %arg13[%add3A, %dma_wait3A_219] : memref<10240x64xf32, #tpu.memory_space<vmem_shared>> -> memref<128x64xf32, #tpu.memory_space<vmem_shared>>
        %dma_wait3A_221 = arith.constant 0 : i32
        %dma_wait3A_222 = tpu.memref_slice %arg13[%add3A, %dma_wait3A_221] : memref<10240x64xf32, #tpu.memory_space<vmem_shared>> -> memref<128x64xf32, #tpu.memory_space<vmem_shared>>
        tpu.wait_dma2 semaphore(%run_scoped3A_214 : memref<!tpu.dma_semaphore, #tpu.memory_space<semaphore_mem>>) src(%arg12 : memref<128x64xf32, #tpu.memory_space<vmem>>) dst(%dma_wait3A_222 : memref<128x64xf32, #tpu.memory_space<vmem_shared>>)
        tpu.yield
      }) : () -> ()
    }
    %scan3A_10 = arith.constant 5 : i32
    %barrier3A = arith.constant 0 : index
    tpu.barrier barrier_id(%barrier3A)
    %get3A = arith.constant 0 : i32
    %get3A_11 = arith.index_cast %get3A : i32 to index
    %get3A_12 = arith.constant 0 : index
    %get3A_13 = tpu.vector_load %arg6[%get3A_11, %get3A_12] {strides = array<i32>} : memref<79x128xi32, #tpu.memory_space<vmem>>, vector<1x16xi32>,
    %get3A_14 = vector.shape_cast %get3A_13 : vector<1x16xi32> to vector<16xi32>
    %swap3A = arith.constant 0 : i32
    %swap3A_15 = arith.index_cast %swap3A : i32 to index
    %swap3A_16 = arith.constant 0 : index
    %swap3A_17 = tpu.vector_load %arg8[%swap3A_15, %swap3A_16] {strides = array<i32>} : memref<2x128xi32, #tpu.memory_space<vmem>>, vector<1x16xi32>,
    %swap3A_18 = vector.shape_cast %swap3A_17 : vector<1x16xi32> to vector<16xi32>
    %swap3A_19 = vector.shape_cast %get3A_14 : vector<16xi32> to vector<1x16xi32>
    tpu.vector_store %arg8[%swap3A_15, %swap3A_16], %swap3A_19 {strides = array<i32>} : memref<2x128xi32, #tpu.memory_space<vmem>>, vector<1x16xi32>,
    %get3A_20 = arith.constant 0 : i32
    %get3A_21 = arith.index_cast %get3A_20 : i32 to index
    %get3A_22 = arith.constant 0 : index
    %get3A_23 = tpu.vector_load %arg7[%get3A_21, %get3A_22] {strides = array<i32>} : memref<79x128xi32, #tpu.memory_space<vmem>>, vector<1x16xi32>,
    %get3A_24 = vector.shape_cast %get3A_23 : vector<1x16xi32> to vector<16xi32>
    %swap3A_25 = arith.constant 0 : i32
    %swap3A_26 = arith.index_cast %swap3A_25 : i32 to index
    %swap3A_27 = arith.constant 0 : index
    %swap3A_28 = tpu.vector_load %arg9[%swap3A_26, %swap3A_27] {strides = array<i32>} : memref<2x128xi32, #tpu.memory_space<vmem>>, vector<1x16xi32>,
    %swap3A_29 = vector.shape_cast %swap3A_28 : vector<1x16xi32> to vector<16xi32>
    %swap3A_30 = vector.shape_cast %get3A_24 : vector<16xi32> to vector<1x16xi32>
    tpu.vector_store %arg9[%swap3A_26, %swap3A_27], %swap3A_30 {strides = array<i32>} : memref<2x128xi32, #tpu.memory_space<vmem>>, vector<1x16xi32>,
    %get3A_31 = arith.constant 0 : i32
    %get3A_32 = arith.index_cast %get3A_31 : i32 to index
    %get3A_33 = arith.constant 16 : index
    %get3A_34 = tpu.vector_load %arg6[%get3A_32, %get3A_33] {strides = array<i32>} : memref<79x128xi32, #tpu.memory_space<vmem>>, vector<1x16xi32>,
    %get3A_35 = vector.shape_cast %get3A_34 : vector<1x16xi32> to vector<16xi32>
    %swap3A_36 = arith.constant 0 : i32
    %swap3A_37 = arith.index_cast %swap3A_36 : i32 to index
    %swap3A_38 = arith.constant 16 : index
    %swap3A_39 = tpu.vector_load %arg8[%swap3A_37, %swap3A_38] {strides = array<i32>} : memref<2x128xi32, #tpu.memory_space<vmem>>, vector<1x16xi32>,
    %swap3A_40 = vector.shape_cast %swap3A_39 : vector<1x16xi32> to vector<16xi32>
    %swap3A_41 = vector.shape_cast %get3A_35 : vector<16xi32> to vector<1x16xi32>
    tpu.vector_store %arg8[%swap3A_37, %swap3A_38], %swap3A_41 {strides = array<i32>} : memref<2x128xi32, #tpu.memory_space<vmem>>, vector<1x16xi32>,
    %get3A_42 = arith.constant 0 : i32
    %get3A_43 = arith.index_cast %get3A_42 : i32 to index
    %get3A_44 = arith.constant 16 : index
    %get3A_45 = tpu.vector_load %arg7[%get3A_43, %get3A_44] {strides = array<i32>} : memref<79x128xi32, #tpu.memory_space<vmem>>, vector<1x16xi32>,
    %get3A_46 = vector.shape_cast %get3A_45 : vector<1x16xi32> to vector<16xi32>
    %swap3A_47 = arith.constant 0 : i32
    %swap3A_48 = arith.index_cast %swap3A_47 : i32 to index
    %swap3A_49 = arith.constant 16 : index
    %swap3A_50 = tpu.vector_load %arg9[%swap3A_48, %swap3A_49] {strides = array<i32>} : memref<2x128xi32, #tpu.memory_space<vmem>>, vector<1x16xi32>,
    %swap3A_51 = vector.shape_cast %swap3A_50 : vector<1x16xi32> to vector<16xi32>
    %swap3A_52 = vector.shape_cast %get3A_46 : vector<16xi32> to vector<1x16xi32>
    tpu.vector_store %arg9[%swap3A_48, %swap3A_49], %swap3A_52 {strides = array<i32>} : memref<2x128xi32, #tpu.memory_space<vmem>>, vector<1x16xi32>,
    %get3A_53 = arith.constant 0 : i32
    %get3A_54 = arith.index_cast %get3A_53 : i32 to index
    %get3A_55 = arith.constant 32 : index
    %get3A_56 = tpu.vector_load %arg6[%get3A_54, %get3A_55] {strides = array<i32>} : memref<79x128xi32, #tpu.memory_space<vmem>>, vector<1x16xi32>,
    %get3A_57 = vector.shape_cast %get3A_56 : vector<1x16xi32> to vector<16xi32>
    %swap3A_58 = arith.constant 0 : i32
    %swap3A_59 = arith.index_cast %swap3A_58 : i32 to index
    %swap3A_60 = arith.constant 32 : index
    %swap3A_61 = tpu.vector_load %arg8[%swap3A_59, %swap3A_60] {strides = array<i32>} : memref<2x128xi32, #tpu.memory_space<vmem>>, vector<1x16xi32>,
    %swap3A_62 = vector.shape_cast %swap3A_61 : vector<1x16xi32> to vector<16xi32>
    %swap3A_63 = vector.shape_cast %get3A_57 : vector<16xi32> to vector<1x16xi32>
    tpu.vector_store %arg8[%swap3A_59, %swap3A_60], %swap3A_63 {strides = array<i32>} : memref<2x128xi32, #tpu.memory_space<vmem>>, vector<1x16xi32>,
    %get3A_64 = arith.constant 0 : i32
    %get3A_65 = arith.index_cast %get3A_64 : i32 to index
    %get3A_66 = arith.constant 32 : index
    %get3A_67 = tpu.vector_load %arg7[%get3A_65, %get3A_66] {strides = array<i32>} : memref<79x128xi32, #tpu.memory_space<vmem>>, vector<1x16xi32>,
    %get3A_68 = vector.shape_cast %get3A_67 : vector<1x16xi32> to vector<16xi32>
    %swap3A_69 = arith.constant 0 : i32
    %swap3A_70 = arith.index_cast %swap3A_69 : i32 to index
    %swap3A_71 = arith.constant 32 : index
    %swap3A_72 = tpu.vector_load %arg9[%swap3A_70, %swap3A_71] {strides = array<i32>} : memref<2x128xi32, #tpu.memory_space<vmem>>, vector<1x16xi32>,
    %swap3A_73 = vector.shape_cast %swap3A_72 : vector<1x16xi32> to vector<16xi32>
    %swap3A_74 = vector.shape_cast %get3A_68 : vector<16xi32> to vector<1x16xi32>
    tpu.vector_store %arg9[%swap3A_70, %swap3A_71], %swap3A_74 {strides = array<i32>} : memref<2x128xi32, #tpu.memory_space<vmem>>, vector<1x16xi32>,
    %get3A_75 = arith.constant 0 : i32
    %get3A_76 = arith.index_cast %get3A_75 : i32 to index
    %get3A_77 = arith.constant 48 : index
    %get3A_78 = tpu.vector_load %arg6[%get3A_76, %get3A_77] {strides = array<i32>} : memref<79x128xi32, #tpu.memory_space<vmem>>, vector<1x16xi32>,
    %get3A_79 = vector.shape_cast %get3A_78 : vector<1x16xi32> to vector<16xi32>
    %swap3A_80 = arith.constant 0 : i32
    %swap3A_81 = arith.index_cast %swap3A_80 : i32 to index
    %swap3A_82 = arith.constant 48 : index
    %swap3A_83 = tpu.vector_load %arg8[%swap3A_81, %swap3A_82] {strides = array<i32>} : memref<2x128xi32, #tpu.memory_space<vmem>>, vector<1x16xi32>,
    %swap3A_84 = vector.shape_cast %swap3A_83 : vector<1x16xi32> to vector<16xi32>
    %swap3A_85 = vector.shape_cast %get3A_79 : vector<16xi32> to vector<1x16xi32>
    tpu.vector_store %arg8[%swap3A_81, %swap3A_82], %swap3A_85 {strides = array<i32>} : memref<2x128xi32, #tpu.memory_space<vmem>>, vector<1x16xi32>,
    %get3A_86 = arith.constant 0 : i32
    %get3A_87 = arith.index_cast %get3A_86 : i32 to index
    %get3A_88 = arith.constant 48 : index
    %get3A_89 = tpu.vector_load %arg7[%get3A_87, %get3A_88] {strides = array<i32>} : memref<79x128xi32, #tpu.memory_space<vmem>>, vector<1x16xi32>,
    %get3A_90 = vector.shape_cast %get3A_89 : vector<1x16xi32> to vector<16xi32>
    %swap3A_91 = arith.constant 0 : i32
    %swap3A_92 = arith.index_cast %swap3A_91 : i32 to index
    %swap3A_93 = arith.constant 48 : index
    %swap3A_94 = tpu.vector_load %arg9[%swap3A_92, %swap3A_93] {strides = array<i32>} : memref<2x128xi32, #tpu.memory_space<vmem>>, vector<1x16xi32>,
    %swap3A_95 = vector.shape_cast %swap3A_94 : vector<1x16xi32> to vector<16xi32>
    %swap3A_96 = vector.shape_cast %get3A_90 : vector<16xi32> to vector<1x16xi32>
    tpu.vector_store %arg9[%swap3A_92, %swap3A_93], %swap3A_96 {strides = array<i32>} : memref<2x128xi32, #tpu.memory_space<vmem>>, vector<1x16xi32>,
    %get3A_97 = arith.constant 0 : i32
    %get3A_98 = arith.index_cast %get3A_97 : i32 to index
    %get3A_99 = arith.constant 64 : index
    %get3A_100 = tpu.vector_load %arg6[%get3A_98, %get3A_99] {strides = array<i32>} : memref<79x128xi32, #tpu.memory_space<vmem>>, vector<1x16xi32>,
    %get3A_101 = vector.shape_cast %get3A_100 : vector<1x16xi32> to vector<16xi32>
    %swap3A_102 = arith.constant 0 : i32
    %swap3A_103 = arith.index_cast %swap3A_102 : i32 to index
    %swap3A_104 = arith.constant 64 : index
    %swap3A_105 = tpu.vector_load %arg8[%swap3A_103, %swap3A_104] {strides = array<i32>} : memref<2x128xi32, #tpu.memory_space<vmem>>, vector<1x16xi32>,
    %swap3A_106 = vector.shape_cast %swap3A_105 : vector<1x16xi32> to vector<16xi32>
    %swap3A_107 = vector.shape_cast %get3A_101 : vector<16xi32> to vector<1x16xi32>
    tpu.vector_store %arg8[%swap3A_103, %swap3A_104], %swap3A_107 {strides = array<i32>} : memref<2x128xi32, #tpu.memory_space<vmem>>, vector<1x16xi32>,
    %get3A_108 = arith.constant 0 : i32
    %get3A_109 = arith.index_cast %get3A_108 : i32 to index
    %get3A_110 = arith.constant 64 : index
    %get3A_111 = tpu.vector_load %arg7[%get3A_109, %get3A_110] {strides = array<i32>} : memref<79x128xi32, #tpu.memory_space<vmem>>, vector<1x16xi32>,
    %get3A_112 = vector.shape_cast %get3A_111 : vector<1x16xi32> to vector<16xi32>
    %swap3A_113 = arith.constant 0 : i32
    %swap3A_114 = arith.index_cast %swap3A_113 : i32 to index
    %swap3A_115 = arith.constant 64 : index
    %swap3A_116 = tpu.vector_load %arg9[%swap3A_114, %swap3A_115] {strides = array<i32>} : memref<2x128xi32, #tpu.memory_space<vmem>>, vector<1x16xi32>,
    %swap3A_117 = vector.shape_cast %swap3A_116 : vector<1x16xi32> to vector<16xi32>
    %swap3A_118 = vector.shape_cast %get3A_112 : vector<16xi32> to vector<1x16xi32>
    tpu.vector_store %arg9[%swap3A_114, %swap3A_115], %swap3A_118 {strides = array<i32>} : memref<2x128xi32, #tpu.memory_space<vmem>>, vector<1x16xi32>,
    %get3A_119 = arith.constant 0 : i32
    %get3A_120 = arith.index_cast %get3A_119 : i32 to index
    %get3A_121 = arith.constant 80 : index
    %get3A_122 = tpu.vector_load %arg6[%get3A_120, %get3A_121] {strides = array<i32>} : memref<79x128xi32, #tpu.memory_space<vmem>>, vector<1x16xi32>,
    %get3A_123 = vector.shape_cast %get3A_122 : vector<1x16xi32> to vector<16xi32>
    %swap3A_124 = arith.constant 0 : i32
    %swap3A_125 = arith.index_cast %swap3A_124 : i32 to index
    %swap3A_126 = arith.constant 80 : index
    %swap3A_127 = tpu.vector_load %arg8[%swap3A_125, %swap3A_126] {strides = array<i32>} : memref<2x128xi32, #tpu.memory_space<vmem>>, vector<1x16xi32>,
    %swap3A_128 = vector.shape_cast %swap3A_127 : vector<1x16xi32> to vector<16xi32>
    %swap3A_129 = vector.shape_cast %get3A_123 : vector<16xi32> to vector<1x16xi32>
    tpu.vector_store %arg8[%swap3A_125, %swap3A_126], %swap3A_129 {strides = array<i32>} : memref<2x128xi32, #tpu.memory_space<vmem>>, vector<1x16xi32>,
    %get3A_130 = arith.constant 0 : i32
    %get3A_131 = arith.index_cast %get3A_130 : i32 to index
    %get3A_132 = arith.constant 80 : index
    %get3A_133 = tpu.vector_load %arg7[%get3A_131, %get3A_132] {strides = array<i32>} : memref<79x128xi32, #tpu.memory_space<vmem>>, vector<1x16xi32>,
    %get3A_134 = vector.shape_cast %get3A_133 : vector<1x16xi32> to vector<16xi32>
    %swap3A_135 = arith.constant 0 : i32
    %swap3A_136 = arith.index_cast %swap3A_135 : i32 to index
    %swap3A_137 = arith.constant 80 : index
    %swap3A_138 = tpu.vector_load %arg9[%swap3A_136, %swap3A_137] {strides = array<i32>} : memref<2x128xi32, #tpu.memory_space<vmem>>, vector<1x16xi32>,
    %swap3A_139 = vector.shape_cast %swap3A_138 : vector<1x16xi32> to vector<16xi32>
    %swap3A_140 = vector.shape_cast %get3A_134 : vector<16xi32> to vector<1x16xi32>
    tpu.vector_store %arg9[%swap3A_136, %swap3A_137], %swap3A_140 {strides = array<i32>} : memref<2x128xi32, #tpu.memory_space<vmem>>, vector<1x16xi32>,
    %get3A_141 = arith.constant 0 : i32
    %get3A_142 = arith.index_cast %get3A_141 : i32 to index
    %get3A_143 = arith.constant 96 : index
    %get3A_144 = tpu.vector_load %arg6[%get3A_142, %get3A_143] {strides = array<i32>} : memref<79x128xi32, #tpu.memory_space<vmem>>, vector<1x16xi32>,
    %get3A_145 = vector.shape_cast %get3A_144 : vector<1x16xi32> to vector<16xi32>
    %swap3A_146 = arith.constant 0 : i32
    %swap3A_147 = arith.index_cast %swap3A_146 : i32 to index
    %swap3A_148 = arith.constant 96 : index
    %swap3A_149 = tpu.vector_load %arg8[%swap3A_147, %swap3A_148] {strides = array<i32>} : memref<2x128xi32, #tpu.memory_space<vmem>>, vector<1x16xi32>,
    %swap3A_150 = vector.shape_cast %swap3A_149 : vector<1x16xi32> to vector<16xi32>
    %swap3A_151 = vector.shape_cast %get3A_145 : vector<16xi32> to vector<1x16xi32>
    tpu.vector_store %arg8[%swap3A_147, %swap3A_148], %swap3A_151 {strides = array<i32>} : memref<2x128xi32, #tpu.memory_space<vmem>>, vector<1x16xi32>,
    %get3A_152 = arith.constant 0 : i32
    %get3A_153 = arith.index_cast %get3A_152 : i32 to index
    %get3A_154 = arith.constant 96 : index
    %get3A_155 = tpu.vector_load %arg7[%get3A_153, %get3A_154] {strides = array<i32>} : memref<79x128xi32, #tpu.memory_space<vmem>>, vector<1x16xi32>,
    %get3A_156 = vector.shape_cast %get3A_155 : vector<1x16xi32> to vector<16xi32>
    %swap3A_157 = arith.constant 0 : i32
    %swap3A_158 = arith.index_cast %swap3A_157 : i32 to index
    %swap3A_159 = arith.constant 96 : index
    %swap3A_160 = tpu.vector_load %arg9[%swap3A_158, %swap3A_159] {strides = array<i32>} : memref<2x128xi32, #tpu.memory_space<vmem>>, vector<1x16xi32>,
    %swap3A_161 = vector.shape_cast %swap3A_160 : vector<1x16xi32> to vector<16xi32>
    %swap3A_162 = vector.shape_cast %get3A_156 : vector<16xi32> to vector<1x16xi32>
    tpu.vector_store %arg9[%swap3A_158, %swap3A_159], %swap3A_162 {strides = array<i32>} : memref<2x128xi32, #tpu.memory_space<vmem>>, vector<1x16xi32>,
    %get3A_163 = arith.constant 0 : i32
    %get3A_164 = arith.index_cast %get3A_163 : i32 to index
    %get3A_165 = arith.constant 112 : index
    %get3A_166 = tpu.vector_load %arg6[%get3A_164, %get3A_165] {strides = array<i32>} : memref<79x128xi32, #tpu.memory_space<vmem>>, vector<1x16xi32>,
    %get3A_167 = vector.shape_cast %get3A_166 : vector<1x16xi32> to vector<16xi32>
    %swap3A_168 = arith.constant 0 : i32
    %swap3A_169 = arith.index_cast %swap3A_168 : i32 to index
    %swap3A_170 = arith.constant 112 : index
    %swap3A_171 = tpu.vector_load %arg8[%swap3A_169, %swap3A_170] {strides = array<i32>} : memref<2x128xi32, #tpu.memory_space<vmem>>, vector<1x16xi32>,
    %swap3A_172 = vector.shape_cast %swap3A_171 : vector<1x16xi32> to vector<16xi32>
    %swap3A_173 = vector.shape_cast %get3A_167 : vector<16xi32> to vector<1x16xi32>
    tpu.vector_store %arg8[%swap3A_169, %swap3A_170], %swap3A_173 {strides = array<i32>} : memref<2x128xi32, #tpu.memory_space<vmem>>, vector<1x16xi32>,
    %get3A_174 = arith.constant 0 : i32
    %get3A_175 = arith.index_cast %get3A_174 : i32 to index
    %get3A_176 = arith.constant 112 : index
    %get3A_177 = tpu.vector_load %arg7[%get3A_175, %get3A_176] {strides = array<i32>} : memref<79x128xi32, #tpu.memory_space<vmem>>, vector<1x16xi32>,
    %get3A_178 = vector.shape_cast %get3A_177 : vector<1x16xi32> to vector<16xi32>
    %swap3A_179 = arith.constant 0 : i32
    %swap3A_180 = arith.index_cast %swap3A_179 : i32 to index
    %swap3A_181 = arith.constant 112 : index
    %swap3A_182 = tpu.vector_load %arg9[%swap3A_180, %swap3A_181] {strides = array<i32>} : memref<2x128xi32, #tpu.memory_space<vmem>>, vector<1x16xi32>,
    %swap3A_183 = vector.shape_cast %swap3A_182 : vector<1x16xi32> to vector<16xi32>
    %swap3A_184 = vector.shape_cast %get3A_178 : vector<16xi32> to vector<1x16xi32>
    tpu.vector_store %arg9[%swap3A_180, %swap3A_181], %swap3A_184 {strides = array<i32>} : memref<2x128xi32, #tpu.memory_space<vmem>>, vector<1x16xi32>,
    %dma_start3A = arith.constant 0 : i32
    %dma_start3A_185 = arith.constant 0 : i32
    %dma_start3A_186 = tpu.memref_slice %arg8[%dma_start3A, %dma_start3A_185] : memref<2x128xi32, #tpu.memory_space<vmem>> -> memref<1x128xi32, #tpu.memory_space<vmem>>
    %dma_start3A_187 = tpu.memref_squeeze %dma_start3A_186 : memref<1x128xi32, #tpu.memory_space<vmem>> -> memref<128xi32, #tpu.memory_space<vmem>>
    %dma_start3A_188 = arith.constant 0 : i32
    %dma_start3A_189 = arith.constant 0 : i32
    %dma_start3A_190 = tpu.memref_slice %arg2[%dma_start3A_188, %dma_start3A_189] : memref<10000x64xf32, #tpu.memory_space<hbm>> -> memref<10000x64xf32, #tpu.memory_space<hbm>>
    tpu.enqueue_indirect_dma source(%dma_start3A_190 : memref<10000x64xf32, #tpu.memory_space<hbm>>) target(%arg10 : memref<128x64xf32, #tpu.memory_space<vmem>>) offsets(%dma_start3A_187 : memref<128xi32, #tpu.memory_space<vmem>>) semaphore(%arg14 : memref<!tpu.dma_semaphore, #tpu.memory_space<semaphore_mem>>)
    %scan3A_191 = arith.constant 0 : i32
    %scan3A_192 = arith.constant 0 : i32
    %scan3A_193 = arith.constant 39 : i32
    %scan3A_194 = arith.addi %scan3A_192, %scan3A_193 : i32
    %scan3A_195 = arith.constant 1 : i32
    scf.for %scan3A_210 = %scan3A_192 to %scan3A_194 step %scan3A_195  : i32 {
      %mul3A = arith.constant 2 : i32
      %mul3A_211 = arith.muli %mul3A, %scan3A_210 : i32
      %add3A = arith.constant 1 : i32
      %add3A_212 = arith.addi %mul3A_211, %add3A : i32
      %get3A_213 = arith.index_cast %add3A_212 : i32 to index
      %get3A_214 = arith.constant 0 : index
      %get3A_215 = tpu.vector_load %arg6[%get3A_213, %get3A_214] {strides = array<i32>} : memref<79x128xi32, #tpu.memory_space<vmem>>, vector<1x16xi32>,
      %get3A_216 = vector.shape_cast %get3A_215 : vector<1x16xi32> to vector<16xi32>
      %swap3A_217 = arith.constant 1 : i32
      %swap3A_218 = arith.index_cast %swap3A_217 : i32 to index
      %swap3A_219 = arith.constant 0 : index
      %swap3A_220 = tpu.vector_load %arg8[%swap3A_218, %swap3A_219] {strides = array<i32>} : memref<2x128xi32, #tpu.memory_space<vmem>>, vector<1x16xi32>,
      %swap3A_221 = vector.shape_cast %swap3A_220 : vector<1x16xi32> to vector<16xi32>
      %swap3A_222 = vector.shape_cast %get3A_216 : vector<16xi32> to vector<1x16xi32>
      tpu.vector_store %arg8[%swap3A_218, %swap3A_219], %swap3A_222 {strides = array<i32>} : memref<2x128xi32, #tpu.memory_space<vmem>>, vector<1x16xi32>,
      %get3A_223 = arith.index_cast %add3A_212 : i32 to index
      %get3A_224 = arith.constant 0 : index
      %get3A_225 = tpu.vector_load %arg7[%get3A_223, %get3A_224] {strides = array<i32>} : memref<79x128xi32, #tpu.memory_space<vmem>>, vector<1x16xi32>,
      %get3A_226 = vector.shape_cast %get3A_225 : vector<1x16xi32> to vector<16xi32>
      %swap3A_227 = arith.constant 1 : i32
      %swap3A_228 = arith.index_cast %swap3A_227 : i32 to index
      %swap3A_229 = arith.constant 0 : index
      %swap3A_230 = tpu.vector_load %arg9[%swap3A_228, %swap3A_229] {strides = array<i32>} : memref<2x128xi32, #tpu.memory_space<vmem>>, vector<1x16xi32>,
      %swap3A_231 = vector.shape_cast %swap3A_230 : vector<1x16xi32> to vector<16xi32>
      %swap3A_232 = vector.shape_cast %get3A_226 : vector<16xi32> to vector<1x16xi32>
      tpu.vector_store %arg9[%swap3A_228, %swap3A_229], %swap3A_232 {strides = array<i32>} : memref<2x128xi32, #tpu.memory_space<vmem>>, vector<1x16xi32>,
      %get3A_233 = arith.index_cast %add3A_212 : i32 to index
      %get3A_234 = arith.constant 16 : index
      %get3A_235 = tpu.vector_load %arg6[%get3A_233, %get3A_234] {strides = array<i32>} : memref<79x128xi32, #tpu.memory_space<vmem>>, vector<1x16xi32>,
      %get3A_236 = vector.shape_cast %get3A_235 : vector<1x16xi32> to vector<16xi32>
      %swap3A_237 = arith.constant 1 : i32
      %swap3A_238 = arith.index_cast %swap3A_237 : i32 to index
      %swap3A_239 = arith.constant 16 : index
      %swap3A_240 = tpu.vector_load %arg8[%swap3A_238, %swap3A_239] {strides = array<i32>} : memref<2x128xi32, #tpu.memory_space<vmem>>, vector<1x16xi32>,
      %swap3A_241 = vector.shape_cast %swap3A_240 : vector<1x16xi32> to vector<16xi32>
      %swap3A_242 = vector.shape_cast %get3A_236 : vector<16xi32> to vector<1x16xi32>
      tpu.vector_store %arg8[%swap3A_238, %swap3A_239], %swap3A_242 {strides = array<i32>} : memref<2x128xi32, #tpu.memory_space<vmem>>, vector<1x16xi32>,
      %get3A_243 = arith.index_cast %add3A_212 : i32 to index
      %get3A_244 = arith.constant 16 : index
      %get3A_245 = tpu.vector_load %arg7[%get3A_243, %get3A_244] {strides = array<i32>} : memref<79x128xi32, #tpu.memory_space<vmem>>, vector<1x16xi32>,
      %get3A_246 = vector.shape_cast %get3A_245 : vector<1x16xi32> to vector<16xi32>
      %swap3A_247 = arith.constant 1 : i32
      %swap3A_248 = arith.index_cast %swap3A_247 : i32 to index
      %swap3A_249 = arith.constant 16 : index
      %swap3A_250 = tpu.vector_load %arg9[%swap3A_248, %swap3A_249] {strides = array<i32>} : memref<2x128xi32, #tpu.memory_space<vmem>>, vector<1x16xi32>,
      %swap3A_251 = vector.shape_cast %swap3A_250 : vector<1x16xi32> to vector<16xi32>
      %swap3A_252 = vector.shape_cast %get3A_246 : vector<16xi32> to vector<1x16xi32>
      tpu.vector_store %arg9[%swap3A_248, %swap3A_249], %swap3A_252 {strides = array<i32>} : memref<2x128xi32, #tpu.memory_space<vmem>>, vector<1x16xi32>,
      %get3A_253 = arith.index_cast %add3A_212 : i32 to index
      %get3A_254 = arith.constant 32 : index
      %get3A_255 = tpu.vector_load %arg6[%get3A_253, %get3A_254] {strides = array<i32>} : memref<79x128xi32, #tpu.memory_space<vmem>>, vector<1x16xi32>,
      %get3A_256 = vector.shape_cast %get3A_255 : vector<1x16xi32> to vector<16xi32>
      %swap3A_257 = arith.constant 1 : i32
      %swap3A_258 = arith.index_cast %swap3A_257 : i32 to index
      %swap3A_259 = arith.constant 32 : index
      %swap3A_260 = tpu.vector_load %arg8[%swap3A_258, %swap3A_259] {strides = array<i32>} : memref<2x128xi32, #tpu.memory_space<vmem>>, vector<1x16xi32>,
      %swap3A_261 = vector.shape_cast %swap3A_260 : vector<1x16xi32> to vector<16xi32>
      %swap3A_262 = vector.shape_cast %get3A_256 : vector<16xi32> to vector<1x16xi32>
      tpu.vector_store %arg8[%swap3A_258, %swap3A_259], %swap3A_262 {strides = array<i32>} : memref<2x128xi32, #tpu.memory_space<vmem>>, vector<1x16xi32>,
      %get3A_263 = arith.index_cast %add3A_212 : i32 to index
      %get3A_264 = arith.constant 32 : index
      %get3A_265 = tpu.vector_load %arg7[%get3A_263, %get3A_264] {strides = array<i32>} : memref<79x128xi32, #tpu.memory_space<vmem>>, vector<1x16xi32>,
      %get3A_266 = vector.shape_cast %get3A_265 : vector<1x16xi32> to vector<16xi32>
      %swap3A_267 = arith.constant 1 : i32
      %swap3A_268 = arith.index_cast %swap3A_267 : i32 to index
      %swap3A_269 = arith.constant 32 : index
      %swap3A_270 = tpu.vector_load %arg9[%swap3A_268, %swap3A_269] {strides = array<i32>} : memref<2x128xi32, #tpu.memory_space<vmem>>, vector<1x16xi32>,
      %swap3A_271 = vector.shape_cast %swap3A_270 : vector<1x16xi32> to vector<16xi32>
      %swap3A_272 = vector.shape_cast %get3A_266 : vector<16xi32> to vector<1x16xi32>
      tpu.vector_store %arg9[%swap3A_268, %swap3A_269], %swap3A_272 {strides = array<i32>} : memref<2x128xi32, #tpu.memory_space<vmem>>, vector<1x16xi32>,
      %get3A_273 = arith.index_cast %add3A_212 : i32 to index
      %get3A_274 = arith.constant 48 : index
      %get3A_275 = tpu.vector_load %arg6[%get3A_273, %get3A_274] {strides = array<i32>} : memref<79x128xi32, #tpu.memory_space<vmem>>, vector<1x16xi32>,
      %get3A_276 = vector.shape_cast %get3A_275 : vector<1x16xi32> to vector<16xi32>
      %swap3A_277 = arith.constant 1 : i32
      %swap3A_278 = arith.index_cast %swap3A_277 : i32 to index
      %swap3A_279 = arith.constant 48 : index
      %swap3A_280 = tpu.vector_load %arg8[%swap3A_278, %swap3A_279] {strides = array<i32>} : memref<2x128xi32, #tpu.memory_space<vmem>>, vector<1x16xi32>,
      %swap3A_281 = vector.shape_cast %swap3A_280 : vector<1x16xi32> to vector<16xi32>
      %swap3A_282 = vector.shape_cast %get3A_276 : vector<16xi32> to vector<1x16xi32>
      tpu.vector_store %arg8[%swap3A_278, %swap3A_279], %swap3A_282 {strides = array<i32>} : memref<2x128xi32, #tpu.memory_space<vmem>>, vector<1x16xi32>,
      %get3A_283 = arith.index_cast %add3A_212 : i32 to index
      %get3A_284 = arith.constant 48 : index
      %get3A_285 = tpu.vector_load %arg7[%get3A_283, %get3A_284] {strides = array<i32>} : memref<79x128xi32, #tpu.memory_space<vmem>>, vector<1x16xi32>,
      %get3A_286 = vector.shape_cast %get3A_285 : vector<1x16xi32> to vector<16xi32>
      %swap3A_287 = arith.constant 1 : i32
      %swap3A_288 = arith.index_cast %swap3A_287 : i32 to index
      %swap3A_289 = arith.constant 48 : index
      %swap3A_290 = tpu.vector_load %arg9[%swap3A_288, %swap3A_289] {strides = array<i32>} : memref<2x128xi32, #tpu.memory_space<vmem>>, vector<1x16xi32>,
      %swap3A_291 = vector.shape_cast %swap3A_290 : vector<1x16xi32> to vector<16xi32>
      %swap3A_292 = vector.shape_cast %get3A_286 : vector<16xi32> to vector<1x16xi32>
      tpu.vector_store %arg9[%swap3A_288, %swap3A_289], %swap3A_292 {strides = array<i32>} : memref<2x128xi32, #tpu.memory_space<vmem>>, vector<1x16xi32>,
      %get3A_293 = arith.index_cast %add3A_212 : i32 to index
      %get3A_294 = arith.constant 64 : index
      %get3A_295 = tpu.vector_load %arg6[%get3A_293, %get3A_294] {strides = array<i32>} : memref<79x128xi32, #tpu.memory_space<vmem>>, vector<1x16xi32>,
      %get3A_296 = vector.shape_cast %get3A_295 : vector<1x16xi32> to vector<16xi32>
      %swap3A_297 = arith.constant 1 : i32
      %swap3A_298 = arith.index_cast %swap3A_297 : i32 to index
      %swap3A_299 = arith.constant 64 : index
      %swap3A_300 = tpu.vector_load %arg8[%swap3A_298, %swap3A_299] {strides = array<i32>} : memref<2x128xi32, #tpu.memory_space<vmem>>, vector<1x16xi32>,
      %swap3A_301 = vector.shape_cast %swap3A_300 : vector<1x16xi32> to vector<16xi32>
      %swap3A_302 = vector.shape_cast %get3A_296 : vector<16xi32> to vector<1x16xi32>
      tpu.vector_store %arg8[%swap3A_298, %swap3A_299], %swap3A_302 {strides = array<i32>} : memref<2x128xi32, #tpu.memory_space<vmem>>, vector<1x16xi32>,
      %get3A_303 = arith.index_cast %add3A_212 : i32 to index
      %get3A_304 = arith.constant 64 : index
      %get3A_305 = tpu.vector_load %arg7[%get3A_303, %get3A_304] {strides = array<i32>} : memref<79x128xi32, #tpu.memory_space<vmem>>, vector<1x16xi32>,
      %get3A_306 = vector.shape_cast %get3A_305 : vector<1x16xi32> to vector<16xi32>
      %swap3A_307 = arith.constant 1 : i32
      %swap3A_308 = arith.index_cast %swap3A_307 : i32 to index
      %swap3A_309 = arith.constant 64 : index
      %swap3A_310 = tpu.vector_load %arg9[%swap3A_308, %swap3A_309] {strides = array<i32>} : memref<2x128xi32, #tpu.memory_space<vmem>>, vector<1x16xi32>,
      %swap3A_311 = vector.shape_cast %swap3A_310 : vector<1x16xi32> to vector<16xi32>
      %swap3A_312 = vector.shape_cast %get3A_306 : vector<16xi32> to vector<1x16xi32>
      tpu.vector_store %arg9[%swap3A_308, %swap3A_309], %swap3A_312 {strides = array<i32>} : memref<2x128xi32, #tpu.memory_space<vmem>>, vector<1x16xi32>,
      %get3A_313 = arith.index_cast %add3A_212 : i32 to index
      %get3A_314 = arith.constant 80 : index
      %get3A_315 = tpu.vector_load %arg6[%get3A_313, %get3A_314] {strides = array<i32>} : memref<79x128xi32, #tpu.memory_space<vmem>>, vector<1x16xi32>,
      %get3A_316 = vector.shape_cast %get3A_315 : vector<1x16xi32> to vector<16xi32>
      %swap3A_317 = arith.constant 1 : i32
      %swap3A_318 = arith.index_cast %swap3A_317 : i32 to index
      %swap3A_319 = arith.constant 80 : index
      %swap3A_320 = tpu.vector_load %arg8[%swap3A_318, %swap3A_319] {strides = array<i32>} : memref<2x128xi32, #tpu.memory_space<vmem>>, vector<1x16xi32>,
      %swap3A_321 = vector.shape_cast %swap3A_320 : vector<1x16xi32> to vector<16xi32>
      %swap3A_322 = vector.shape_cast %get3A_316 : vector<16xi32> to vector<1x16xi32>
      tpu.vector_store %arg8[%swap3A_318, %swap3A_319], %swap3A_322 {strides = array<i32>} : memref<2x128xi32, #tpu.memory_space<vmem>>, vector<1x16xi32>,
      %get3A_323 = arith.index_cast %add3A_212 : i32 to index
      %get3A_324 = arith.constant 80 : index
      %get3A_325 = tpu.vector_load %arg7[%get3A_323, %get3A_324] {strides = array<i32>} : memref<79x128xi32, #tpu.memory_space<vmem>>, vector<1x16xi32>,
      %get3A_326 = vector.shape_cast %get3A_325 : vector<1x16xi32> to vector<16xi32>
      %swap3A_327 = arith.constant 1 : i32
      %swap3A_328 = arith.index_cast %swap3A_327 : i32 to index
      %swap3A_329 = arith.constant 80 : index
      %swap3A_330 = tpu.vector_load %arg9[%swap3A_328, %swap3A_329] {strides = array<i32>} : memref<2x128xi32, #tpu.memory_space<vmem>>, vector<1x16xi32>,
      %swap3A_331 = vector.shape_cast %swap3A_330 : vector<1x16xi32> to vector<16xi32>
      %swap3A_332 = vector.shape_cast %get3A_326 : vector<16xi32> to vector<1x16xi32>
      tpu.vector_store %arg9[%swap3A_328, %swap3A_329], %swap3A_332 {strides = array<i32>} : memref<2x128xi32, #tpu.memory_space<vmem>>, vector<1x16xi32>,
      %get3A_333 = arith.index_cast %add3A_212 : i32 to index
      %get3A_334 = arith.constant 96 : index
      %get3A_335 = tpu.vector_load %arg6[%get3A_333, %get3A_334] {strides = array<i32>} : memref<79x128xi32, #tpu.memory_space<vmem>>, vector<1x16xi32>,
      %get3A_336 = vector.shape_cast %get3A_335 : vector<1x16xi32> to vector<16xi32>
      %swap3A_337 = arith.constant 1 : i32
      %swap3A_338 = arith.index_cast %swap3A_337 : i32 to index
      %swap3A_339 = arith.constant 96 : index
      %swap3A_340 = tpu.vector_load %arg8[%swap3A_338, %swap3A_339] {strides = array<i32>} : memref<2x128xi32, #tpu.memory_space<vmem>>, vector<1x16xi32>,
      %swap3A_341 = vector.shape_cast %swap3A_340 : vector<1x16xi32> to vector<16xi32>
      %swap3A_342 = vector.shape_cast %get3A_336 : vector<16xi32> to vector<1x16xi32>
      tpu.vector_store %arg8[%swap3A_338, %swap3A_339], %swap3A_342 {strides = array<i32>} : memref<2x128xi32, #tpu.memory_space<vmem>>, vector<1x16xi32>,
      %get3A_343 = arith.index_cast %add3A_212 : i32 to index
      %get3A_344 = arith.constant 96 : index
      %get3A_345 = tpu.vector_load %arg7[%get3A_343, %get3A_344] {strides = array<i32>} : memref<79x128xi32, #tpu.memory_space<vmem>>, vector<1x16xi32>,
      %get3A_346 = vector.shape_cast %get3A_345 : vector<1x16xi32> to vector<16xi32>
      %swap3A_347 = arith.constant 1 : i32
      %swap3A_348 = arith.index_cast %swap3A_347 : i32 to index
      %swap3A_349 = arith.constant 96 : index
      %swap3A_350 = tpu.vector_load %arg9[%swap3A_348, %swap3A_349] {strides = array<i32>} : memref<2x128xi32, #tpu.memory_space<vmem>>, vector<1x16xi32>,
      %swap3A_351 = vector.shape_cast %swap3A_350 : vector<1x16xi32> to vector<16xi32>
      %swap3A_352 = vector.shape_cast %get3A_346 : vector<16xi32> to vector<1x16xi32>
      tpu.vector_store %arg9[%swap3A_348, %swap3A_349], %swap3A_352 {strides = array<i32>} : memref<2x128xi32, #tpu.memory_space<vmem>>, vector<1x16xi32>,
      %get3A_353 = arith.index_cast %add3A_212 : i32 to index
      %get3A_354 = arith.constant 112 : index
      %get3A_355 = tpu.vector_load %arg6[%get3A_353, %get3A_354] {strides = array<i32>} : memref<79x128xi32, #tpu.memory_space<vmem>>, vector<1x16xi32>,
      %get3A_356 = vector.shape_cast %get3A_355 : vector<1x16xi32> to vector<16xi32>
      %swap3A_357 = arith.constant 1 : i32
      %swap3A_358 = arith.index_cast %swap3A_357 : i32 to index
      %swap3A_359 = arith.constant 112 : index
      %swap3A_360 = tpu.vector_load %arg8[%swap3A_358, %swap3A_359] {strides = array<i32>} : memref<2x128xi32, #tpu.memory_space<vmem>>, vector<1x16xi32>,
      %swap3A_361 = vector.shape_cast %swap3A_360 : vector<1x16xi32> to vector<16xi32>
      %swap3A_362 = vector.shape_cast %get3A_356 : vector<16xi32> to vector<1x16xi32>
      tpu.vector_store %arg8[%swap3A_358, %swap3A_359], %swap3A_362 {strides = array<i32>} : memref<2x128xi32, #tpu.memory_space<vmem>>, vector<1x16xi32>,
      %get3A_363 = arith.index_cast %add3A_212 : i32 to index
      %get3A_364 = arith.constant 112 : index
      %get3A_365 = tpu.vector_load %arg7[%get3A_363, %get3A_364] {strides = array<i32>} : memref<79x128xi32, #tpu.memory_space<vmem>>, vector<1x16xi32>,
      %get3A_366 = vector.shape_cast %get3A_365 : vector<1x16xi32> to vector<16xi32>
      %swap3A_367 = arith.constant 1 : i32
      %swap3A_368 = arith.index_cast %swap3A_367 : i32 to index
      %swap3A_369 = arith.constant 112 : index
      %swap3A_370 = tpu.vector_load %arg9[%swap3A_368, %swap3A_369] {strides = array<i32>} : memref<2x128xi32, #tpu.memory_space<vmem>>, vector<1x16xi32>,
      %swap3A_371 = vector.shape_cast %swap3A_370 : vector<1x16xi32> to vector<16xi32>
      %swap3A_372 = vector.shape_cast %get3A_366 : vector<16xi32> to vector<1x16xi32>
      tpu.vector_store %arg9[%swap3A_368, %swap3A_369], %swap3A_372 {strides = array<i32>} : memref<2x128xi32, #tpu.memory_space<vmem>>, vector<1x16xi32>,
      %dma_start3A_373 = arith.constant 1 : i32
      %dma_start3A_374 = arith.constant 0 : i32
      %dma_start3A_375 = tpu.memref_slice %arg8[%dma_start3A_373, %dma_start3A_374] : memref<2x128xi32, #tpu.memory_space<vmem>> -> memref<1x128xi32, #tpu.memory_space<vmem>>
      %dma_start3A_376 = tpu.memref_squeeze %dma_start3A_375 : memref<1x128xi32, #tpu.memory_space<vmem>> -> memref<128xi32, #tpu.memory_space<vmem>>
      %dma_start3A_377 = arith.constant 0 : i32
      %dma_start3A_378 = arith.constant 0 : i32
      %dma_start3A_379 = tpu.memref_slice %arg2[%dma_start3A_377, %dma_start3A_378] : memref<10000x64xf32, #tpu.memory_space<hbm>> -> memref<10000x64xf32, #tpu.memory_space<hbm>>
      tpu.enqueue_indirect_dma source(%dma_start3A_379 : memref<10000x64xf32, #tpu.memory_space<hbm>>) target(%arg11 : memref<128x64xf32, #tpu.memory_space<vmem>>) offsets(%dma_start3A_376 : memref<128xi32, #tpu.memory_space<vmem>>) semaphore(%arg15 : memref<!tpu.dma_semaphore, #tpu.memory_space<semaphore_mem>>)
      %dma_wait3A_380 = arith.constant 0 : i32
      %dma_wait3A_381 = arith.constant 0 : i32
      %dma_wait3A_382 = tpu.memref_slice %arg8[%dma_wait3A_380, %dma_wait3A_381] : memref<2x128xi32, #tpu.memory_space<vmem>> -> memref<1x128xi32, #tpu.memory_space<vmem>>
      %dma_wait3A_383 = tpu.memref_squeeze %dma_wait3A_382 : memref<1x128xi32, #tpu.memory_space<vmem>> -> memref<128xi32, #tpu.memory_space<vmem>>
      %dma_wait3A_384 = arith.constant 0 : i32
      %dma_wait3A_385 = arith.constant 0 : i32
      %dma_wait3A_386 = tpu.memref_slice %arg2[%dma_wait3A_384, %dma_wait3A_385] : memref<10000x64xf32, #tpu.memory_space<hbm>> -> memref<10000x64xf32, #tpu.memory_space<hbm>>
      tpu.wait_indirect_dma semaphore(%arg14 : memref<!tpu.dma_semaphore, #tpu.memory_space<semaphore_mem>>) src(%dma_wait3A_386 : memref<10000x64xf32, #tpu.memory_space<hbm>>) dst(%arg10 : memref<128x64xf32, #tpu.memory_space<vmem>>)
      %run_scoped3A_387 = arith.constant 0 : i32
      "tpu.region"() ({
        %run_scoped3A_565 = tpu.sem_alloc : memref<!tpu.dma_semaphore, #tpu.memory_space<semaphore_mem>>
        %dma_start3A_566 = arith.constant 0 : i32
        %dma_start3A_567 = tpu.memref_slice %arg9[%run_scoped3A_387, %dma_start3A_566] : memref<2x128xi32, #tpu.memory_space<vmem>> -> memref<1x128xi32, #tpu.memory_space<vmem>>
        %dma_start3A_568 = tpu.memref_squeeze %dma_start3A_567 : memref<1x128xi32, #tpu.memory_space<vmem>> -> memref<128xi32, #tpu.memory_space<vmem>>
        %dma_start3A_569 = arith.constant 0 : i32
        %dma_start3A_570 = arith.constant 0 : i32
        %dma_start3A_571 = tpu.memref_slice %arg13[%dma_start3A_569, %dma_start3A_570] : memref<10240x64xf32, #tpu.memory_space<vmem_shared>> -> memref<10240x64xf32, #tpu.memory_space<vmem_shared>>
        tpu.enqueue_indirect_dma source(%arg10 : memref<128x64xf32, #tpu.memory_space<vmem>>) target(%dma_start3A_571 : memref<10240x64xf32, #tpu.memory_space<vmem_shared>>) offsets(%dma_start3A_568 : memref<128xi32, #tpu.memory_space<vmem>>) semaphore(%run_scoped3A_565 : memref<!tpu.dma_semaphore, #tpu.memory_space<semaphore_mem>>) {add = true}
        %dma_wait3A_572 = arith.constant 0 : i32
        %dma_wait3A_573 = tpu.memref_slice %arg9[%run_scoped3A_387, %dma_wait3A_572] : memref<2x128xi32, #tpu.memory_space<vmem>> -> memref<1x128xi32, #tpu.memory_space<vmem>>
        %dma_wait3A_574 = tpu.memref_squeeze %dma_wait3A_573 : memref<1x128xi32, #tpu.memory_space<vmem>> -> memref<128xi32, #tpu.memory_space<vmem>>
        %dma_wait3A_575 = arith.constant 0 : i32
        %dma_wait3A_576 = arith.constant 0 : i32
        %dma_wait3A_577 = tpu.memref_slice %arg13[%dma_wait3A_575, %dma_wait3A_576] : memref<10240x64xf32, #tpu.memory_space<vmem_shared>> -> memref<10240x64xf32, #tpu.memory_space<vmem_shared>>
        tpu.wait_indirect_dma semaphore(%run_scoped3A_565 : memref<!tpu.dma_semaphore, #tpu.memory_space<semaphore_mem>>) src(%arg10 : memref<128x64xf32, #tpu.memory_space<vmem>>) dst(%dma_wait3A_577 : memref<10240x64xf32, #tpu.memory_space<vmem_shared>>)
        tpu.yield
      }) : () -> ()
      %add3A_388 = arith.constant 2 : i32
      %add3A_389 = arith.addi %mul3A_211, %add3A_388 : i32
      %get3A_390 = arith.index_cast %add3A_389 : i32 to index
      %get3A_391 = arith.constant 0 : index
      %get3A_392 = tpu.vector_load %arg6[%get3A_390, %get3A_391] {strides = array<i32>} : memref<79x128xi32, #tpu.memory_space<vmem>>, vector<1x16xi32>,
      %get3A_393 = vector.shape_cast %get3A_392 : vector<1x16xi32> to vector<16xi32>
      %swap3A_394 = arith.constant 0 : i32
      %swap3A_395 = arith.index_cast %swap3A_394 : i32 to index
      %swap3A_396 = arith.constant 0 : index
      %swap3A_397 = tpu.vector_load %arg8[%swap3A_395, %swap3A_396] {strides = array<i32>} : memref<2x128xi32, #tpu.memory_space<vmem>>, vector<1x16xi32>,
      %swap3A_398 = vector.shape_cast %swap3A_397 : vector<1x16xi32> to vector<16xi32>
      %swap3A_399 = vector.shape_cast %get3A_393 : vector<16xi32> to vector<1x16xi32>
      tpu.vector_store %arg8[%swap3A_395, %swap3A_396], %swap3A_399 {strides = array<i32>} : memref<2x128xi32, #tpu.memory_space<vmem>>, vector<1x16xi32>,
      %get3A_400 = arith.index_cast %add3A_389 : i32 to index
      %get3A_401 = arith.constant 0 : index
      %get3A_402 = tpu.vector_load %arg7[%get3A_400, %get3A_401] {strides = array<i32>} : memref<79x128xi32, #tpu.memory_space<vmem>>, vector<1x16xi32>,
      %get3A_403 = vector.shape_cast %get3A_402 : vector<1x16xi32> to vector<16xi32>
      %swap3A_404 = arith.constant 0 : i32
      %swap3A_405 = arith.index_cast %swap3A_404 : i32 to index
      %swap3A_406 = arith.constant 0 : index
      %swap3A_407 = tpu.vector_load %arg9[%swap3A_405, %swap3A_406] {strides = array<i32>} : memref<2x128xi32, #tpu.memory_space<vmem>>, vector<1x16xi32>,
      %swap3A_408 = vector.shape_cast %swap3A_407 : vector<1x16xi32> to vector<16xi32>
      %swap3A_409 = vector.shape_cast %get3A_403 : vector<16xi32> to vector<1x16xi32>
      tpu.vector_store %arg9[%swap3A_405, %swap3A_406], %swap3A_409 {strides = array<i32>} : memref<2x128xi32, #tpu.memory_space<vmem>>, vector<1x16xi32>,
      %get3A_410 = arith.index_cast %add3A_389 : i32 to index
      %get3A_411 = arith.constant 16 : index
      %get3A_412 = tpu.vector_load %arg6[%get3A_410, %get3A_411] {strides = array<i32>} : memref<79x128xi32, #tpu.memory_space<vmem>>, vector<1x16xi32>,
      %get3A_413 = vector.shape_cast %get3A_412 : vector<1x16xi32> to vector<16xi32>
      %swap3A_414 = arith.constant 0 : i32
      %swap3A_415 = arith.index_cast %swap3A_414 : i32 to index
      %swap3A_416 = arith.constant 16 : index
      %swap3A_417 = tpu.vector_load %arg8[%swap3A_415, %swap3A_416] {strides = array<i32>} : memref<2x128xi32, #tpu.memory_space<vmem>>, vector<1x16xi32>,
      %swap3A_418 = vector.shape_cast %swap3A_417 : vector<1x16xi32> to vector<16xi32>
      %swap3A_419 = vector.shape_cast %get3A_413 : vector<16xi32> to vector<1x16xi32>
      tpu.vector_store %arg8[%swap3A_415, %swap3A_416], %swap3A_419 {strides = array<i32>} : memref<2x128xi32, #tpu.memory_space<vmem>>, vector<1x16xi32>,
      %get3A_420 = arith.index_cast %add3A_389 : i32 to index
      %get3A_421 = arith.constant 16 : index
      %get3A_422 = tpu.vector_load %arg7[%get3A_420, %get3A_421] {strides = array<i32>} : memref<79x128xi32, #tpu.memory_space<vmem>>, vector<1x16xi32>,
      %get3A_423 = vector.shape_cast %get3A_422 : vector<1x16xi32> to vector<16xi32>
      %swap3A_424 = arith.constant 0 : i32
      %swap3A_425 = arith.index_cast %swap3A_424 : i32 to index
      %swap3A_426 = arith.constant 16 : index
      %swap3A_427 = tpu.vector_load %arg9[%swap3A_425, %swap3A_426] {strides = array<i32>} : memref<2x128xi32, #tpu.memory_space<vmem>>, vector<1x16xi32>,
      %swap3A_428 = vector.shape_cast %swap3A_427 : vector<1x16xi32> to vector<16xi32>
      %swap3A_429 = vector.shape_cast %get3A_423 : vector<16xi32> to vector<1x16xi32>
      tpu.vector_store %arg9[%swap3A_425, %swap3A_426], %swap3A_429 {strides = array<i32>} : memref<2x128xi32, #tpu.memory_space<vmem>>, vector<1x16xi32>,
      %get3A_430 = arith.index_cast %add3A_389 : i32 to index
      %get3A_431 = arith.constant 32 : index
      %get3A_432 = tpu.vector_load %arg6[%get3A_430, %get3A_431] {strides = array<i32>} : memref<79x128xi32, #tpu.memory_space<vmem>>, vector<1x16xi32>,
      %get3A_433 = vector.shape_cast %get3A_432 : vector<1x16xi32> to vector<16xi32>
      %swap3A_434 = arith.constant 0 : i32
      %swap3A_435 = arith.index_cast %swap3A_434 : i32 to index
      %swap3A_436 = arith.constant 32 : index
      %swap3A_437 = tpu.vector_load %arg8[%swap3A_435, %swap3A_436] {strides = array<i32>} : memref<2x128xi32, #tpu.memory_space<vmem>>, vector<1x16xi32>,
      %swap3A_438 = vector.shape_cast %swap3A_437 : vector<1x16xi32> to vector<16xi32>
      %swap3A_439 = vector.shape_cast %get3A_433 : vector<16xi32> to vector<1x16xi32>
      tpu.vector_store %arg8[%swap3A_435, %swap3A_436], %swap3A_439 {strides = array<i32>} : memref<2x128xi32, #tpu.memory_space<vmem>>, vector<1x16xi32>,
      %get3A_440 = arith.index_cast %add3A_389 : i32 to index
      %get3A_441 = arith.constant 32 : index
      %get3A_442 = tpu.vector_load %arg7[%get3A_440, %get3A_441] {strides = array<i32>} : memref<79x128xi32, #tpu.memory_space<vmem>>, vector<1x16xi32>,
      %get3A_443 = vector.shape_cast %get3A_442 : vector<1x16xi32> to vector<16xi32>
      %swap3A_444 = arith.constant 0 : i32
      %swap3A_445 = arith.index_cast %swap3A_444 : i32 to index
      %swap3A_446 = arith.constant 32 : index
      %swap3A_447 = tpu.vector_load %arg9[%swap3A_445, %swap3A_446] {strides = array<i32>} : memref<2x128xi32, #tpu.memory_space<vmem>>, vector<1x16xi32>,
      %swap3A_448 = vector.shape_cast %swap3A_447 : vector<1x16xi32> to vector<16xi32>
      %swap3A_449 = vector.shape_cast %get3A_443 : vector<16xi32> to vector<1x16xi32>
      tpu.vector_store %arg9[%swap3A_445, %swap3A_446], %swap3A_449 {strides = array<i32>} : memref<2x128xi32, #tpu.memory_space<vmem>>, vector<1x16xi32>,
      %get3A_450 = arith.index_cast %add3A_389 : i32 to index
      %get3A_451 = arith.constant 48 : index
      %get3A_452 = tpu.vector_load %arg6[%get3A_450, %get3A_451] {strides = array<i32>} : memref<79x128xi32, #tpu.memory_space<vmem>>, vector<1x16xi32>,
      %get3A_453 = vector.shape_cast %get3A_452 : vector<1x16xi32> to vector<16xi32>
      %swap3A_454 = arith.constant 0 : i32
      %swap3A_455 = arith.index_cast %swap3A_454 : i32 to index
      %swap3A_456 = arith.constant 48 : index
      %swap3A_457 = tpu.vector_load %arg8[%swap3A_455, %swap3A_456] {strides = array<i32>} : memref<2x128xi32, #tpu.memory_space<vmem>>, vector<1x16xi32>,
      %swap3A_458 = vector.shape_cast %swap3A_457 : vector<1x16xi32> to vector<16xi32>
      %swap3A_459 = vector.shape_cast %get3A_453 : vector<16xi32> to vector<1x16xi32>
      tpu.vector_store %arg8[%swap3A_455, %swap3A_456], %swap3A_459 {strides = array<i32>} : memref<2x128xi32, #tpu.memory_space<vmem>>, vector<1x16xi32>,
      %get3A_460 = arith.index_cast %add3A_389 : i32 to index
      %get3A_461 = arith.constant 48 : index
      %get3A_462 = tpu.vector_load %arg7[%get3A_460, %get3A_461] {strides = array<i32>} : memref<79x128xi32, #tpu.memory_space<vmem>>, vector<1x16xi32>,
      %get3A_463 = vector.shape_cast %get3A_462 : vector<1x16xi32> to vector<16xi32>
      %swap3A_464 = arith.constant 0 : i32
      %swap3A_465 = arith.index_cast %swap3A_464 : i32 to index
      %swap3A_466 = arith.constant 48 : index
      %swap3A_467 = tpu.vector_load %arg9[%swap3A_465, %swap3A_466] {strides = array<i32>} : memref<2x128xi32, #tpu.memory_space<vmem>>, vector<1x16xi32>,
      %swap3A_468 = vector.shape_cast %swap3A_467 : vector<1x16xi32> to vector<16xi32>
      %swap3A_469 = vector.shape_cast %get3A_463 : vector<16xi32> to vector<1x16xi32>
      tpu.vector_store %arg9[%swap3A_465, %swap3A_466], %swap3A_469 {strides = array<i32>} : memref<2x128xi32, #tpu.memory_space<vmem>>, vector<1x16xi32>,
      %get3A_470 = arith.index_cast %add3A_389 : i32 to index
      %get3A_471 = arith.constant 64 : index
      %get3A_472 = tpu.vector_load %arg6[%get3A_470, %get3A_471] {strides = array<i32>} : memref<79x128xi32, #tpu.memory_space<vmem>>, vector<1x16xi32>,
      %get3A_473 = vector.shape_cast %get3A_472 : vector<1x16xi32> to vector<16xi32>
      %swap3A_474 = arith.constant 0 : i32
      %swap3A_475 = arith.index_cast %swap3A_474 : i32 to index
      %swap3A_476 = arith.constant 64 : index
      %swap3A_477 = tpu.vector_load %arg8[%swap3A_475, %swap3A_476] {strides = array<i32>} : memref<2x128xi32, #tpu.memory_space<vmem>>, vector<1x16xi32>,
      %swap3A_478 = vector.shape_cast %swap3A_477 : vector<1x16xi32> to vector<16xi32>
      %swap3A_479 = vector.shape_cast %get3A_473 : vector<16xi32> to vector<1x16xi32>
      tpu.vector_store %arg8[%swap3A_475, %swap3A_476], %swap3A_479 {strides = array<i32>} : memref<2x128xi32, #tpu.memory_space<vmem>>, vector<1x16xi32>,
      %get3A_480 = arith.index_cast %add3A_389 : i32 to index
      %get3A_481 = arith.constant 64 : index
      %get3A_482 = tpu.vector_load %arg7[%get3A_480, %get3A_481] {strides = array<i32>} : memref<79x128xi32, #tpu.memory_space<vmem>>, vector<1x16xi32>,
      %get3A_483 = vector.shape_cast %get3A_482 : vector<1x16xi32> to vector<16xi32>
      %swap3A_484 = arith.constant 0 : i32
      %swap3A_485 = arith.index_cast %swap3A_484 : i32 to index
      %swap3A_486 = arith.constant 64 : index
      %swap3A_487 = tpu.vector_load %arg9[%swap3A_485, %swap3A_486] {strides = array<i32>} : memref<2x128xi32, #tpu.memory_space<vmem>>, vector<1x16xi32>,
      %swap3A_488 = vector.shape_cast %swap3A_487 : vector<1x16xi32> to vector<16xi32>
      %swap3A_489 = vector.shape_cast %get3A_483 : vector<16xi32> to vector<1x16xi32>
      tpu.vector_store %arg9[%swap3A_485, %swap3A_486], %swap3A_489 {strides = array<i32>} : memref<2x128xi32, #tpu.memory_space<vmem>>, vector<1x16xi32>,
      %get3A_490 = arith.index_cast %add3A_389 : i32 to index
      %get3A_491 = arith.constant 80 : index
      %get3A_492 = tpu.vector_load %arg6[%get3A_490, %get3A_491] {strides = array<i32>} : memref<79x128xi32, #tpu.memory_space<vmem>>, vector<1x16xi32>,
      %get3A_493 = vector.shape_cast %get3A_492 : vector<1x16xi32> to vector<16xi32>
      %swap3A_494 = arith.constant 0 : i32
      %swap3A_495 = arith.index_cast %swap3A_494 : i32 to index
      %swap3A_496 = arith.constant 80 : index
      %swap3A_497 = tpu.vector_load %arg8[%swap3A_495, %swap3A_496] {strides = array<i32>} : memref<2x128xi32, #tpu.memory_space<vmem>>, vector<1x16xi32>,
      %swap3A_498 = vector.shape_cast %swap3A_497 : vector<1x16xi32> to vector<16xi32>
      %swap3A_499 = vector.shape_cast %get3A_493 : vector<16xi32> to vector<1x16xi32>
      tpu.vector_store %arg8[%swap3A_495, %swap3A_496], %swap3A_499 {strides = array<i32>} : memref<2x128xi32, #tpu.memory_space<vmem>>, vector<1x16xi32>,
      %get3A_500 = arith.index_cast %add3A_389 : i32 to index
      %get3A_501 = arith.constant 80 : index
      %get3A_502 = tpu.vector_load %arg7[%get3A_500, %get3A_501] {strides = array<i32>} : memref<79x128xi32, #tpu.memory_space<vmem>>, vector<1x16xi32>,
      %get3A_503 = vector.shape_cast %get3A_502 : vector<1x16xi32> to vector<16xi32>
      %swap3A_504 = arith.constant 0 : i32
      %swap3A_505 = arith.index_cast %swap3A_504 : i32 to index
      %swap3A_506 = arith.constant 80 : index
      %swap3A_507 = tpu.vector_load %arg9[%swap3A_505, %swap3A_506] {strides = array<i32>} : memref<2x128xi32, #tpu.memory_space<vmem>>, vector<1x16xi32>,
      %swap3A_508 = vector.shape_cast %swap3A_507 : vector<1x16xi32> to vector<16xi32>
      %swap3A_509 = vector.shape_cast %get3A_503 : vector<16xi32> to vector<1x16xi32>
      tpu.vector_store %arg9[%swap3A_505, %swap3A_506], %swap3A_509 {strides = array<i32>} : memref<2x128xi32, #tpu.memory_space<vmem>>, vector<1x16xi32>,
      %get3A_510 = arith.index_cast %add3A_389 : i32 to index
      %get3A_511 = arith.constant 96 : index
      %get3A_512 = tpu.vector_load %arg6[%get3A_510, %get3A_511] {strides = array<i32>} : memref<79x128xi32, #tpu.memory_space<vmem>>, vector<1x16xi32>,
      %get3A_513 = vector.shape_cast %get3A_512 : vector<1x16xi32> to vector<16xi32>
      %swap3A_514 = arith.constant 0 : i32
      %swap3A_515 = arith.index_cast %swap3A_514 : i32 to index
      %swap3A_516 = arith.constant 96 : index
      %swap3A_517 = tpu.vector_load %arg8[%swap3A_515, %swap3A_516] {strides = array<i32>} : memref<2x128xi32, #tpu.memory_space<vmem>>, vector<1x16xi32>,
      %swap3A_518 = vector.shape_cast %swap3A_517 : vector<1x16xi32> to vector<16xi32>
      %swap3A_519 = vector.shape_cast %get3A_513 : vector<16xi32> to vector<1x16xi32>
      tpu.vector_store %arg8[%swap3A_515, %swap3A_516], %swap3A_519 {strides = array<i32>} : memref<2x128xi32, #tpu.memory_space<vmem>>, vector<1x16xi32>,
      %get3A_520 = arith.index_cast %add3A_389 : i32 to index
      %get3A_521 = arith.constant 96 : index
      %get3A_522 = tpu.vector_load %arg7[%get3A_520, %get3A_521] {strides = array<i32>} : memref<79x128xi32, #tpu.memory_space<vmem>>, vector<1x16xi32>,
      %get3A_523 = vector.shape_cast %get3A_522 : vector<1x16xi32> to vector<16xi32>
      %swap3A_524 = arith.constant 0 : i32
      %swap3A_525 = arith.index_cast %swap3A_524 : i32 to index
      %swap3A_526 = arith.constant 96 : index
      %swap3A_527 = tpu.vector_load %arg9[%swap3A_525, %swap3A_526] {strides = array<i32>} : memref<2x128xi32, #tpu.memory_space<vmem>>, vector<1x16xi32>,
      %swap3A_528 = vector.shape_cast %swap3A_527 : vector<1x16xi32> to vector<16xi32>
      %swap3A_529 = vector.shape_cast %get3A_523 : vector<16xi32> to vector<1x16xi32>
      tpu.vector_store %arg9[%swap3A_525, %swap3A_526], %swap3A_529 {strides = array<i32>} : memref<2x128xi32, #tpu.memory_space<vmem>>, vector<1x16xi32>,
      %get3A_530 = arith.index_cast %add3A_389 : i32 to index
      %get3A_531 = arith.constant 112 : index
      %get3A_532 = tpu.vector_load %arg6[%get3A_530, %get3A_531] {strides = array<i32>} : memref<79x128xi32, #tpu.memory_space<vmem>>, vector<1x16xi32>,
      %get3A_533 = vector.shape_cast %get3A_532 : vector<1x16xi32> to vector<16xi32>
      %swap3A_534 = arith.constant 0 : i32
      %swap3A_535 = arith.index_cast %swap3A_534 : i32 to index
      %swap3A_536 = arith.constant 112 : index
      %swap3A_537 = tpu.vector_load %arg8[%swap3A_535, %swap3A_536] {strides = array<i32>} : memref<2x128xi32, #tpu.memory_space<vmem>>, vector<1x16xi32>,
      %swap3A_538 = vector.shape_cast %swap3A_537 : vector<1x16xi32> to vector<16xi32>
      %swap3A_539 = vector.shape_cast %get3A_533 : vector<16xi32> to vector<1x16xi32>
      tpu.vector_store %arg8[%swap3A_535, %swap3A_536], %swap3A_539 {strides = array<i32>} : memref<2x128xi32, #tpu.memory_space<vmem>>, vector<1x16xi32>,
      %get3A_540 = arith.index_cast %add3A_389 : i32 to index
      %get3A_541 = arith.constant 112 : index
      %get3A_542 = tpu.vector_load %arg7[%get3A_540, %get3A_541] {strides = array<i32>} : memref<79x128xi32, #tpu.memory_space<vmem>>, vector<1x16xi32>,
      %get3A_543 = vector.shape_cast %get3A_542 : vector<1x16xi32> to vector<16xi32>
      %swap3A_544 = arith.constant 0 : i32
      %swap3A_545 = arith.index_cast %swap3A_544 : i32 to index
      %swap3A_546 = arith.constant 112 : index
      %swap3A_547 = tpu.vector_load %arg9[%swap3A_545, %swap3A_546] {strides = array<i32>} : memref<2x128xi32, #tpu.memory_space<vmem>>, vector<1x16xi32>,
      %swap3A_548 = vector.shape_cast %swap3A_547 : vector<1x16xi32> to vector<16xi32>
      %swap3A_549 = vector.shape_cast %get3A_543 : vector<16xi32> to vector<1x16xi32>
      tpu.vector_store %arg9[%swap3A_545, %swap3A_546], %swap3A_549 {strides = array<i32>} : memref<2x128xi32, #tpu.memory_space<vmem>>, vector<1x16xi32>,
      %dma_start3A_550 = arith.constant 0 : i32
      %dma_start3A_551 = arith.constant 0 : i32
      %dma_start3A_552 = tpu.memref_slice %arg8[%dma_start3A_550, %dma_start3A_551] : memref<2x128xi32, #tpu.memory_space<vmem>> -> memref<1x128xi32, #tpu.memory_space<vmem>>
      %dma_start3A_553 = tpu.memref_squeeze %dma_start3A_552 : memref<1x128xi32, #tpu.memory_space<vmem>> -> memref<128xi32, #tpu.memory_space<vmem>>
      %dma_start3A_554 = arith.constant 0 : i32
      %dma_start3A_555 = arith.constant 0 : i32
      %dma_start3A_556 = tpu.memref_slice %arg2[%dma_start3A_554, %dma_start3A_555] : memref<10000x64xf32, #tpu.memory_space<hbm>> -> memref<10000x64xf32, #tpu.memory_space<hbm>>
      tpu.enqueue_indirect_dma source(%dma_start3A_556 : memref<10000x64xf32, #tpu.memory_space<hbm>>) target(%arg10 : memref<128x64xf32, #tpu.memory_space<vmem>>) offsets(%dma_start3A_553 : memref<128xi32, #tpu.memory_space<vmem>>) semaphore(%arg14 : memref<!tpu.dma_semaphore, #tpu.memory_space<semaphore_mem>>)
      %dma_wait3A_557 = arith.constant 1 : i32
      %dma_wait3A_558 = arith.constant 0 : i32
      %dma_wait3A_559 = tpu.memref_slice %arg8[%dma_wait3A_557, %dma_wait3A_558] : memref<2x128xi32, #tpu.memory_space<vmem>> -> memref<1x128xi32, #tpu.memory_space<vmem>>
      %dma_wait3A_560 = tpu.memref_squeeze %dma_wait3A_559 : memref<1x128xi32, #tpu.memory_space<vmem>> -> memref<128xi32, #tpu.memory_space<vmem>>
      %dma_wait3A_561 = arith.constant 0 : i32
      %dma_wait3A_562 = arith.constant 0 : i32
      %dma_wait3A_563 = tpu.memref_slice %arg2[%dma_wait3A_561, %dma_wait3A_562] : memref<10000x64xf32, #tpu.memory_space<hbm>> -> memref<10000x64xf32, #tpu.memory_space<hbm>>
      tpu.wait_indirect_dma semaphore(%arg15 : memref<!tpu.dma_semaphore, #tpu.memory_space<semaphore_mem>>) src(%dma_wait3A_563 : memref<10000x64xf32, #tpu.memory_space<hbm>>) dst(%arg11 : memref<128x64xf32, #tpu.memory_space<vmem>>)
      %run_scoped3A_564 = arith.constant 1 : i32
      "tpu.region"() ({
        %run_scoped3A_565 = tpu.sem_alloc : memref<!tpu.dma_semaphore, #tpu.memory_space<semaphore_mem>>
        %dma_start3A_566 = arith.constant 0 : i32
        %dma_start3A_567 = tpu.memref_slice %arg9[%run_scoped3A_564, %dma_start3A_566] : memref<2x128xi32, #tpu.memory_space<vmem>> -> memref<1x128xi32, #tpu.memory_space<vmem>>
        %dma_start3A_568 = tpu.memref_squeeze %dma_start3A_567 : memref<1x128xi32, #tpu.memory_space<vmem>> -> memref<128xi32, #tpu.memory_space<vmem>>
        %dma_start3A_569 = arith.constant 0 : i32
        %dma_start3A_570 = arith.constant 0 : i32
        %dma_start3A_571 = tpu.memref_slice %arg13[%dma_start3A_569, %dma_start3A_570] : memref<10240x64xf32, #tpu.memory_space<vmem_shared>> -> memref<10240x64xf32, #tpu.memory_space<vmem_shared>>
        tpu.enqueue_indirect_dma source(%arg11 : memref<128x64xf32, #tpu.memory_space<vmem>>) target(%dma_start3A_571 : memref<10240x64xf32, #tpu.memory_space<vmem_shared>>) offsets(%dma_start3A_568 : memref<128xi32, #tpu.memory_space<vmem>>) semaphore(%run_scoped3A_565 : memref<!tpu.dma_semaphore, #tpu.memory_space<semaphore_mem>>) {add = true}
        %dma_wait3A_572 = arith.constant 0 : i32
        %dma_wait3A_573 = tpu.memref_slice %arg9[%run_scoped3A_564, %dma_wait3A_572] : memref<2x128xi32, #tpu.memory_space<vmem>> -> memref<1x128xi32, #tpu.memory_space<vmem>>
        %dma_wait3A_574 = tpu.memref_squeeze %dma_wait3A_573 : memref<1x128xi32, #tpu.memory_space<vmem>> -> memref<128xi32, #tpu.memory_space<vmem>>
        %dma_wait3A_575 = arith.constant 0 : i32
        %dma_wait3A_576 = arith.constant 0 : i32
        %dma_wait3A_577 = tpu.memref_slice %arg13[%dma_wait3A_575, %dma_wait3A_576] : memref<10240x64xf32, #tpu.memory_space<vmem_shared>> -> memref<10240x64xf32, #tpu.memory_space<vmem_shared>>
        tpu.wait_indirect_dma semaphore(%run_scoped3A_565 : memref<!tpu.dma_semaphore, #tpu.memory_space<semaphore_mem>>) src(%arg11 : memref<128x64xf32, #tpu.memory_space<vmem>>) dst(%dma_wait3A_577 : memref<10240x64xf32, #tpu.memory_space<vmem_shared>>)
        tpu.yield
      }) : () -> ()
    }
    %scan3A_196 = arith.constant 39 : i32
    %dma_wait3A = arith.constant 0 : i32
    %dma_wait3A_197 = arith.constant 0 : i32
    %dma_wait3A_198 = tpu.memref_slice %arg8[%dma_wait3A, %dma_wait3A_197] : memref<2x128xi32, #tpu.memory_space<vmem>> -> memref<1x128xi32, #tpu.memory_space<vmem>>
    %dma_wait3A_199 = tpu.memref_squeeze %dma_wait3A_198 : memref<1x128xi32, #tpu.memory_space<vmem>> -> memref<128xi32, #tpu.memory_space<vmem>>
    %dma_wait3A_200 = arith.constant 0 : i32
    %dma_wait3A_201 = arith.constant 0 : i32
    %dma_wait3A_202 = tpu.memref_slice %arg2[%dma_wait3A_200, %dma_wait3A_201] : memref<10000x64xf32, #tpu.memory_space<hbm>> -> memref<10000x64xf32, #tpu.memory_space<hbm>>
    tpu.wait_indirect_dma semaphore(%arg14 : memref<!tpu.dma_semaphore, #tpu.memory_space<semaphore_mem>>) src(%dma_wait3A_202 : memref<10000x64xf32, #tpu.memory_space<hbm>>) dst(%arg10 : memref<128x64xf32, #tpu.memory_space<vmem>>)
    %run_scoped3A = arith.constant 0 : i32
    "tpu.region"() ({
      %run_scoped3A_210 = tpu.sem_alloc : memref<!tpu.dma_semaphore, #tpu.memory_space<semaphore_mem>>
      %dma_start3A_211 = arith.constant 0 : i32
      %dma_start3A_212 = tpu.memref_slice %arg9[%run_scoped3A, %dma_start3A_211] : memref<2x128xi32, #tpu.memory_space<vmem>> -> memref<1x128xi32, #tpu.memory_space<vmem>>
      %dma_start3A_213 = tpu.memref_squeeze %dma_start3A_212 : memref<1x128xi32, #tpu.memory_space<vmem>> -> memref<128xi32, #tpu.memory_space<vmem>>
      %dma_start3A_214 = arith.constant 0 : i32
      %dma_start3A_215 = arith.constant 0 : i32
      %dma_start3A_216 = tpu.memref_slice %arg13[%dma_start3A_214, %dma_start3A_215] : memref<10240x64xf32, #tpu.memory_space<vmem_shared>> -> memref<10240x64xf32, #tpu.memory_space<vmem_shared>>
      tpu.enqueue_indirect_dma source(%arg10 : memref<128x64xf32, #tpu.memory_space<vmem>>) target(%dma_start3A_216 : memref<10240x64xf32, #tpu.memory_space<vmem_shared>>) offsets(%dma_start3A_213 : memref<128xi32, #tpu.memory_space<vmem>>) semaphore(%run_scoped3A_210 : memref<!tpu.dma_semaphore, #tpu.memory_space<semaphore_mem>>) {add = true}
      %dma_wait3A_217 = arith.constant 0 : i32
      %dma_wait3A_218 = tpu.memref_slice %arg9[%run_scoped3A, %dma_wait3A_217] : memref<2x128xi32, #tpu.memory_space<vmem>> -> memref<1x128xi32, #tpu.memory_space<vmem>>
      %dma_wait3A_219 = tpu.memref_squeeze %dma_wait3A_218 : memref<1x128xi32, #tpu.memory_space<vmem>> -> memref<128xi32, #tpu.memory_space<vmem>>
      %dma_wait3A_220 = arith.constant 0 : i32
      %dma_wait3A_221 = arith.constant 0 : i32
      %dma_wait3A_222 = tpu.memref_slice %arg13[%dma_wait3A_220, %dma_wait3A_221] : memref<10240x64xf32, #tpu.memory_space<vmem_shared>> -> memref<10240x64xf32, #tpu.memory_space<vmem_shared>>
      tpu.wait_indirect_dma semaphore(%run_scoped3A_210 : memref<!tpu.dma_semaphore, #tpu.memory_space<semaphore_mem>>) src(%arg10 : memref<128x64xf32, #tpu.memory_space<vmem>>) dst(%dma_wait3A_222 : memref<10240x64xf32, #tpu.memory_space<vmem_shared>>)
      tpu.yield
    }) : () -> ()
    %barrier3A_203 = arith.constant 0 : index
    tpu.barrier barrier_id(%barrier3A_203)
    %scan3A_204 = arith.constant 0 : i32
    %scan3A_205 = arith.constant 0 : i32
    %scan3A_206 = arith.constant 5 : i32
    %scan3A_207 = arith.addi %scan3A_205, %scan3A_206 : i32
    %scan3A_208 = arith.constant 1 : i32
    scf.for %scan3A_210 = %scan3A_205 to %scan3A_207 step %scan3A_208  : i32 {
      %mul3A = arith.constant 640 : i32
      %mul3A_211 = arith.muli %arg1, %mul3A : i32
      %mul3A_212 = arith.constant 128 : i32
      %mul3A_213 = arith.muli %scan3A_210, %mul3A_212 : i32
      %add3A = arith.addi %mul3A_211, %mul3A_213 : i32
      "tpu.region"() ({
        %run_scoped3A_219 = tpu.sem_alloc : memref<!tpu.dma_semaphore, #tpu.memory_space<semaphore_mem>>
        %dma_start3A_220 = arith.constant 0 : i32
        %dma_start3A_221 = tpu.memref_slice %arg13[%add3A, %dma_start3A_220] : memref<10240x64xf32, #tpu.memory_space<vmem_shared>> -> memref<128x64xf32, #tpu.memory_space<vmem_shared>>
        %dma_start3A_222 = arith.constant 0 : i32
        %dma_start3A_223 = tpu.memref_slice %arg13[%add3A, %dma_start3A_222] : memref<10240x64xf32, #tpu.memory_space<vmem_shared>> -> memref<128x64xf32, #tpu.memory_space<vmem_shared>>
        tpu.enqueue_dma source(%dma_start3A_223 : memref<128x64xf32, #tpu.memory_space<vmem_shared>>) target(%arg12 : memref<128x64xf32, #tpu.memory_space<vmem>>) target_semaphore(%run_scoped3A_219 : memref<!tpu.dma_semaphore, #tpu.memory_space<semaphore_mem>>)
        %dma_wait3A_224 = arith.constant 0 : i32
        %dma_wait3A_225 = tpu.memref_slice %arg13[%add3A, %dma_wait3A_224] : memref<10240x64xf32, #tpu.memory_space<vmem_shared>> -> memref<128x64xf32, #tpu.memory_space<vmem_shared>>
        %dma_wait3A_226 = arith.constant 0 : i32
        %dma_wait3A_227 = tpu.memref_slice %arg13[%add3A, %dma_wait3A_226] : memref<10240x64xf32, #tpu.memory_space<vmem_shared>> -> memref<128x64xf32, #tpu.memory_space<vmem_shared>>
        tpu.wait_dma2 semaphore(%run_scoped3A_219 : memref<!tpu.dma_semaphore, #tpu.memory_space<semaphore_mem>>) src(%dma_wait3A_227 : memref<128x64xf32, #tpu.memory_space<vmem_shared>>) dst(%arg12 : memref<128x64xf32, #tpu.memory_space<vmem>>)
        tpu.yield
      }) : () -> ()
      %mul3A_214 = arith.constant 640 : i32
      %mul3A_215 = arith.muli %arg1, %mul3A_214 : i32
      %mul3A_216 = arith.constant 128 : i32
      %mul3A_217 = arith.muli %scan3A_210, %mul3A_216 : i32
      %add3A_218 = arith.addi %mul3A_215, %mul3A_217 : i32
      "tpu.region"() ({
        %run_scoped3A_219 = tpu.sem_alloc : memref<!tpu.dma_semaphore, #tpu.memory_space<semaphore_mem>>
        %dma_start3A_220 = arith.constant 0 : i32
        %dma_start3A_221 = tpu.memref_slice %arg5[%arg0, %add3A_218, %dma_start3A_220] : memref<2x10240x64xf32, #tpu.memory_space<hbm>> -> memref<1x128x64xf32, #tpu.memory_space<hbm>>
        %dma_start3A_222 = tpu.memref_squeeze %dma_start3A_221 : memref<1x128x64xf32, #tpu.memory_space<hbm>> -> memref<128x64xf32, #tpu.memory_space<hbm>>
        %dma_start3A_223 = arith.constant 0 : i32
        %dma_start3A_224 = tpu.memref_slice %arg5[%arg0, %add3A_218, %dma_start3A_223] : memref<2x10240x64xf32, #tpu.memory_space<hbm>> -> memref<1x128x64xf32, #tpu.memory_space<hbm>>
        %dma_start3A_225 = tpu.memref_squeeze %dma_start3A_224 : memref<1x128x64xf32, #tpu.memory_space<hbm>> -> memref<128x64xf32, #tpu.memory_space<hbm>>
        tpu.enqueue_dma source(%arg12 : memref<128x64xf32, #tpu.memory_space<vmem>>) target(%dma_start3A_225 : memref<128x64xf32, #tpu.memory_space<hbm>>) target_semaphore(%run_scoped3A_219 : memref<!tpu.dma_semaphore, #tpu.memory_space<semaphore_mem>>)
        %dma_wait3A_226 = arith.constant 0 : i32
        %dma_wait3A_227 = tpu.memref_slice %arg5[%arg0, %add3A_218, %dma_wait3A_226] : memref<2x10240x64xf32, #tpu.memory_space<hbm>> -> memref<1x128x64xf32, #tpu.memory_space<hbm>>
        %dma_wait3A_228 = tpu.memref_squeeze %dma_wait3A_227 : memref<1x128x64xf32, #tpu.memory_space<hbm>> -> memref<128x64xf32, #tpu.memory_space<hbm>>
        %dma_wait3A_229 = arith.constant 0 : i32
        %dma_wait3A_230 = tpu.memref_slice %arg5[%arg0, %add3A_218, %dma_wait3A_229] : memref<2x10240x64xf32, #tpu.memory_space<hbm>> -> memref<1x128x64xf32, #tpu.memory_space<hbm>>
        %dma_wait3A_231 = tpu.memref_squeeze %dma_wait3A_230 : memref<1x128x64xf32, #tpu.memory_space<hbm>> -> memref<128x64xf32, #tpu.memory_space<hbm>>
        tpu.wait_dma2 semaphore(%run_scoped3A_219 : memref<!tpu.dma_semaphore, #tpu.memory_space<semaphore_mem>>) src(%arg12 : memref<128x64xf32, #tpu.memory_space<vmem>>) dst(%dma_wait3A_231 : memref<128x64xf32, #tpu.memory_space<hbm>>)
        tpu.yield
      }) : () -> ()
    }
    %scan3A_209 = arith.constant 5 : i32
    return
  }
}

module attributes {stable_mosaic.version = 14 : i64} {
  func.func @_mm1_body(%arg0: memref<32x10240xf32, #tpu.memory_space<vmem>>, %arg1: memref<10000x128xf32, #tpu.memory_space<vmem>>, %arg2: memref<128x64xf32, #tpu.memory_space<vmem>>, %arg3: memref<10000x1xf32, #tpu.memory_space<vmem>>, %arg4: memref<10000x64xf32, #tpu.memory_space<vmem>>) attributes {dimension_semantics = [], scalar_prefetch = 0 : i64, scratch_operands = 0 : i64, tpu.core_type = #tpu.core_type<tc>} {
    %get3A = arith.constant 0 : index
    %get3A_0 = arith.constant 0 : index
    %get3A_1 = vector.load %arg0[%get3A, %get3A_0] : memref<32x10240xf32, #tpu.memory_space<vmem>>, vector<32x10240xf32>
    %reduce_sum3A = arith.constant dense<0.000000e+00> : vector<10240xf32>
    %reduce_sum3A_2 = vector.multi_reduction <add>, %get3A_1, %reduce_sum3A [0] : vector<32x10240xf32> to vector<10240xf32>
    %slice3A = vector.extract_strided_slice %reduce_sum3A_2 {offsets = [0], sizes = [10000], strides = [1]} : vector<10240xf32> to vector<10000xf32>
    %reshape3A = vector.shape_cast %slice3A : vector<10000xf32> to vector<10000x1xf32>
    %add3A = arith.constant 1.000000e+00 : f32
    %add3A_3 = vector.broadcast %add3A : f32 to vector<10000x1xf32>
    %add3A_4 = arith.addf %reshape3A, %add3A_3 : vector<10000x1xf32>
    %rsqrt3A = math.rsqrt %add3A_4 : vector<10000x1xf32>
    %get3A_5 = arith.constant 0 : index
    %get3A_6 = arith.constant 0 : index
    %get3A_7 = vector.load %arg1[%get3A_5, %get3A_6] : memref<10000x128xf32, #tpu.memory_space<vmem>>, vector<10000x128xf32>
    %get3A_8 = arith.constant 0 : index
    %get3A_9 = arith.constant 0 : index
    %get3A_10 = vector.load %arg2[%get3A_8, %get3A_9] : memref<128x64xf32, #tpu.memory_space<vmem>>, vector<128x64xf32>
    %dot_general3A = arith.constant dense<0.000000e+00> : vector<10000x64xf32>
    %dot_general3A_11 = tpu.matmul %get3A_7, %get3A_10, %dot_general3A {dimension_numbers = #tpu.dot_dimension_numbers<[1], [0], [0], [1], [0, 0, 1, 1], [], []>, transpose_lhs_hint = false} : vector<10000x128xf32>, vector<128x64xf32>, vector<10000x64xf32> -> vector<10000x64xf32>
    %swap3A = arith.constant 0 : index
    %swap3A_12 = arith.constant 0 : index
    %swap3A_13 = vector.load %arg3[%swap3A, %swap3A_12] : memref<10000x1xf32, #tpu.memory_space<vmem>>, vector<10000x1xf32>
    tpu.vector_store %arg3[%swap3A, %swap3A_12], %rsqrt3A {strides = array<i32>} : memref<10000x1xf32, #tpu.memory_space<vmem>>, vector<10000x1xf32>,
    %mul3A = vector.broadcast %rsqrt3A : vector<10000x1xf32> to vector<10000x64xf32>
    %mul3A_14 = arith.mulf %mul3A, %dot_general3A_11 : vector<10000x64xf32>
    %swap3A_15 = arith.constant 0 : index
    %swap3A_16 = arith.constant 0 : index
    %swap3A_17 = vector.load %arg4[%swap3A_15, %swap3A_16] : memref<10000x64xf32, #tpu.memory_space<vmem>>, vector<10000x64xf32>
    tpu.vector_store %arg4[%swap3A_15, %swap3A_16], %mul3A_14 {strides = array<i32>} : memref<10000x64xf32, #tpu.memory_space<vmem>>, vector<10000x64xf32>,
    return
  }
}

module attributes {stable_mosaic.version = 14 : i64} {
  func.func @_mm2_body(%arg0: memref<2x10240x64xf32, #tpu.memory_space<vmem>>, %arg1: memref<10000x64xf32, #tpu.memory_space<vmem>>, %arg2: memref<10000x1xf32, #tpu.memory_space<vmem>>, %arg3: memref<64xf32, #tpu.memory_space<vmem>>, %arg4: memref<64x64xf32, #tpu.memory_space<vmem>>, %arg5: memref<10000x64xf32, #tpu.memory_space<vmem>>) attributes {dimension_semantics = [], scalar_prefetch = 0 : i64, scratch_operands = 0 : i64, tpu.core_type = #tpu.core_type<tc>} {
    %get3A = arith.constant 0 : index
    %get3A_0 = arith.constant 0 : index
    %get3A_1 = vector.load %arg2[%get3A, %get3A_0] : memref<10000x1xf32, #tpu.memory_space<vmem>>, vector<10000x1xf32>
    %get3A_2 = arith.constant 0 : index
    %get3A_3 = arith.constant 0 : index
    %get3A_4 = arith.constant 0 : index
    %get3A_5 = vector.load %arg0[%get3A_2, %get3A_3, %get3A_4] : memref<2x10240x64xf32, #tpu.memory_space<vmem>>, vector<1x10240x64xf32>
    %get3A_6 = vector.shape_cast %get3A_5 : vector<1x10240x64xf32> to vector<10240x64xf32>
    %get3A_7 = arith.constant 1 : index
    %get3A_8 = arith.constant 0 : index
    %get3A_9 = arith.constant 0 : index
    %get3A_10 = vector.load %arg0[%get3A_7, %get3A_8, %get3A_9] : memref<2x10240x64xf32, #tpu.memory_space<vmem>>, vector<1x10240x64xf32>
    %get3A_11 = vector.shape_cast %get3A_10 : vector<1x10240x64xf32> to vector<10240x64xf32>
    %add3A = arith.addf %get3A_6, %get3A_11 : vector<10240x64xf32>
    %slice3A = vector.extract_strided_slice %add3A {offsets = [0, 0], sizes = [10000, 64], strides = [1, 1]} : vector<10240x64xf32> to vector<10000x64xf32>
    %get3A_12 = arith.constant 0 : index
    %get3A_13 = arith.constant 0 : index
    %get3A_14 = vector.load %arg1[%get3A_12, %get3A_13] : memref<10000x64xf32, #tpu.memory_space<vmem>>, vector<10000x64xf32>
    %add3A_15 = arith.addf %slice3A, %get3A_14 : vector<10000x64xf32>
    %mul3A = vector.broadcast %get3A_1 : vector<10000x1xf32> to vector<10000x64xf32>
    %mul3A_16 = arith.mulf %mul3A, %add3A_15 : vector<10000x64xf32>
    %get3A_17 = arith.constant 0 : index
    %get3A_18 = vector.load %arg3[%get3A_17] : memref<64xf32, #tpu.memory_space<vmem>>, vector<64xf32>
    %broadcast_in_dim3A = vector.shape_cast %get3A_18 : vector<64xf32> to vector<1x64xf32>
    %add3A_19 = vector.broadcast %broadcast_in_dim3A : vector<1x64xf32> to vector<10000x64xf32>
    %add3A_20 = arith.addf %mul3A_16, %add3A_19 : vector<10000x64xf32>
    %max3A = arith.constant 0.000000e+00 : f32
    %max3A_21 = vector.broadcast %max3A : f32 to vector<10000x64xf32>
    %max3A_22 = arith.maximumf %add3A_20, %max3A_21 : vector<10000x64xf32>
    %get3A_23 = arith.constant 0 : index
    %get3A_24 = arith.constant 0 : index
    %get3A_25 = vector.load %arg4[%get3A_23, %get3A_24] : memref<64x64xf32, #tpu.memory_space<vmem>>, vector<64x64xf32>
    %dot_general3A = arith.constant dense<0.000000e+00> : vector<10000x64xf32>
    %dot_general3A_26 = tpu.matmul %max3A_22, %get3A_25, %dot_general3A {dimension_numbers = #tpu.dot_dimension_numbers<[1], [0], [0], [1], [0, 0, 1, 1], [], []>, transpose_lhs_hint = false} : vector<10000x64xf32>, vector<64x64xf32>, vector<10000x64xf32> -> vector<10000x64xf32>
    %mul3A_27 = vector.broadcast %get3A_1 : vector<10000x1xf32> to vector<10000x64xf32>
    %mul3A_28 = arith.mulf %mul3A_27, %dot_general3A_26 : vector<10000x64xf32>
    %swap3A = arith.constant 0 : index
    %swap3A_29 = arith.constant 0 : index
    %swap3A_30 = vector.load %arg5[%swap3A, %swap3A_29] : memref<10000x64xf32, #tpu.memory_space<vmem>>, vector<10000x64xf32>
    tpu.vector_store %arg5[%swap3A, %swap3A_29], %mul3A_28 {strides = array<i32>} : memref<10000x64xf32, #tpu.memory_space<vmem>>, vector<10000x64xf32>,
    return
  }
}

module attributes {stable_mosaic.version = 14 : i64} {
  func.func @_final_body(%arg0: memref<2x10240x64xf32, #tpu.memory_space<vmem>>, %arg1: memref<10000x64xf32, #tpu.memory_space<vmem>>, %arg2: memref<10000x1xf32, #tpu.memory_space<vmem>>, %arg3: memref<64xf32, #tpu.memory_space<vmem>>, %arg4: memref<1x10000xi32, #tpu.memory_space<vmem>>, %arg5: memref<64x128xf32, #tpu.memory_space<vmem>>, %arg6: memref<128xf32, #tpu.memory_space<vmem>>, %arg7: memref<64x128xf32, #tpu.memory_space<vmem>>) attributes {dimension_semantics = [], scalar_prefetch = 0 : i64, scratch_operands = 0 : i64, tpu.core_type = #tpu.core_type<tc>} {
    %get3A = arith.constant 0 : index
    %get3A_0 = arith.constant 0 : index
    %get3A_1 = vector.load %arg2[%get3A, %get3A_0] : memref<10000x1xf32, #tpu.memory_space<vmem>>, vector<10000x1xf32>
    %get3A_2 = arith.constant 0 : index
    %get3A_3 = arith.constant 0 : index
    %get3A_4 = arith.constant 0 : index
    %get3A_5 = vector.load %arg0[%get3A_2, %get3A_3, %get3A_4] : memref<2x10240x64xf32, #tpu.memory_space<vmem>>, vector<1x10240x64xf32>
    %get3A_6 = vector.shape_cast %get3A_5 : vector<1x10240x64xf32> to vector<10240x64xf32>
    %get3A_7 = arith.constant 1 : index
    %get3A_8 = arith.constant 0 : index
    %get3A_9 = arith.constant 0 : index
    %get3A_10 = vector.load %arg0[%get3A_7, %get3A_8, %get3A_9] : memref<2x10240x64xf32, #tpu.memory_space<vmem>>, vector<1x10240x64xf32>
    %get3A_11 = vector.shape_cast %get3A_10 : vector<1x10240x64xf32> to vector<10240x64xf32>
    %add3A = arith.addf %get3A_6, %get3A_11 : vector<10240x64xf32>
    %slice3A = vector.extract_strided_slice %add3A {offsets = [0, 0], sizes = [10000, 64], strides = [1, 1]} : vector<10240x64xf32> to vector<10000x64xf32>
    %get3A_12 = arith.constant 0 : index
    %get3A_13 = arith.constant 0 : index
    %get3A_14 = vector.load %arg1[%get3A_12, %get3A_13] : memref<10000x64xf32, #tpu.memory_space<vmem>>, vector<10000x64xf32>
    %add3A_15 = arith.addf %slice3A, %get3A_14 : vector<10000x64xf32>
    %mul3A = vector.broadcast %get3A_1 : vector<10000x1xf32> to vector<10000x64xf32>
    %mul3A_16 = arith.mulf %mul3A, %add3A_15 : vector<10000x64xf32>
    %get3A_17 = arith.constant 0 : index
    %get3A_18 = vector.load %arg3[%get3A_17] : memref<64xf32, #tpu.memory_space<vmem>>, vector<64xf32>
    %broadcast_in_dim3A = vector.shape_cast %get3A_18 : vector<64xf32> to vector<1x64xf32>
    %add3A_19 = vector.broadcast %broadcast_in_dim3A : vector<1x64xf32> to vector<10000x64xf32>
    %add3A_20 = arith.addf %mul3A_16, %add3A_19 : vector<10000x64xf32>
    %max3A = arith.constant 0.000000e+00 : f32
    %max3A_21 = vector.broadcast %max3A : f32 to vector<10000x64xf32>
    %max3A_22 = arith.maximumf %add3A_20, %max3A_21 : vector<10000x64xf32>
    %iota3A = tpu.iota {dimensions = array<i32: 0>} : vector<64x10000xi32>
    %get3A_23 = arith.constant 0 : index
    %get3A_24 = arith.constant 0 : index
    %get3A_25 = vector.load %arg4[%get3A_23, %get3A_24] : memref<1x10000xi32, #tpu.memory_space<vmem>>, vector<1x10000xi32>
    %eq3A = vector.broadcast %get3A_25 : vector<1x10000xi32> to vector<64x10000xi32>
    %eq3A_26 = arith.cmpi eq, %iota3A, %eq3A : vector<64x10000xi32>
    %convert_element_type3A = arith.extui %eq3A_26 : vector<64x10000xi1> to vector<64x10000xi32>
    %convert_element_type3A_27 = arith.sitofp %convert_element_type3A : vector<64x10000xi32> to vector<64x10000xf32>
    %dot_general3A = arith.constant dense<0.000000e+00> : vector<64x64xf32>
    %dot_general3A_28 = tpu.matmul %convert_element_type3A_27, %max3A_22, %dot_general3A {dimension_numbers = #tpu.dot_dimension_numbers<[1], [0], [0], [1], [0, 0, 1, 1], [], []>, transpose_lhs_hint = false} : vector<64x10000xf32>, vector<10000x64xf32>, vector<64x64xf32> -> vector<64x64xf32>
    %reduce_sum3A = arith.constant dense<0.000000e+00> : vector<64xf32>
    %reduce_sum3A_29 = vector.multi_reduction <add>, %convert_element_type3A_27, %reduce_sum3A [1] : vector<64x10000xf32> to vector<64xf32>
    %broadcast_in_dim3A_30 = vector.shape_cast %reduce_sum3A_29 : vector<64xf32> to vector<64x1xf32>
    %max3A_31 = arith.constant 1.000000e+00 : f32
    %max3A_32 = vector.broadcast %max3A_31 : f32 to vector<64x1xf32>
    %max3A_33 = arith.maximumf %broadcast_in_dim3A_30, %max3A_32 : vector<64x1xf32>
    %div3A = vector.broadcast %max3A_33 : vector<64x1xf32> to vector<64x64xf32>
    %div3A_34 = arith.divf %dot_general3A_28, %div3A : vector<64x64xf32>
    %get3A_35 = arith.constant 0 : index
    %get3A_36 = arith.constant 0 : index
    %get3A_37 = vector.load %arg5[%get3A_35, %get3A_36] : memref<64x128xf32, #tpu.memory_space<vmem>>, vector<64x128xf32>
    %dot_general3A_38 = arith.constant dense<0.000000e+00> : vector<64x128xf32>
    %dot_general3A_39 = tpu.matmul %div3A_34, %get3A_37, %dot_general3A_38 {dimension_numbers = #tpu.dot_dimension_numbers<[1], [0], [0], [1], [0, 0, 1, 1], [], []>, transpose_lhs_hint = false} : vector<64x64xf32>, vector<64x128xf32>, vector<64x128xf32> -> vector<64x128xf32>
    %get3A_40 = arith.constant 0 : index
    %get3A_41 = vector.load %arg6[%get3A_40] : memref<128xf32, #tpu.memory_space<vmem>>, vector<128xf32>
    %broadcast_in_dim3A_42 = vector.shape_cast %get3A_41 : vector<128xf32> to vector<1x128xf32>
    %add3A_43 = vector.broadcast %broadcast_in_dim3A_42 : vector<1x128xf32> to vector<64x128xf32>
    %add3A_44 = arith.addf %dot_general3A_39, %add3A_43 : vector<64x128xf32>
    %swap3A = arith.constant 0 : index
    %swap3A_45 = arith.constant 0 : index
    %swap3A_46 = vector.load %arg7[%swap3A, %swap3A_45] : memref<64x128xf32, #tpu.memory_space<vmem>>, vector<64x128xf32>
    tpu.vector_store %arg7[%swap3A, %swap3A_45], %add3A_44 {strides = array<i32>} : memref<64x128xf32, #tpu.memory_space<vmem>>, vector<64x128xf32>,
    return
  }
}

</mosaic_0001>

<sc_bundles>
// kernel: kernel.11.cloned.1.call-start
scs
__scs_entry_jumppad:
0x0: {  	(pc) =	sbr.rel $0x88, $3  }
0x1: {  	(tag) =	ssettag $0x0;
	lr =	simm.s32 $0x1  }
0x2: {  	[smem:$0x3F98] =	sst lr;
	_ =	strace $0xD0000000  }
0x3: {  	_ = 	snop  }
0x4: {  	_ = 	snop  }
0x5: {  	_ = 	snop  }
0x6: {  	_ = 	snop  }
0x7: {  	_ = 	snop  }
__scs_overlays_trampoline_lowered:
0x8: {  	[smem:$0x3FA7] =	sst s0  }
0x9: {  	[smem:$0x3FA8] =	sst s1  }
0xa: {  	[smem:$0x3FA9] =	sst s2  }
0xb: {  	[smem:$0x3FAA] =	sst s3  }
0xc: {  	[smem:$0x3FAB] =	sst s4  }
0xd: {  	[smem:$0x3FAC] =	sst s5  }
0xe: {  	[smem:$0x3FAD] =	sst s6  }
0xf: {  	[smem:$0x3FAE] =	sst s7  }
0x10: {  	[smem:$0x3FAF] =	sst s8  }
0x11: {  	[smem:$0x3FB0] =	sst s9;
	s0 =	simm.s32 @!p0 $0x0  }
0x12: {  	s1 =	sld [smem:$0x3F96];
	s0 =	simm.s32 @p0 $0x1  }
0x13: {  	[smem:$0x3FB1] =	sst s0;
	s0 =	simm.s32 @!p1 $0x0  }
0x14: {  	s2 =	sld [smem:$0x3F95];
	s0 =	simm.s32 @p1 $0x1  }
0x15: {  	[smem:$0x3FB2] =	sst s0;
	s0 =	simm.s32 @!p2 $0x0  }
0x16: {  	s3 =	sld [smem:$0x3FDB];
	s0 =	simm.s32 @p2 $0x1  }
0x17: {  	s4 =	simm.s32 $0x1BF5;
	[smem:$0x3FB4] =	sst s0  }
0x18: {  	s0 =	sld [smem:$0x3F97];
	_ =	swait.ge [sflag:s4], $0x0  }
0x19: {  	s7 =	sld [smem:$0x3F98]  }
0x1a: {  	s8 =	sadd.s32 $0xFFFFE003, lr  }
0x1b: {  	s9 =	sadd.s32 $0xFFFFFEF7, lr;
	s5 =	simm.s32 $0xFFFFFFFF;
	p2 =	slt.u32 s8, $0xFFFFF086  }
0x1c: {  	p1 =	slt.u32 s9, $0xF7A;
	s5 =	simm.s32 @!p2 $0x0  }
0x1d: {  	s5 =	simm.s32 @p1 $0x1;
	p0 =	seq.s32 s7, s2  }
0x1e: {  	s7 =	smul.u32 @!p0 $0xF7A, s2;
	p2 =	seq.s32 @!p0 s5, $0x0  }
0x1f: {  	s9 =	smul.u32 $0xF7A, s1;
	s8 =	simm.s32 @!p0 $0x1BF5;
	p2 =	por !p2, p0  }
0x20: {  	[sflag:s8] =	ssyncset.s32 @!p0 $0xFFFFF086;
	s6 =	sadd.s32 @!p0 s3, s7;
	s7 =	simm.s32 @!p0 $0x108  }
0x21: {  	s3 =	sadd.s32 s3, s9;
	s6 =	sadd.s32 @!p0 $0x88, s6;
	s7 =	simm.s32 @p2 $0x1082  }
0x22: {  	[simem:s7], [sflag:s8] =	dma.local @!p0 [hbm:s6], $0xF7A  }
0x23: {  	s9 =	sor.u32 $0xD0000000, s2;
	s6 =	simm.s32 $0x108;
	_ =	swait.ge @!p0 [sflag:s8], $0x0  }
0x24: {  	s3 =	sadd.s32 $0x88, s3;
	s6 =	simm.s32 @!p1 $0x1082;
	[sflag:s4] =	ssyncset.s32 $0xFFFFF086  }
0x25: {  	[simem:s6], [sflag:s4] =	dma.local [hbm:s3], $0xF7A  }
0x26: {  	[smem:$0x3F98] =	sst s1;
	(tag) =	ssettag s2;
	_ =	strace s9  }
0x27: {  	s1 =	sld [smem:$0x3FA8]  }
0x28: {  	s2 =	sld [smem:$0x3FA9]  }
0x29: {  	s4 =	sld [smem:$0x3FAB]  }
0x2a: {  	p0 =	seq.s32 s5, $0x0;
	s5 =	sld [smem:$0x3FAC]  }
0x2b: {  	s6 =	sld [smem:$0x3FAD]  }
0x2c: {  	s7 =	sld [smem:$0x3FAE]  }
0x2d: {  	s3 =	simm.s32 $0x108;
	s8 =	sld [smem:$0x3FAF]  }
0x2e: {  	s3 =	simm.s32 @!p0 $0x1082;
	s9 =	sld [smem:$0x3FB0]  }
0x2f: {  	lr =	sadd.s32 s0, s3;
	s0 =	sld [smem:$0x3FA7]  }
0x30: {  	s3 =	sld [smem:$0x3FAA]  }
0x31: {  	[smem:$0x3FB3] =	sst s10  }
0x32: {  	s10 =	sld [smem:$0x3FB1];
	_ =	sdelay $0x3  }
0x33: {  	p0 =	seq.s32 s10, $0x1;
	s10 =	sld [smem:$0x3FB3];
	_ =	sdelay $0x3  }
0x34: {  	[smem:$0x3FB3] =	sst s10  }
0x35: {  	s10 =	sld [smem:$0x3FB2];
	_ =	sdelay $0x3  }
0x36: {  	p1 =	seq.s32 s10, $0x1;
	s10 =	sld [smem:$0x3FB3];
	_ =	sdelay $0x3  }
0x37: {  	[smem:$0x3FB3] =	sst s10  }
0x38: {  	s10 =	sld [smem:$0x3FB4]  }
0x39: {  	_ = 	snop;
	(pc) =	sbr.ind lr, $3  }
0x3a: {  	_ = 	snop  }
0x3b: {  	_ = 	snop  }
0x3c: {  	p2 =	seq.s32 s10, $0x1;
	s10 =	sld [smem:$0x3FB3]  }
0x3d: {  	_ =	shalt  }
0x3e: {  	_ =	shalt  }
0x3f: {  	_ =	shalt  }
0x40: {  	_ =	shalt  }
0x41: {  	_ =	shalt  }
0x42: {  	_ =	shalt  }
0x43: {  	_ =	shalt  }
0x44: {  	_ =	shalt  }
0x45: {  	_ =	shalt  }
0x46: {  	_ =	shalt  }
0x47: {  	_ =	shalt  }
0x48: {  	_ =	shalt  }
0x49: {  	_ =	shalt  }
0x4a: {  	_ =	shalt  }
0x4b: {  	_ =	shalt  }
0x4c: {  	_ =	shalt  }
0x4d: {  	_ =	shalt  }
0x4e: {  	_ =	shalt  }
0x4f: {  	_ =	shalt  }
0x50: {  	_ =	shalt  }
0x51: {  	_ =	shalt  }
0x52: {  	_ =	shalt  }
0x53: {  	_ =	shalt  }
0x54: {  	_ =	shalt  }
0x55: {  	_ =	shalt  }
0x56: {  	_ =	shalt  }
0x57: {  	_ =	shalt  }
0x58: {  	_ =	shalt  }
0x59: {  	_ =	shalt  }
0x5a: {  	_ =	shalt  }
0x5b: {  	_ =	shalt  }
0x5c: {  	_ =	shalt  }
0x5d: {  	_ =	shalt  }
0x5e: {  	_ =	shalt  }
0x5f: {  	_ =	shalt  }
0x60: {  	_ =	shalt  }
0x61: {  	_ =	shalt  }
0x62: {  	_ =	shalt  }
0x63: {  	_ =	shalt  }
0x64: {  	_ =	shalt  }
0x65: {  	_ =	shalt  }
0x66: {  	_ =	shalt  }
0x67: {  	_ =	shalt  }
0x68: {  	_ =	shalt  }
0x69: {  	_ =	shalt  }
0x6a: {  	_ =	shalt  }
0x6b: {  	_ =	shalt  }
0x6c: {  	_ =	shalt  }
0x6d: {  	_ =	shalt  }
0x6e: {  	_ =	shalt  }
0x6f: {  	_ =	shalt  }
0x70: {  	_ =	shalt  }
0x71: {  	_ =	shalt  }
0x72: {  	_ =	shalt  }
0x73: {  	_ =	shalt  }
0x74: {  	_ =	shalt  }
0x75: {  	_ =	shalt  }
0x76: {  	_ =	shalt  }
0x77: {  	_ =	shalt  }
0x78: {  	_ =	shalt  }
0x79: {  	_ =	shalt  }
0x7a: {  	_ =	shalt  }
0x7b: {  	_ =	shalt  }
0x7c: {  	_ =	shalt  }
0x7d: {  	_ =	shalt  }
0x7e: {  	_ =	shalt  }
0x7f: {  	_ =	shalt  }
0x80: {  	_ =	shalt  }
0x81: {  	_ =	shalt  }
0x82: {  	_ =	shalt  }
0x83: {  	_ =	shalt  }
0x84: {  	_ =	shalt  }
0x85: {  	_ =	shalt  }
0x86: {  	_ =	shalt  }
0x87: {  	_ =	shalt  }
.Lfunc_end0:
.L_simem_size_0:
called_computation.1_lowered:
.L_overlay_start_0:
0x88: {  	s2 =	sld [smem:$0x3FD9]  }
0x89: {  	s3 =	sld [smem:$0x3FFE];
	_ =	sdelay $0x1  }
0x8a: {  	s1 =	srdreg.scid  }
0x8b: {  	s0 =	sand.u32 $0x1, s1  }
0x8c: {  	s16 =	sshll.u32 s0, $0xA;
	s2 =	sadd.s32 s3, s2  }
0x8d: {  	s2 =	sadd.s32 s2, s16  }
0x8e: {  	[smem:$0x3FBF] =	sst s2  }
0x8f: {  	_ = 	snop  }
0x90: {  	(tm) =	ssettm $0x1  }
0x91: {  	s17 =	sld [smem:$0x3FFB];
	_ =	sdelay $0x3  }
0x92: {  	_ =	strace s17  }
0x93: {  	s2 =	sld [smem:$0x3FFC];
	_ =	sdelay $0x3  }
0x94: {  	_ =	strace s2  }
0x95: {  	s2 =	sld [smem:$0x3FFD];
	_ =	sdelay $0x3  }
0x96: {  	_ =	strace s2  }
0x97: {  	_ =	strace $0x8FFFFFFF  }
0x98: {  	s18 =	sld [smem:$0x3FDB];
	_ =	sdelay $0x1  }
0x99: {  	s19 =	simm.s32 $_scs_section_size  }
0x9a: {  	s4 =	simm.s32 $_size__tile_overlayer_lowered;
	s5 =	simm.s32 $_tile_overlayer_lowered  }
0x9b: {  	s22 =	simm.s32 $0x1BFF;
	s21 =	sshll.u32 s5, $0x1;
	s2 =	sadd.s32 s19, s18  }
0x9c: {  	s6 =	simm.s32 $0x0;
	s20 =	sshll.u32 s4, $0x1;
	s4 =	sadd.s32 s21, s2  }
0x9d: {  	[timem:s6], [sflag:s22] =	dma.local [hbm:s4], s20  }
0x9e: {  	_ =	swait.ge [sflag:s22], s20  }
0x9f: {  	s3 =	ssub.s32 $0x0, s20;
	[sflag:s22] =	ssyncset.done $0x0  }
0xa0: {  	[sflag:s22] =	ssyncadd.s32 s3;
	_ =	sdelay $0x1  }
0xa1: {  	s23 =	simm.s32 $0x1B8B  }
0xa2: {  	_ =	swait.ge [sflag:s23], $0x1  }
0xa3: {  	[sflag:s23] =	ssyncset.done $0x0  }
0xa4: {  	s25 =	simm.s32 $0x1B8E;
	s24 =	sld [smem:$0x3FFE];
	[sflag:s23] =	ssyncadd.s32 $0xFFFFFFFF  }
0xa5: {  	s26 =	simm.s32 $execute0_lowered;
	[smem:$0x3FD2] =	sst s25  }
0xa6: {  	s4 =	sshll.u32 s26, $0x1;
	_ =	strace $0x80000049;
	[dreg:$0x1] =	wrdreg $0xFFFFFFFF  }
0xa7: {  	s28 =	simm.s32 $_size_execute0_lowered;
	s2 =	sadd.s32 s2, s4;
	[dreg:$0x0] =	wrdreg $0x0  }
0xa8: {  	s4 =	sshll.u32 s28, $0x1;
	[dreg:$0x2] =	wrdreg s2  }
0xa9: {  	[dreg:$0x3] =	wrdreg s4  }
0xaa: {  	[dreg:$0x4] =	wrdreg $0xC0  }
0xab: {  	_ =	task [dreg:s6], $0x5FFFF  }
0xac: {  	[dreg:$0x1] =	wrdreg $0xFFFFFFFF  }
0xad: {  	[dreg:$0x0] =	wrdreg $0x60  }
0xae: {  	[dreg:$0x2] =	wrdreg s24  }
0xaf: {  	[dreg:$0x3] =	wrdreg $0xB1000  }
0xb0: {  	[dreg:$0x4] =	wrdreg $0x9  }
0xb1: {  	_ =	task.clear_ibuf [dreg:s6], $0x5FFFF;
	_ =	strace $0x90000049  }
0xb2: {  	s29 =	simm.s32 $0x9;
	_ =	strace $0x8000004B  }
0xb3: {  	_ =	swait.ge [sflag:s29], $0x1  }
0xb4: {  	[sflag:s29] =	ssyncadd.s32 $0xFFFFFFFF  }
0xb5: {  	_ =	strace $0x9000004B  }
0xb6: {  	_ =	sfence  }
0xb7: {  	s30 =	sld [smem:$0x0];
	_ =	sdelay $0x2  }
0xb8: {  	s31 =	sshll.u32 s1, $0xD;
	s1 =	sshrl.u32 s1, $0x2  }
0xb9: {  	s3 =	sand.u32 $0x4000, s31;
	s1 =	sadd.s32 s1, s30  }
0xba: {  	s0 =	sor.u32 s3, s0;
	s1 =	sshll.u32 s1, $0x11  }
0xbb: {  	s0 =	sor.u32 s1, s0  }
0xbc: {  	s0 =	sadd.s32 $0x8F2B, s0  }
0xbd: {  	[sflag:s0] =	ssyncadd.remote.s32 $0x1  }
0xbe: {  	_ =	sfence.sel $0xFFFF  }
0xbf: {  	[dreg:$0x0] =	wrdreg $0xFFFFFFFF;
	(pc) =	sbr.abs _section_cstart, $3  }
0xc0: {  	[dreg:$0x1] =	wrdreg $0xFFFFFFFF  }
0xc1: {  	_ =	task.clear_ibuf [dreg:s6], $0x2FFFF;
	_ =	strace $0x9FFFFFFF  }
0xc2: {  	(tm) =	ssettm $0x7FFFFFFF  }
0xc3: {  	_ =	shalt  }
tec
execute0_lowered:
.L_overlay_start_1:
0x0: {  	(tag) =	ssettag $0x1  }
0x1: {  	s0 =	rddreg [dreg:$0x0]  }
0x2: {  	s1 =	rddreg [dreg:$0x1];
	s2 =	srdreg.scid  }
0x3: {  	s3 =	simm.s32 $0x0;
	s9 =	stileid.u32;
	s28 =	simm.s32 $0x4F00  }
0x4: {  	s29 =	simm.s32 $0x5100;
	s30 =	simm.s32 $0x4F80;
	s6 =	smul.u32 $0x2780, s9  }
0x5: {  	s31 =	simm.s32 $0x7100;
	s2 =	sand.u32 $0x1, s2;
	s8 =	smul.u32 $0x28000, s9  }
0x6: {  	[smem:$0x7FF] =	sst s3;
	s4 =	sadd.s32 $0x1E00, s0;
	s11 =	smul.u32 $0xA000, s9  }
0x7: {  	s5 =	smul.u32 $0x27800, s2;
	_ =	strace $0x8000004A;
	s25 =	ssub.s32 $0x2, s2  }
0x8: {  	s2 =	smul.u32 $0xA0000, s2;
	s7 =	sshrl.u32 s25, $0x1;
	s10 =	sshrl.u32 s8, $0x2  }
0x9: {  	s15 =	sadd.s32 s11, s1;
	s20 =	sadd.s32 $0x2000, s11;
	s23 =	sadd.s32 $0x4000, s11  }
0xa: {  	s24 =	sadd.s32 $0x6000, s11;
	s8 =	sadd.s32 $0x8000, s11;
	s5 =	sadd.s32 s6, s5  }
0xb: {  	s6 =	ssub.s32 s25, s7;
	s7 =	sadd.s32 s10, s1;
	[dreg:$0x5] =	wrdreg s15  }
0xc: {  	s19 =	sadd.s32 s2, s11;
	s21 =	sadd.s32 s2, s20;
	s15 =	sadd.s32 s20, s1  }
0xd: {  	s25 =	sadd.s32 s2, s24;
	s5 =	sshrl.u32 s5, $0x3;
	s16 =	smax.u32 s6, $0x1  }
0xe: {  	s17 =	sadd.s32 $0x2000, s7;
	s18 =	sadd.s32 $0x4000, s7;
	s12 =	sadd.s32 $0x6000, s7  }
0xf: {  	s13 =	sadd.s32 $0x8000, s7;
	s22 =	sshrl.u32 s21, $0x3;
	[dreg:$0x6] =	wrdreg s16  }
0x10: {  	s21 =	sadd.s32 s8, s1;
	s5 =	sadd.s32 s5, s0;
	[dreg:$0x7] =	wrdreg s17  }
0x11: {  	s6 =	simm.s32 $0x0;
	[dreg:$0x8] =	wrdreg s18;
	s26 =	sadd.s32 $0x64C00, s5  }
0x12: {  	s0 =	sadd.s32 $0x15800, s0;
	s5 =	sadd.s32 $0x5AE00, s5;
	[dreg:$0x3] =	wrdreg s26  }
0x13: {  	s17 =	sadd.s32 s23, s1;
	s16 =	sadd.s32 s0, s22;
	[dreg:$0x4] =	wrdreg s5  }
0x14: {  	s5 =	sshrl.u32 s19, $0x3;
	s26 =	sshrl.u32 s25, $0x3;
	s19 =	sadd.s32 s24, s1  }
0x15: {  	s25 =	simm.s32 $0x9100;
	s24 =	simm.s32 $0x2;
	s14 =	sadd.s32 s0, s5  }
0x16: {  	s5 =	sadd.s32 s2, s23;
	s2 =	sadd.s32 s2, s8;
	s20 =	sadd.s32 s0, s26  }
0x17: {  	s23 =	simm.s32 $0x3;
	s5 =	sshrl.u32 s5, $0x3;
	s2 =	sshrl.u32 s2, $0x3  }
0x18: {  	s26 =	simm.s32 $0x80;
	s18 =	sadd.s32 s0, s5;
	s22 =	sadd.s32 s0, s2  }
0x19: {  	v0 =	vimm.f32 $0.0e+00;
	s0 =	simm.s32 $0x1;
	s2 =	simm.s32 $0x5000;
	s5 =	simm.s32 $0x5080  }
.LBB2_1:
0x1a: {  	s8 =	rddreg [dreg:$0x3]  }
0x1b: {  	[tilespmem:s3], [sflag:$0x3] =	stream.linear.gather [hbm4b:s8+s3], $0x2780, $0x38;
	[tilespmem:$0x15100] =	vst v63  }
0x1c: {  	_ =	swait.ge [sflag:s23], $0x2780  }
0x1d: {  	[sflag:s23] =	ssyncset.done $0x0  }
0x1e: {  	s9 =	simm.s32 $0x2780;
	s11 =	rddreg [dreg:$0x4];
	[sflag:s23] =	ssyncadd.s32 $0xFFFFD880  }
0x1f: {  	[tilespmem:s9], [sflag:$0x3] =	stream.linear.gather [hbm4b:s11+s3], $0x2780, $0x38;
	[tilespmem:$0x15100] =	vst v63  }
0x20: {  	_ =	swait.ge [sflag:s23], $0x2780  }
0x21: {  	[sflag:s23] =	ssyncset.done $0x0  }
0x22: {  	s8 =	simm.s32 $0x0;
	s9 =	simm.s32 $0x100;
	[sflag:s23] =	ssyncadd.s32 $0xFFFFD880  }
.LBB2_2:
0x23: {  	p0 =	sne.s32 s9, $0x7F00;
	[tilespmem:s8+$0x9130] =	vst v0;
	s10 =	smov.u32 s9;
	s9 =	sadd.s32 $0x100, s9  }
.Ltmp0:
0x24: {  	[tilespmem:s8+$0x9120] =	vst v0;
	(pc) =	sbr.rel @p0 .LBB2_2-.Ltmp0, $3  }
0x25: {  	[tilespmem:s8+$0x9100] =	vst v0  }
0x26: {  	[tilespmem:s8+$0x9110] =	vst v0;
	_ =	sdelay $0x1  }
0x27: {  	s8 =	sshra.s32 s10, $0x2  }
0x28: {  	[tilespmem:s8+$0x9130] =	vst v0  }
0x29: {  	[tilespmem:s8+$0x9120] =	vst v0  }
0x2a: {  	[tilespmem:s8+$0x9100] =	vst v0  }
0x2b: {  	[tilespmem:s8+$0x9110] =	vst v0  }
0x2c: {  	[spmem:s7] =	stream.linear.scatter [tilespmem:s25], [sflag:$0x3], $0x2000, $0x38;
	[tilespmem:$0x15100] =	vst v63  }
0x2d: {  	_ =	swait.ge [sflag:s23], $0x2000  }
0x2e: {  	[sflag:s23] =	ssyncset.done $0x0  }
0x2f: {  	s9 =	rddreg [dreg:$0x7];
	[sflag:s23] =	ssyncadd.s32 $0xFFFFE000  }
0x30: {  	[spmem:s9] =	stream.linear.scatter [tilespmem:s25], [sflag:$0x3], $0x2000, $0x38;
	[tilespmem:$0x15100] =	vst v63  }
0x31: {  	_ =	swait.ge [sflag:s23], $0x2000  }
0x32: {  	[sflag:s23] =	ssyncset.done $0x0  }
0x33: {  	s10 =	rddreg [dreg:$0x8];
	[sflag:s23] =	ssyncadd.s32 $0xFFFFE000  }
0x34: {  	[spmem:s10] =	stream.linear.scatter [tilespmem:s25], [sflag:$0x3], $0x2000, $0x38;
	[tilespmem:$0x15100] =	vst v63  }
0x35: {  	_ =	swait.ge [sflag:s23], $0x2000  }
0x36: {  	[sflag:s23] =	ssyncset.done $0x0  }
0x37: {  	[sflag:s23] =	ssyncadd.s32 $0xFFFFE000  }
0x38: {  	[spmem:s12] =	stream.linear.scatter [tilespmem:s25], [sflag:$0x3], $0x2000, $0x38;
	[tilespmem:$0x15100] =	vst v63  }
0x39: {  	_ =	swait.ge [sflag:s23], $0x2000  }
0x3a: {  	[sflag:s23] =	ssyncset.done $0x0  }
0x3b: {  	[sflag:s23] =	ssyncadd.s32 $0xFFFFE000  }
0x3c: {  	[spmem:s13] =	stream.linear.scatter [tilespmem:s25], [sflag:$0x3], $0x2000, $0x38;
	[tilespmem:$0x15100] =	vst v63  }
0x3d: {  	_ =	swait.ge [sflag:s23], $0x2000  }
0x3e: {  	[sflag:s23] =	ssyncset.done $0x0  }
0x3f: {  	[sflag:s23] =	ssyncadd.s32 $0xFFFFE000  }
0x40: {  	[bflag:$0x0] =	sbarrier.arrive $0xFFFF  }
0x41: {  	v1 =	vld [tilespmem:$0x0]  }
0x42: {  	v2 =	vld [tilespmem:$0x2780]  }
0x43: {  	v3 =	vld [tilespmem:$0x10]  }
0x44: {  	v4 =	vld [tilespmem:$0x2790]  }
0x45: {  	v5 =	vld [tilespmem:$0x20]  }
0x46: {  	[tilespmem:$0x4F00] =	vst v1;
	v1 =	vld [tilespmem:$0x27A0]  }
0x47: {  	v60 =	vld [tilespmem:$0x40];
	[tilespmem:$0x5000] =	vst v2  }
0x48: {  	v61 =	vld [tilespmem:$0x27C0];
	[tilespmem:$0x4F10] =	vst v3  }
0x49: {  	v2 =	vld [tilespmem:$0x30];
	[tilespmem:$0x5010] =	vst v4  }
0x4a: {  	v3 =	vld [tilespmem:$0x27B0];
	[tilespmem:$0x4F20] =	vst v5  }
0x4b: {  	[tilespmem:$0x5020] =	vst v1;
	v1 =	vld [tilespmem:$0x50]  }
0x4c: {  	v62 =	vld [tilespmem:$0x27E0];
	[tilespmem:$0x4F40] =	vst v60  }
0x4d: {  	v63 =	vld [tilespmem:$0x70];
	[tilespmem:$0x5040] =	vst v61  }
0x4e: {  	[tilespmem:$0x4F30] =	vst v2;
	v2 =	vld [tilespmem:$0x27D0]  }
0x4f: {  	[tilespmem:$0x5030] =	vst v3;
	v3 =	vld [tilespmem:$0x60]  }
0x50: {  	[tilespmem:$0x4F50] =	vst v1;
	v1 =	vld [tilespmem:$0x27F0]  }
0x51: {  	[tilespmem:$0x5060] =	vst v62  }
0x52: {  	[tilespmem:$0x4F70] =	vst v63  }
0x53: {  	[tilespmem:$0x5050] =	vst v2  }
0x54: {  	[tilespmem:$0x4F60] =	vst v3  }
0x55: {  	s11 =	simm.s32 $0x0;
	[tilespmem:$0x5070] =	vst v1  }
0x56: {  	[tilespmem:s29], [sflag:$0x1] =	stream.indirect.gather [hbm4b:s4+s26], $0x40, s28, s26, $0xb8;
	[tilespmem:$0x15100] =	vst v63  }
0x57: {  	v1 =	vld [tilespmem:s11+$0x80];
	_ =	sdelay $0x4  }
0x58: {  	[tilespmem:$0x4F80] =	vst v1  }
0x59: {  	v1 =	vld [tilespmem:s11+$0x2800];
	_ =	sdelay $0x4  }
0x5a: {  	[tilespmem:$0x5080] =	vst v1  }
0x5b: {  	v1 =	vld [tilespmem:s11+$0x90];
	_ =	sdelay $0x4  }
0x5c: {  	[tilespmem:$0x4F90] =	vst v1  }
0x5d: {  	v1 =	vld [tilespmem:s11+$0x2810];
	_ =	sdelay $0x4  }
0x5e: {  	[tilespmem:$0x5090] =	vst v1  }
0x5f: {  	v1 =	vld [tilespmem:s11+$0xA0];
	_ =	sdelay $0x4  }
0x60: {  	[tilespmem:$0x4FA0] =	vst v1  }
0x61: {  	v1 =	vld [tilespmem:s11+$0x2820];
	_ =	sdelay $0x4  }
0x62: {  	[tilespmem:$0x50A0] =	vst v1  }
0x63: {  	v1 =	vld [tilespmem:s11+$0xB0];
	_ =	sdelay $0x4  }
0x64: {  	[tilespmem:$0x4FB0] =	vst v1  }
0x65: {  	v1 =	vld [tilespmem:s11+$0x2830];
	_ =	sdelay $0x4  }
0x66: {  	[tilespmem:$0x50B0] =	vst v1  }
0x67: {  	v1 =	vld [tilespmem:s11+$0xC0];
	_ =	sdelay $0x4  }
0x68: {  	[tilespmem:$0x4FC0] =	vst v1  }
0x69: {  	v1 =	vld [tilespmem:s11+$0x2840];
	_ =	sdelay $0x4  }
0x6a: {  	[tilespmem:$0x50C0] =	vst v1  }
0x6b: {  	v1 =	vld [tilespmem:s11+$0xD0];
	_ =	sdelay $0x4  }
0x6c: {  	[tilespmem:$0x4FD0] =	vst v1  }
0x6d: {  	v1 =	vld [tilespmem:s11+$0x2850];
	_ =	sdelay $0x4  }
0x6e: {  	[tilespmem:$0x50D0] =	vst v1  }
0x6f: {  	v1 =	vld [tilespmem:s11+$0xE0];
	_ =	sdelay $0x4  }
0x70: {  	[tilespmem:$0x4FE0] =	vst v1  }
0x71: {  	v1 =	vld [tilespmem:s11+$0x2860];
	_ =	sdelay $0x4  }
0x72: {  	[tilespmem:$0x50E0] =	vst v1  }
0x73: {  	v1 =	vld [tilespmem:s11+$0xF0];
	_ =	sdelay $0x4  }
0x74: {  	[tilespmem:$0x4FF0] =	vst v1  }
0x75: {  	v1 =	vld [tilespmem:s11+$0x2870];
	_ =	sdelay $0x4  }
0x76: {  	[tilespmem:$0x50F0] =	vst v1  }
0x77: {  	[tilespmem:s31], [sflag:$0x2] =	stream.indirect.gather [hbm4b:s4+s26], $0x40, s30, s26, $0xb8;
	[tilespmem:$0x15100] =	vst v63  }
0x78: {  	_ =	swait.ge [sflag:s0], $0x2000  }
0x79: {  	[sflag:s0] =	ssyncset.done $0x0  }
0x7a: {  	[sflag:s0] =	ssyncadd.s32 $0xFFFFE000  }
0x7b: {  	[spmem:s1] =	stream.indirect.scatter.add.f32 [tilespmem:s29], [sflag:$0x3], $0x40, s2, s26, $0xb8;
	[tilespmem:$0x15100] =	vst v63  }
0x7c: {  	_ =	swait.ge [sflag:s23], $0x2000  }
0x7d: {  	[sflag:s23] =	ssyncset.done $0x0  }
0x7e: {  	[sflag:s23] =	ssyncadd.s32 $0xFFFFE000  }
0x7f: {  	v1 =	vld [tilespmem:s11+$0x100];
	_ =	sdelay $0x4  }
0x80: {  	[tilespmem:$0x4F00] =	vst v1  }
0x81: {  	v1 =	vld [tilespmem:s11+$0x2880];
	_ =	sdelay $0x4  }
0x82: {  	[tilespmem:$0x5000] =	vst v1  }
0x83: {  	v1 =	vld [tilespmem:s11+$0x110];
	_ =	sdelay $0x4  }
0x84: {  	[tilespmem:$0x4F10] =	vst v1  }
0x85: {  	v1 =	vld [tilespmem:s11+$0x2890];
	_ =	sdelay $0x4  }
0x86: {  	[tilespmem:$0x5010] =	vst v1  }
0x87: {  	v1 =	vld [tilespmem:s11+$0x120];
	_ =	sdelay $0x4  }
0x88: {  	[tilespmem:$0x4F20] =	vst v1  }
0x89: {  	v1 =	vld [tilespmem:s11+$0x28A0];
	_ =	sdelay $0x4  }
0x8a: {  	[tilespmem:$0x5020] =	vst v1  }
0x8b: {  	v1 =	vld [tilespmem:s11+$0x130];
	_ =	sdelay $0x4  }
0x8c: {  	[tilespmem:$0x4F30] =	vst v1  }
0x8d: {  	v1 =	vld [tilespmem:s11+$0x28B0];
	_ =	sdelay $0x4  }
0x8e: {  	[tilespmem:$0x5030] =	vst v1  }
0x8f: {  	v1 =	vld [tilespmem:s11+$0x140];
	_ =	sdelay $0x4  }
0x90: {  	[tilespmem:$0x4F40] =	vst v1  }
0x91: {  	v1 =	vld [tilespmem:s11+$0x28C0];
	_ =	sdelay $0x4  }
0x92: {  	[tilespmem:$0x5040] =	vst v1  }
0x93: {  	v1 =	vld [tilespmem:s11+$0x150];
	_ =	sdelay $0x4  }
0x94: {  	[tilespmem:$0x4F50] =	vst v1  }
0x95: {  	v1 =	vld [tilespmem:s11+$0x28D0];
	_ =	sdelay $0x4  }
0x96: {  	[tilespmem:$0x5050] =	vst v1  }
0x97: {  	v1 =	vld [tilespmem:s11+$0x160];
	_ =	sdelay $0x4  }
0x98: {  	[tilespmem:$0x4F60] =	vst v1  }
0x99: {  	v1 =	vld [tilespmem:s11+$0x28E0];
	_ =	sdelay $0x4  }
0x9a: {  	[tilespmem:$0x5060] =	vst v1  }
0x9b: {  	v1 =	vld [tilespmem:s11+$0x170];
	_ =	sdelay $0x4  }
0x9c: {  	[tilespmem:$0x4F70] =	vst v1  }
0x9d: {  	v1 =	vld [tilespmem:s11+$0x28F0];
	_ =	sdelay $0x4  }
0x9e: {  	[tilespmem:$0x5070] =	vst v1  }
0x9f: {  	[tilespmem:s29], [sflag:$0x1] =	stream.indirect.gather [hbm4b:s4+s26], $0x40, s28, s26, $0xb8;
	[tilespmem:$0x15100] =	vst v63  }
0xa0: {  	_ =	swait.ge [sflag:s24], $0x2000  }
0xa1: {  	[sflag:s24] =	ssyncset.done $0x0  }
0xa2: {  	[sflag:s24] =	ssyncadd.s32 $0xFFFFE000  }
0xa3: {  	[spmem:s1] =	stream.indirect.scatter.add.f32 [tilespmem:s31], [sflag:$0x3], $0x40, s5, s26, $0xb8;
	[tilespmem:$0x15100] =	vst v63  }
0xa4: {  	_ =	swait.ge [sflag:s23], $0x2000  }
0xa5: {  	s8 =	simm.s32 $0x400;
	s9 =	simm.s32 $0x800;
	[sflag:s23] =	ssyncset.done $0x0  }
.LBB2_4:
0xa6: {  	s10 =	sshra.s32 s8, $0x2  }
0xa7: {  	[sflag:s23] =	ssyncadd.s32 $0xFFFFE000;
	s8 =	smov.u32 s9;
	s11 =	sadd.s32 $0x400, s9  }
0xa8: {  	p0 =	sne.s32 s9, $0x9800;
	v1 =	vld [tilespmem:s10+$0x80];
	_ =	sdelay $0x4  }
0xa9: {  	[tilespmem:$0x4F80] =	vst v1  }
0xaa: {  	v1 =	vld [tilespmem:s10+$0x2800];
	_ =	sdelay $0x4  }
0xab: {  	[tilespmem:$0x5080] =	vst v1  }
0xac: {  	v1 =	vld [tilespmem:s10+$0x90];
	_ =	sdelay $0x4  }
0xad: {  	[tilespmem:$0x4F90] =	vst v1  }
0xae: {  	v1 =	vld [tilespmem:s10+$0x2810];
	_ =	sdelay $0x4  }
0xaf: {  	[tilespmem:$0x5090] =	vst v1  }
0xb0: {  	v1 =	vld [tilespmem:s10+$0xA0];
	_ =	sdelay $0x4  }
0xb1: {  	[tilespmem:$0x4FA0] =	vst v1  }
0xb2: {  	v1 =	vld [tilespmem:s10+$0x2820];
	_ =	sdelay $0x4  }
0xb3: {  	[tilespmem:$0x50A0] =	vst v1  }
0xb4: {  	v1 =	vld [tilespmem:s10+$0xB0];
	_ =	sdelay $0x4  }
0xb5: {  	[tilespmem:$0x4FB0] =	vst v1  }
0xb6: {  	v1 =	vld [tilespmem:s10+$0x2830];
	_ =	sdelay $0x4  }
0xb7: {  	[tilespmem:$0x50B0] =	vst v1  }
0xb8: {  	v1 =	vld [tilespmem:s10+$0xC0];
	_ =	sdelay $0x4  }
0xb9: {  	[tilespmem:$0x4FC0] =	vst v1  }
0xba: {  	v1 =	vld [tilespmem:s10+$0x2840];
	_ =	sdelay $0x4  }
0xbb: {  	[tilespmem:$0x50C0] =	vst v1  }
0xbc: {  	v1 =	vld [tilespmem:s10+$0xD0];
	_ =	sdelay $0x4  }
0xbd: {  	[tilespmem:$0x4FD0] =	vst v1  }
0xbe: {  	v1 =	vld [tilespmem:s10+$0x2850];
	_ =	sdelay $0x4  }
0xbf: {  	[tilespmem:$0x50D0] =	vst v1  }
0xc0: {  	v1 =	vld [tilespmem:s10+$0xE0];
	_ =	sdelay $0x4  }
0xc1: {  	[tilespmem:$0x4FE0] =	vst v1  }
0xc2: {  	v1 =	vld [tilespmem:s10+$0x2860];
	_ =	sdelay $0x4  }
0xc3: {  	[tilespmem:$0x50E0] =	vst v1  }
0xc4: {  	v1 =	vld [tilespmem:s10+$0xF0];
	_ =	sdelay $0x4  }
0xc5: {  	[tilespmem:$0x4FF0] =	vst v1  }
0xc6: {  	v1 =	vld [tilespmem:s10+$0x2870];
	_ =	sdelay $0x4  }
0xc7: {  	[tilespmem:$0x50F0] =	vst v1  }
0xc8: {  	[tilespmem:s31], [sflag:$0x2] =	stream.indirect.gather [hbm4b:s4+s26], $0x40, s30, s26, $0xb8;
	[tilespmem:$0x15100] =	vst v63  }
0xc9: {  	_ =	swait.ge [sflag:s0], $0x2000  }
0xca: {  	[sflag:s0] =	ssyncset.done $0x0  }
0xcb: {  	[sflag:s0] =	ssyncadd.s32 $0xFFFFE000  }
0xcc: {  	[spmem:s1] =	stream.indirect.scatter.add.f32 [tilespmem:s29], [sflag:$0x3], $0x40, s2, s26, $0xb8;
	[tilespmem:$0x15100] =	vst v63  }
0xcd: {  	_ =	swait.ge [sflag:s23], $0x2000  }
0xce: {  	[sflag:s23] =	ssyncset.done $0x0  }
0xcf: {  	[sflag:s23] =	ssyncadd.s32 $0xFFFFE000  }
0xd0: {  	v1 =	vld [tilespmem:s10+$0x100];
	_ =	sdelay $0x4  }
0xd1: {  	[tilespmem:$0x4F00] =	vst v1  }
0xd2: {  	v1 =	vld [tilespmem:s10+$0x2880];
	_ =	sdelay $0x4  }
0xd3: {  	[tilespmem:$0x5000] =	vst v1  }
0xd4: {  	v1 =	vld [tilespmem:s10+$0x110];
	_ =	sdelay $0x4  }
0xd5: {  	[tilespmem:$0x4F10] =	vst v1  }
0xd6: {  	v1 =	vld [tilespmem:s10+$0x2890];
	_ =	sdelay $0x4  }
0xd7: {  	[tilespmem:$0x5010] =	vst v1  }
0xd8: {  	v1 =	vld [tilespmem:s10+$0x120];
	_ =	sdelay $0x4  }
0xd9: {  	[tilespmem:$0x4F20] =	vst v1  }
0xda: {  	v1 =	vld [tilespmem:s10+$0x28A0];
	_ =	sdelay $0x4  }
0xdb: {  	[tilespmem:$0x5020] =	vst v1  }
0xdc: {  	v1 =	vld [tilespmem:s10+$0x130];
	_ =	sdelay $0x4  }
0xdd: {  	[tilespmem:$0x4F30] =	vst v1  }
0xde: {  	v1 =	vld [tilespmem:s10+$0x28B0];
	_ =	sdelay $0x4  }
0xdf: {  	[tilespmem:$0x5030] =	vst v1  }
0xe0: {  	v1 =	vld [tilespmem:s10+$0x140];
	_ =	sdelay $0x4  }
0xe1: {  	[tilespmem:$0x4F40] =	vst v1  }
0xe2: {  	v1 =	vld [tilespmem:s10+$0x28C0];
	_ =	sdelay $0x4  }
0xe3: {  	[tilespmem:$0x5040] =	vst v1  }
0xe4: {  	v1 =	vld [tilespmem:s10+$0x150];
	_ =	sdelay $0x4  }
0xe5: {  	[tilespmem:$0x4F50] =	vst v1  }
0xe6: {  	v1 =	vld [tilespmem:s10+$0x28D0];
	_ =	sdelay $0x4  }
0xe7: {  	[tilespmem:$0x5050] =	vst v1  }
0xe8: {  	v1 =	vld [tilespmem:s10+$0x160];
	_ =	sdelay $0x4  }
0xe9: {  	[tilespmem:$0x4F60] =	vst v1  }
0xea: {  	v1 =	vld [tilespmem:s10+$0x28E0];
	_ =	sdelay $0x4  }
0xeb: {  	[tilespmem:$0x5060] =	vst v1  }
0xec: {  	v1 =	vld [tilespmem:s10+$0x170];
	_ =	sdelay $0x4  }
0xed: {  	[tilespmem:$0x4F70] =	vst v1  }
0xee: {  	v1 =	vld [tilespmem:s10+$0x28F0];
	_ =	sdelay $0x4  }
0xef: {  	[tilespmem:$0x5070] =	vst v1  }
0xf0: {  	[tilespmem:s29], [sflag:$0x1] =	stream.indirect.gather [hbm4b:s4+s26], $0x40, s28, s26, $0xb8;
	[tilespmem:$0x15100] =	vst v63  }
0xf1: {  	_ =	swait.ge [sflag:s24], $0x2000  }
.Ltmp1:
0xf2: {  	[sflag:s24] =	ssyncset.done $0x0;
	(pc) =	sbr.rel @p0 .LBB2_4-.Ltmp1, $4  }
0xf3: {  	[sflag:s24] =	ssyncadd.s32 $0xFFFFE000  }
0xf4: {  	[spmem:s1] =	stream.indirect.scatter.add.f32 [tilespmem:s31], [sflag:$0x3], $0x40, s5, s26, $0xb8;
	[tilespmem:$0x15100] =	vst v63  }
0xf5: {  	_ =	swait.ge [sflag:s23], $0x2000  }
0xf6: {  	s9 =	smov.u32 s11;
	[sflag:s23] =	ssyncset.done $0x0  }
0xf7: {  	s8 =	sshra.s32 s8, $0x2;
	[sflag:s23] =	ssyncadd.s32 $0xFFFFE000  }
0xf8: {  	v1 =	vld [tilespmem:s8+$0x80];
	_ =	sdelay $0x4  }
0xf9: {  	[tilespmem:$0x4F80] =	vst v1  }
0xfa: {  	v1 =	vld [tilespmem:s8+$0x2800];
	_ =	sdelay $0x4  }
0xfb: {  	[tilespmem:$0x5080] =	vst v1  }
0xfc: {  	v1 =	vld [tilespmem:s8+$0x90];
	_ =	sdelay $0x4  }
0xfd: {  	[tilespmem:$0x4F90] =	vst v1  }
0xfe: {  	v1 =	vld [tilespmem:s8+$0x2810];
	_ =	sdelay $0x4  }
0xff: {  	[tilespmem:$0x5090] =	vst v1  }
0x100: {  	v1 =	vld [tilespmem:s8+$0xA0];
	_ =	sdelay $0x4  }
0x101: {  	[tilespmem:$0x4FA0] =	vst v1  }
0x102: {  	v1 =	vld [tilespmem:s8+$0x2820];
	_ =	sdelay $0x4  }
0x103: {  	[tilespmem:$0x50A0] =	vst v1  }
0x104: {  	v1 =	vld [tilespmem:s8+$0xB0];
	_ =	sdelay $0x4  }
0x105: {  	[tilespmem:$0x4FB0] =	vst v1  }
0x106: {  	v1 =	vld [tilespmem:s8+$0x2830];
	_ =	sdelay $0x4  }
0x107: {  	[tilespmem:$0x50B0] =	vst v1  }
0x108: {  	v1 =	vld [tilespmem:s8+$0xC0];
	_ =	sdelay $0x4  }
0x109: {  	[tilespmem:$0x4FC0] =	vst v1  }
0x10a: {  	v1 =	vld [tilespmem:s8+$0x2840];
	_ =	sdelay $0x4  }
0x10b: {  	[tilespmem:$0x50C0] =	vst v1  }
0x10c: {  	v1 =	vld [tilespmem:s8+$0xD0];
	_ =	sdelay $0x4  }
0x10d: {  	[tilespmem:$0x4FD0] =	vst v1  }
0x10e: {  	v1 =	vld [tilespmem:s8+$0x2850];
	_ =	sdelay $0x4  }
0x10f: {  	[tilespmem:$0x50D0] =	vst v1  }
0x110: {  	v1 =	vld [tilespmem:s8+$0xE0];
	_ =	sdelay $0x4  }
0x111: {  	[tilespmem:$0x4FE0] =	vst v1  }
0x112: {  	v1 =	vld [tilespmem:s8+$0x2860];
	_ =	sdelay $0x4  }
0x113: {  	[tilespmem:$0x50E0] =	vst v1  }
0x114: {  	v1 =	vld [tilespmem:s8+$0xF0];
	_ =	sdelay $0x4  }
0x115: {  	[tilespmem:$0x4FF0] =	vst v1  }
0x116: {  	v1 =	vld [tilespmem:s8+$0x2870];
	_ =	sdelay $0x4  }
0x117: {  	[tilespmem:$0x50F0] =	vst v1  }
0x118: {  	[tilespmem:s31], [sflag:$0x2] =	stream.indirect.gather [hbm4b:s4+s26], $0x40, s30, s26, $0xb8;
	[tilespmem:$0x15100] =	vst v63  }
0x119: {  	_ =	swait.ge [sflag:s0], $0x2000  }
0x11a: {  	[sflag:s0] =	ssyncset.done $0x0  }
0x11b: {  	[sflag:s0] =	ssyncadd.s32 $0xFFFFE000  }
0x11c: {  	[spmem:s1] =	stream.indirect.scatter.add.f32 [tilespmem:s29], [sflag:$0x3], $0x40, s2, s26, $0xb8;
	[tilespmem:$0x15100] =	vst v63  }
0x11d: {  	_ =	swait.ge [sflag:s23], $0x2000  }
0x11e: {  	[sflag:s23] =	ssyncset.done $0x0  }
0x11f: {  	[sflag:s23] =	ssyncadd.s32 $0xFFFFE000  }
0x120: {  	v1 =	vld [tilespmem:s8+$0x100];
	_ =	sdelay $0x4  }
0x121: {  	[tilespmem:$0x4F00] =	vst v1  }
0x122: {  	v1 =	vld [tilespmem:s8+$0x2880];
	_ =	sdelay $0x4  }
0x123: {  	[tilespmem:$0x5000] =	vst v1  }
0x124: {  	v1 =	vld [tilespmem:s8+$0x110];
	_ =	sdelay $0x4  }
0x125: {  	[tilespmem:$0x4F10] =	vst v1  }
0x126: {  	v1 =	vld [tilespmem:s8+$0x2890];
	_ =	sdelay $0x4  }
0x127: {  	[tilespmem:$0x5010] =	vst v1  }
0x128: {  	v1 =	vld [tilespmem:s8+$0x120];
	_ =	sdelay $0x4  }
0x129: {  	[tilespmem:$0x4F20] =	vst v1  }
0x12a: {  	v1 =	vld [tilespmem:s8+$0x28A0];
	_ =	sdelay $0x4  }
0x12b: {  	[tilespmem:$0x5020] =	vst v1  }
0x12c: {  	v1 =	vld [tilespmem:s8+$0x130];
	_ =	sdelay $0x4  }
0x12d: {  	[tilespmem:$0x4F30] =	vst v1  }
0x12e: {  	v1 =	vld [tilespmem:s8+$0x28B0];
	_ =	sdelay $0x4  }
0x12f: {  	[tilespmem:$0x5030] =	vst v1  }
0x130: {  	v1 =	vld [tilespmem:s8+$0x140];
	_ =	sdelay $0x4  }
0x131: {  	[tilespmem:$0x4F40] =	vst v1  }
0x132: {  	v1 =	vld [tilespmem:s8+$0x28C0];
	_ =	sdelay $0x4  }
0x133: {  	[tilespmem:$0x5040] =	vst v1  }
0x134: {  	v1 =	vld [tilespmem:s8+$0x150];
	_ =	sdelay $0x4  }
0x135: {  	[tilespmem:$0x4F50] =	vst v1  }
0x136: {  	v1 =	vld [tilespmem:s8+$0x28D0];
	_ =	sdelay $0x4  }
0x137: {  	[tilespmem:$0x5050] =	vst v1  }
0x138: {  	v1 =	vld [tilespmem:s8+$0x160];
	_ =	sdelay $0x4  }
0x139: {  	[tilespmem:$0x4F60] =	vst v1  }
0x13a: {  	v1 =	vld [tilespmem:s8+$0x28E0];
	_ =	sdelay $0x4  }
0x13b: {  	[tilespmem:$0x5060] =	vst v1  }
0x13c: {  	v1 =	vld [tilespmem:s8+$0x170];
	_ =	sdelay $0x4  }
0x13d: {  	[tilespmem:$0x4F70] =	vst v1  }
0x13e: {  	v1 =	vld [tilespmem:s8+$0x28F0];
	_ =	sdelay $0x4  }
0x13f: {  	[tilespmem:$0x5070] =	vst v1  }
0x140: {  	[tilespmem:s29], [sflag:$0x1] =	stream.indirect.gather [hbm4b:s4+s26], $0x40, s28, s26, $0xb8;
	[tilespmem:$0x15100] =	vst v63  }
0x141: {  	_ =	swait.ge [sflag:s24], $0x2000  }
0x142: {  	[sflag:s24] =	ssyncset.done $0x0  }
0x143: {  	[sflag:s24] =	ssyncadd.s32 $0xFFFFE000  }
0x144: {  	[spmem:s1] =	stream.indirect.scatter.add.f32 [tilespmem:s31], [sflag:$0x3], $0x40, s5, s26, $0xb8;
	[tilespmem:$0x15100] =	vst v63  }
0x145: {  	_ =	swait.ge [sflag:s23], $0x2000  }
0x146: {  	[sflag:s23] =	ssyncset.done $0x0  }
0x147: {  	[sflag:s23] =	ssyncadd.s32 $0xFFFFE000  }
0x148: {  	_ =	swait.ge [sflag:s0], $0x2000  }
0x149: {  	[sflag:s0] =	ssyncset.done $0x0  }
0x14a: {  	[sflag:s0] =	ssyncadd.s32 $0xFFFFE000  }
0x14b: {  	[spmem:s1] =	stream.indirect.scatter.add.f32 [tilespmem:s29], [sflag:$0x3], $0x40, s2, s26, $0xb8;
	[tilespmem:$0x15100] =	vst v63  }
0x14c: {  	_ =	swait.ge [sflag:s23], $0x2000  }
0x14d: {  	[sflag:s23] =	ssyncset.done $0x0  }
0x14e: {  	[sflag:s23] =	ssyncadd.s32 $0xFFFFE000  }
0x14f: {  	[bflag:$0x0] =	sbarrier.arrive $0xFFFF  }
0x150: {  	s10 =	rddreg [dreg:$0x5]  }
0x151: {  	[tilespmem:s25], [sflag:$0x3] =	stream.linear.gather [spmem:s10], $0x2000, $0x38;
	[tilespmem:$0x15100] =	vst v63  }
0x152: {  	_ =	swait.ge [sflag:s23], $0x2000  }
0x153: {  	[sflag:s23] =	ssyncset.done $0x0  }
0x154: {  	[sflag:s23] =	ssyncadd.s32 $0xFFFFE000  }
0x155: {  	[hbm4b:s14+s3] =	stream.linear.scatter [tilespmem:s25], [sflag:$0x3], $0x2000, $0x38;
	[tilespmem:$0x15100] =	vst v63  }
0x156: {  	_ =	swait.ge [sflag:s23], $0x2000  }
0x157: {  	[sflag:s23] =	ssyncset.done $0x0  }
0x158: {  	[sflag:s23] =	ssyncadd.s32 $0xFFFFE000  }
0x159: {  	[tilespmem:s25], [sflag:$0x3] =	stream.linear.gather [spmem:s15], $0x2000, $0x38;
	[tilespmem:$0x15100] =	vst v63  }
0x15a: {  	_ =	swait.ge [sflag:s23], $0x2000  }
0x15b: {  	[sflag:s23] =	ssyncset.done $0x0  }
0x15c: {  	[sflag:s23] =	ssyncadd.s32 $0xFFFFE000  }
0x15d: {  	[hbm4b:s16+s3] =	stream.linear.scatter [tilespmem:s25], [sflag:$0x3], $0x2000, $0x38;
	[tilespmem:$0x15100] =	vst v63  }
0x15e: {  	_ =	swait.ge [sflag:s23], $0x2000  }
0x15f: {  	[sflag:s23] =	ssyncset.done $0x0  }
0x160: {  	[sflag:s23] =	ssyncadd.s32 $0xFFFFE000  }
0x161: {  	[tilespmem:s25], [sflag:$0x3] =	stream.linear.gather [spmem:s17], $0x2000, $0x38;
	[tilespmem:$0x15100] =	vst v63  }
0x162: {  	_ =	swait.ge [sflag:s23], $0x2000  }
0x163: {  	[sflag:s23] =	ssyncset.done $0x0  }
0x164: {  	[sflag:s23] =	ssyncadd.s32 $0xFFFFE000  }
0x165: {  	[hbm4b:s18+s3] =	stream.linear.scatter [tilespmem:s25], [sflag:$0x3], $0x2000, $0x38;
	[tilespmem:$0x15100] =	vst v63  }
0x166: {  	_ =	swait.ge [sflag:s23], $0x2000  }
0x167: {  	[sflag:s23] =	ssyncset.done $0x0  }
0x168: {  	[sflag:s23] =	ssyncadd.s32 $0xFFFFE000  }
0x169: {  	[tilespmem:s25], [sflag:$0x3] =	stream.linear.gather [spmem:s19], $0x2000, $0x38;
	[tilespmem:$0x15100] =	vst v63  }
0x16a: {  	_ =	swait.ge [sflag:s23], $0x2000  }
0x16b: {  	[sflag:s23] =	ssyncset.done $0x0  }
0x16c: {  	[sflag:s23] =	ssyncadd.s32 $0xFFFFE000  }
0x16d: {  	[hbm4b:s20+s3] =	stream.linear.scatter [tilespmem:s25], [sflag:$0x3], $0x2000, $0x38;
	[tilespmem:$0x15100] =	vst v63  }
0x16e: {  	_ =	swait.ge [sflag:s23], $0x2000  }
0x16f: {  	[sflag:s23] =	ssyncset.done $0x0  }
0x170: {  	[sflag:s23] =	ssyncadd.s32 $0xFFFFE000  }
0x171: {  	[tilespmem:s25], [sflag:$0x3] =	stream.linear.gather [spmem:s21], $0x2000, $0x38;
	[tilespmem:$0x15100] =	vst v63  }
0x172: {  	_ =	swait.ge [sflag:s23], $0x2000  }
0x173: {  	[sflag:s23] =	ssyncset.done $0x0  }
0x174: {  	[sflag:s23] =	ssyncadd.s32 $0xFFFFE000  }
0x175: {  	[hbm4b:s22+s3] =	stream.linear.scatter [tilespmem:s25], [sflag:$0x3], $0x2000, $0x38;
	[tilespmem:$0x15100] =	vst v63  }
0x176: {  	_ =	swait.ge [sflag:s23], $0x2000  }
0x177: {  	s6 =	sadd.s32 $0x1, s6;
	s11 =	rddreg [dreg:$0x6]  }
0x178: {  	p0 =	sne.s32 s6, s11  }
.Ltmp2:
0x179: {  	_ = 	snop;
	(pc) =	sbr.rel @p0 .LBB2_1-.Ltmp2, $3  }
0x17a: {  	_ =	sdelay $0x1  }
0x17b: {  	[sflag:s23] =	ssyncset.done $0x0  }
0x17c: {  	[sflag:s23] =	ssyncadd.s32 $0xFFFFE000  }
0x17d: {  	_ =	sfence.sel $0x180000  }
0x17e: {  	[bflag:$0x0] =	sbarrier.arrive $0xFFFF  }
0x17f: {  	_ =	strace $0x9000004A  }
0x180: {  	s0 =	stileid.u32;
	[bflag:$0x2] =	sbarrier.arrive $0xFFFF  }
0x181: {  	p0 =	sne.s32 s0, $0x0;
	s0 =	rddreg [dreg:$0x2]  }
0x182: {  	s0 =	sadd.s32 @!p0 $0x100000, s0  }
0x183: {  	[sflag:s0] =	ssyncadd.tile.s32 @!p0 $0x1;
	_ =	shalt  }
.Lfunc_end2:
_tile_overlayer_lowered:
.L_overlay_start_2:
0x184: {  	(tag) =	ssettag $0x2  }
0x185: {  	s0 =	rddreg [dreg:$0x0];
	s2 =	stileid.u32  }
0x186: {  	s1 =	rddreg [dreg:$0x1];
	p0 =	sne.s32 s2, $0x0  }
0x187: {  	s3 =	rddreg [dreg:$0x2];
	[bflag:$0x3] =	sbarrier.arrive $0xFFFF;
	s2 =	simm.s32 @!p0 $0x1C03  }
0x188: {  	[timem:s3], [sflag:s2] =	dma.local @!p0 [hbm:s0], s1  }
0x189: {  	s0 =	simm.s32 @!p0 $0x3  }
0x18a: {  	_ =	swait.ge @!p0 [sflag:s0], s1  }
0x18b: {  	s1 =	ssub.s32 @!p0 $0x0, s1;
	[sflag:s0] =	ssyncset.done @!p0 $0x0  }
0x18c: {  	[sflag:s0] =	ssyncadd.s32 @!p0 s1  }
0x18d: {  	[bflag:$0x3] =	sbarrier.arrive $0xFFFF  }
0x18e: {  	_ =	shalt  }

// kernel: kernel.14.cloned.1.call-start
scs
__scs_entry_jumppad:
0x0: {  	(pc) =	sbr.rel $0x88, $3  }
0x1: {  	(tag) =	ssettag $0x0;
	lr =	simm.s32 $0x1  }
0x2: {  	[smem:$0x3F98] =	sst lr;
	_ =	strace $0xD0000000  }
0x3: {  	_ = 	snop  }
0x4: {  	_ = 	snop  }
0x5: {  	_ = 	snop  }
0x6: {  	_ = 	snop  }
0x7: {  	_ = 	snop  }
__scs_overlays_trampoline_lowered:
0x8: {  	[smem:$0x3FA7] =	sst s0  }
0x9: {  	[smem:$0x3FA8] =	sst s1  }
0xa: {  	[smem:$0x3FA9] =	sst s2  }
0xb: {  	[smem:$0x3FAA] =	sst s3  }
0xc: {  	[smem:$0x3FAB] =	sst s4  }
0xd: {  	[smem:$0x3FAC] =	sst s5  }
0xe: {  	[smem:$0x3FAD] =	sst s6  }
0xf: {  	[smem:$0x3FAE] =	sst s7  }
0x10: {  	[smem:$0x3FAF] =	sst s8  }
0x11: {  	[smem:$0x3FB0] =	sst s9;
	s0 =	simm.s32 @!p0 $0x0  }
0x12: {  	s1 =	sld [smem:$0x3F96];
	s0 =	simm.s32 @p0 $0x1  }
0x13: {  	[smem:$0x3FB1] =	sst s0;
	s0 =	simm.s32 @!p1 $0x0  }
0x14: {  	s2 =	sld [smem:$0x3F95];
	s0 =	simm.s32 @p1 $0x1  }
0x15: {  	[smem:$0x3FB2] =	sst s0;
	s0 =	simm.s32 @!p2 $0x0  }
0x16: {  	s3 =	sld [smem:$0x3FDB];
	s0 =	simm.s32 @p2 $0x1  }
0x17: {  	s4 =	simm.s32 $0x1BF5;
	[smem:$0x3FB4] =	sst s0  }
0x18: {  	s0 =	sld [smem:$0x3F97];
	_ =	swait.ge [sflag:s4], $0x0  }
0x19: {  	s7 =	sld [smem:$0x3F98]  }
0x1a: {  	s8 =	sadd.s32 $0xFFFFE003, lr  }
0x1b: {  	s9 =	sadd.s32 $0xFFFFFEF7, lr;
	s5 =	simm.s32 $0xFFFFFFFF;
	p2 =	slt.u32 s8, $0xFFFFF086  }
0x1c: {  	p1 =	slt.u32 s9, $0xF7A;
	s5 =	simm.s32 @!p2 $0x0  }
0x1d: {  	s5 =	simm.s32 @p1 $0x1;
	p0 =	seq.s32 s7, s2  }
0x1e: {  	s7 =	smul.u32 @!p0 $0xF7A, s2;
	p2 =	seq.s32 @!p0 s5, $0x0  }
0x1f: {  	s9 =	smul.u32 $0xF7A, s1;
	s8 =	simm.s32 @!p0 $0x1BF5;
	p2 =	por !p2, p0  }
0x20: {  	[sflag:s8] =	ssyncset.s32 @!p0 $0xFFFFF086;
	s6 =	sadd.s32 @!p0 s3, s7;
	s7 =	simm.s32 @!p0 $0x108  }
0x21: {  	s3 =	sadd.s32 s3, s9;
	s6 =	sadd.s32 @!p0 $0x88, s6;
	s7 =	simm.s32 @p2 $0x1082  }
0x22: {  	[simem:s7], [sflag:s8] =	dma.local @!p0 [hbm:s6], $0xF7A  }
0x23: {  	s9 =	sor.u32 $0xD0000000, s2;
	s6 =	simm.s32 $0x108;
	_ =	swait.ge @!p0 [sflag:s8], $0x0  }
0x24: {  	s3 =	sadd.s32 $0x88, s3;
	s6 =	simm.s32 @!p1 $0x1082;
	[sflag:s4] =	ssyncset.s32 $0xFFFFF086  }
0x25: {  	[simem:s6], [sflag:s4] =	dma.local [hbm:s3], $0xF7A  }
0x26: {  	[smem:$0x3F98] =	sst s1;
	(tag) =	ssettag s2;
	_ =	strace s9  }
0x27: {  	s1 =	sld [smem:$0x3FA8]  }
0x28: {  	s2 =	sld [smem:$0x3FA9]  }
0x29: {  	s4 =	sld [smem:$0x3FAB]  }
0x2a: {  	p0 =	seq.s32 s5, $0x0;
	s5 =	sld [smem:$0x3FAC]  }
0x2b: {  	s6 =	sld [smem:$0x3FAD]  }
0x2c: {  	s7 =	sld [smem:$0x3FAE]  }
0x2d: {  	s3 =	simm.s32 $0x108;
	s8 =	sld [smem:$0x3FAF]  }
0x2e: {  	s3 =	simm.s32 @!p0 $0x1082;
	s9 =	sld [smem:$0x3FB0]  }
0x2f: {  	lr =	sadd.s32 s0, s3;
	s0 =	sld [smem:$0x3FA7]  }
0x30: {  	s3 =	sld [smem:$0x3FAA]  }
0x31: {  	[smem:$0x3FB3] =	sst s10  }
0x32: {  	s10 =	sld [smem:$0x3FB1];
	_ =	sdelay $0x3  }
0x33: {  	p0 =	seq.s32 s10, $0x1;
	s10 =	sld [smem:$0x3FB3];
	_ =	sdelay $0x3  }
0x34: {  	[smem:$0x3FB3] =	sst s10  }
0x35: {  	s10 =	sld [smem:$0x3FB2];
	_ =	sdelay $0x3  }
0x36: {  	p1 =	seq.s32 s10, $0x1;
	s10 =	sld [smem:$0x3FB3];
	_ =	sdelay $0x3  }
0x37: {  	[smem:$0x3FB3] =	sst s10  }
0x38: {  	s10 =	sld [smem:$0x3FB4]  }
0x39: {  	_ = 	snop;
	(pc) =	sbr.ind lr, $3  }
0x3a: {  	_ = 	snop  }
0x3b: {  	_ = 	snop  }
0x3c: {  	p2 =	seq.s32 s10, $0x1;
	s10 =	sld [smem:$0x3FB3]  }
0x3d: {  	_ =	shalt  }
0x3e: {  	_ =	shalt  }
0x3f: {  	_ =	shalt  }
0x40: {  	_ =	shalt  }
0x41: {  	_ =	shalt  }
0x42: {  	_ =	shalt  }
0x43: {  	_ =	shalt  }
0x44: {  	_ =	shalt  }
0x45: {  	_ =	shalt  }
0x46: {  	_ =	shalt  }
0x47: {  	_ =	shalt  }
0x48: {  	_ =	shalt  }
0x49: {  	_ =	shalt  }
0x4a: {  	_ =	shalt  }
0x4b: {  	_ =	shalt  }
0x4c: {  	_ =	shalt  }
0x4d: {  	_ =	shalt  }
0x4e: {  	_ =	shalt  }
0x4f: {  	_ =	shalt  }
0x50: {  	_ =	shalt  }
0x51: {  	_ =	shalt  }
0x52: {  	_ =	shalt  }
0x53: {  	_ =	shalt  }
0x54: {  	_ =	shalt  }
0x55: {  	_ =	shalt  }
0x56: {  	_ =	shalt  }
0x57: {  	_ =	shalt  }
0x58: {  	_ =	shalt  }
0x59: {  	_ =	shalt  }
0x5a: {  	_ =	shalt  }
0x5b: {  	_ =	shalt  }
0x5c: {  	_ =	shalt  }
0x5d: {  	_ =	shalt  }
0x5e: {  	_ =	shalt  }
0x5f: {  	_ =	shalt  }
0x60: {  	_ =	shalt  }
0x61: {  	_ =	shalt  }
0x62: {  	_ =	shalt  }
0x63: {  	_ =	shalt  }
0x64: {  	_ =	shalt  }
0x65: {  	_ =	shalt  }
0x66: {  	_ =	shalt  }
0x67: {  	_ =	shalt  }
0x68: {  	_ =	shalt  }
0x69: {  	_ =	shalt  }
0x6a: {  	_ =	shalt  }
0x6b: {  	_ =	shalt  }
0x6c: {  	_ =	shalt  }
0x6d: {  	_ =	shalt  }
0x6e: {  	_ =	shalt  }
0x6f: {  	_ =	shalt  }
0x70: {  	_ =	shalt  }
0x71: {  	_ =	shalt  }
0x72: {  	_ =	shalt  }
0x73: {  	_ =	shalt  }
0x74: {  	_ =	shalt  }
0x75: {  	_ =	shalt  }
0x76: {  	_ =	shalt  }
0x77: {  	_ =	shalt  }
0x78: {  	_ =	shalt  }
0x79: {  	_ =	shalt  }
0x7a: {  	_ =	shalt  }
0x7b: {  	_ =	shalt  }
0x7c: {  	_ =	shalt  }
0x7d: {  	_ =	shalt  }
0x7e: {  	_ =	shalt  }
0x7f: {  	_ =	shalt  }
0x80: {  	_ =	shalt  }
0x81: {  	_ =	shalt  }
0x82: {  	_ =	shalt  }
0x83: {  	_ =	shalt  }
0x84: {  	_ =	shalt  }
0x85: {  	_ =	shalt  }
0x86: {  	_ =	shalt  }
0x87: {  	_ =	shalt  }
.Lfunc_end0:
.L_simem_size_0:
called_computation.2_lowered:
.L_overlay_start_0:
0x88: {  	s2 =	sld [smem:$0x3FD9]  }
0x89: {  	s3 =	sld [smem:$0x3FFE];
	_ =	sdelay $0x1  }
0x8a: {  	s1 =	srdreg.scid  }
0x8b: {  	s0 =	sand.u32 $0x1, s1  }
0x8c: {  	s16 =	sshll.u32 s0, $0xA;
	s2 =	sadd.s32 s3, s2  }
0x8d: {  	s2 =	sadd.s32 s2, s16  }
0x8e: {  	[smem:$0x3FBF] =	sst s2  }
0x8f: {  	_ = 	snop  }
0x90: {  	(tm) =	ssettm $0x1  }
0x91: {  	s17 =	sld [smem:$0x3FFB];
	_ =	sdelay $0x3  }
0x92: {  	_ =	strace s17  }
0x93: {  	s2 =	sld [smem:$0x3FFC];
	_ =	sdelay $0x3  }
0x94: {  	_ =	strace s2  }
0x95: {  	s2 =	sld [smem:$0x3FFD];
	_ =	sdelay $0x3  }
0x96: {  	_ =	strace s2  }
0x97: {  	_ =	strace $0x8FFFFFFF  }
0x98: {  	s18 =	sld [smem:$0x3FDB];
	_ =	sdelay $0x1  }
0x99: {  	s19 =	simm.s32 $_scs_section_size  }
0x9a: {  	s4 =	simm.s32 $_size__tile_overlayer_lowered;
	s5 =	simm.s32 $_tile_overlayer_lowered  }
0x9b: {  	s22 =	simm.s32 $0x1BFF;
	s21 =	sshll.u32 s5, $0x1;
	s2 =	sadd.s32 s19, s18  }
0x9c: {  	s6 =	simm.s32 $0x0;
	s20 =	sshll.u32 s4, $0x1;
	s4 =	sadd.s32 s21, s2  }
0x9d: {  	[timem:s6], [sflag:s22] =	dma.local [hbm:s4], s20  }
0x9e: {  	_ =	swait.ge [sflag:s22], s20  }
0x9f: {  	s3 =	ssub.s32 $0x0, s20;
	[sflag:s22] =	ssyncset.done $0x0  }
0xa0: {  	[sflag:s22] =	ssyncadd.s32 s3;
	_ =	sdelay $0x1  }
0xa1: {  	s23 =	simm.s32 $0x1B8B  }
0xa2: {  	_ =	swait.ge [sflag:s23], $0x1  }
0xa3: {  	[sflag:s23] =	ssyncset.done $0x0  }
0xa4: {  	s25 =	simm.s32 $0x1B8E;
	s24 =	sld [smem:$0x3FFE];
	[sflag:s23] =	ssyncadd.s32 $0xFFFFFFFF  }
0xa5: {  	s26 =	simm.s32 $execute0_lowered;
	[smem:$0x3FD2] =	sst s25  }
0xa6: {  	s4 =	sshll.u32 s26, $0x1;
	_ =	strace $0x8000004C;
	[dreg:$0x1] =	wrdreg $0xFFFFFFFF  }
0xa7: {  	s28 =	simm.s32 $_size_execute0_lowered;
	s2 =	sadd.s32 s2, s4;
	[dreg:$0x0] =	wrdreg $0x0  }
0xa8: {  	s4 =	sshll.u32 s28, $0x1;
	[dreg:$0x2] =	wrdreg s2  }
0xa9: {  	[dreg:$0x3] =	wrdreg s4  }
0xaa: {  	[dreg:$0x4] =	wrdreg $0xC0  }
0xab: {  	_ =	task [dreg:s6], $0x5FFFF  }
0xac: {  	[dreg:$0x1] =	wrdreg $0xFFFFFFFF  }
0xad: {  	[dreg:$0x0] =	wrdreg $0x60  }
0xae: {  	[dreg:$0x2] =	wrdreg s24  }
0xaf: {  	[dreg:$0x3] =	wrdreg $0xB1000  }
0xb0: {  	[dreg:$0x4] =	wrdreg $0x9  }
0xb1: {  	_ =	task.clear_ibuf [dreg:s6], $0x5FFFF;
	_ =	strace $0x9000004C  }
0xb2: {  	s29 =	simm.s32 $0x9;
	_ =	strace $0x8000004E  }
0xb3: {  	_ =	swait.ge [sflag:s29], $0x1  }
0xb4: {  	[sflag:s29] =	ssyncadd.s32 $0xFFFFFFFF  }
0xb5: {  	_ =	strace $0x9000004E  }
0xb6: {  	_ =	sfence  }
0xb7: {  	s30 =	sld [smem:$0x0];
	_ =	sdelay $0x2  }
0xb8: {  	s31 =	sshll.u32 s1, $0xD;
	s1 =	sshrl.u32 s1, $0x2  }
0xb9: {  	s3 =	sand.u32 $0x4000, s31;
	s1 =	sadd.s32 s1, s30  }
0xba: {  	s0 =	sor.u32 s3, s0;
	s1 =	sshll.u32 s1, $0x11  }
0xbb: {  	s0 =	sor.u32 s1, s0  }
0xbc: {  	s0 =	sadd.s32 $0x8F2B, s0  }
0xbd: {  	[sflag:s0] =	ssyncadd.remote.s32 $0x1  }
0xbe: {  	_ =	sfence.sel $0xFFFF  }
0xbf: {  	[dreg:$0x0] =	wrdreg $0xFFFFFFFF;
	(pc) =	sbr.abs _section_cstart, $3  }
0xc0: {  	[dreg:$0x1] =	wrdreg $0xFFFFFFFF  }
0xc1: {  	_ =	task.clear_ibuf [dreg:s6], $0x2FFFF;
	_ =	strace $0x9FFFFFFF  }
0xc2: {  	(tm) =	ssettm $0x7FFFFFFF  }
0xc3: {  	_ =	shalt  }
tec
execute0_lowered:
.L_overlay_start_1:
0x0: {  	(tag) =	ssettag $0x1  }
0x1: {  	s0 =	rddreg [dreg:$0x0]  }
0x2: {  	s1 =	rddreg [dreg:$0x1];
	s2 =	srdreg.scid  }
0x3: {  	s3 =	simm.s32 $0x0;
	s9 =	stileid.u32;
	s28 =	simm.s32 $0x4F00  }
0x4: {  	s29 =	simm.s32 $0x5100;
	s30 =	simm.s32 $0x4F80;
	s6 =	smul.u32 $0x2780, s9  }
0x5: {  	s31 =	simm.s32 $0x7100;
	s2 =	sand.u32 $0x1, s2;
	s8 =	smul.u32 $0x28000, s9  }
0x6: {  	[smem:$0x7FF] =	sst s3;
	s4 =	sadd.s32 $0x1E00, s0;
	s11 =	smul.u32 $0xA000, s9  }
0x7: {  	s5 =	smul.u32 $0x27800, s2;
	_ =	strace $0x8000004D;
	s25 =	ssub.s32 $0x2, s2  }
0x8: {  	s2 =	smul.u32 $0xA0000, s2;
	s7 =	sshrl.u32 s25, $0x1;
	s10 =	sshrl.u32 s8, $0x2  }
0x9: {  	s15 =	sadd.s32 s11, s1;
	s20 =	sadd.s32 $0x2000, s11;
	s23 =	sadd.s32 $0x4000, s11  }
0xa: {  	s24 =	sadd.s32 $0x6000, s11;
	s8 =	sadd.s32 $0x8000, s11;
	s5 =	sadd.s32 s6, s5  }
0xb: {  	s6 =	ssub.s32 s25, s7;
	s7 =	sadd.s32 s10, s1;
	[dreg:$0x5] =	wrdreg s15  }
0xc: {  	s19 =	sadd.s32 s2, s11;
	s21 =	sadd.s32 s2, s20;
	s15 =	sadd.s32 s20, s1  }
0xd: {  	s25 =	sadd.s32 s2, s24;
	s5 =	sshrl.u32 s5, $0x3;
	s16 =	smax.u32 s6, $0x1  }
0xe: {  	s17 =	sadd.s32 $0x2000, s7;
	s18 =	sadd.s32 $0x4000, s7;
	s12 =	sadd.s32 $0x6000, s7  }
0xf: {  	s13 =	sadd.s32 $0x8000, s7;
	s22 =	sshrl.u32 s21, $0x3;
	[dreg:$0x6] =	wrdreg s16  }
0x10: {  	s21 =	sadd.s32 s8, s1;
	s5 =	sadd.s32 s5, s0;
	[dreg:$0x7] =	wrdreg s17  }
0x11: {  	s6 =	simm.s32 $0x0;
	[dreg:$0x8] =	wrdreg s18;
	s26 =	sadd.s32 $0x64C00, s5  }
0x12: {  	s0 =	sadd.s32 $0x15800, s0;
	s5 =	sadd.s32 $0x5AE00, s5;
	[dreg:$0x3] =	wrdreg s26  }
0x13: {  	s17 =	sadd.s32 s23, s1;
	s16 =	sadd.s32 s0, s22;
	[dreg:$0x4] =	wrdreg s5  }
0x14: {  	s5 =	sshrl.u32 s19, $0x3;
	s26 =	sshrl.u32 s25, $0x3;
	s19 =	sadd.s32 s24, s1  }
0x15: {  	s25 =	simm.s32 $0x9100;
	s24 =	simm.s32 $0x2;
	s14 =	sadd.s32 s0, s5  }
0x16: {  	s5 =	sadd.s32 s2, s23;
	s2 =	sadd.s32 s2, s8;
	s20 =	sadd.s32 s0, s26  }
0x17: {  	s23 =	simm.s32 $0x3;
	s5 =	sshrl.u32 s5, $0x3;
	s2 =	sshrl.u32 s2, $0x3  }
0x18: {  	s26 =	simm.s32 $0x80;
	s18 =	sadd.s32 s0, s5;
	s22 =	sadd.s32 s0, s2  }
0x19: {  	v0 =	vimm.f32 $0.0e+00;
	s0 =	simm.s32 $0x1;
	s2 =	simm.s32 $0x5000;
	s5 =	simm.s32 $0x5080  }
.LBB2_1:
0x1a: {  	s8 =	rddreg [dreg:$0x3]  }
0x1b: {  	[tilespmem:s3], [sflag:$0x3] =	stream.linear.gather [hbm4b:s8+s3], $0x2780, $0x38;
	[tilespmem:$0x15100] =	vst v63  }
0x1c: {  	_ =	swait.ge [sflag:s23], $0x2780  }
0x1d: {  	[sflag:s23] =	ssyncset.done $0x0  }
0x1e: {  	s9 =	simm.s32 $0x2780;
	s11 =	rddreg [dreg:$0x4];
	[sflag:s23] =	ssyncadd.s32 $0xFFFFD880  }
0x1f: {  	[tilespmem:s9], [sflag:$0x3] =	stream.linear.gather [hbm4b:s11+s3], $0x2780, $0x38;
	[tilespmem:$0x15100] =	vst v63  }
0x20: {  	_ =	swait.ge [sflag:s23], $0x2780  }
0x21: {  	[sflag:s23] =	ssyncset.done $0x0  }
0x22: {  	s8 =	simm.s32 $0x0;
	s9 =	simm.s32 $0x100;
	[sflag:s23] =	ssyncadd.s32 $0xFFFFD880  }
.LBB2_2:
0x23: {  	p0 =	sne.s32 s9, $0x7F00;
	[tilespmem:s8+$0x9130] =	vst v0;
	s10 =	smov.u32 s9;
	s9 =	sadd.s32 $0x100, s9  }
.Ltmp0:
0x24: {  	[tilespmem:s8+$0x9120] =	vst v0;
	(pc) =	sbr.rel @p0 .LBB2_2-.Ltmp0, $3  }
0x25: {  	[tilespmem:s8+$0x9100] =	vst v0  }
0x26: {  	[tilespmem:s8+$0x9110] =	vst v0;
	_ =	sdelay $0x1  }
0x27: {  	s8 =	sshra.s32 s10, $0x2  }
0x28: {  	[tilespmem:s8+$0x9130] =	vst v0  }
0x29: {  	[tilespmem:s8+$0x9120] =	vst v0  }
0x2a: {  	[tilespmem:s8+$0x9100] =	vst v0  }
0x2b: {  	[tilespmem:s8+$0x9110] =	vst v0  }
0x2c: {  	[spmem:s7] =	stream.linear.scatter [tilespmem:s25], [sflag:$0x3], $0x2000, $0x38;
	[tilespmem:$0x15100] =	vst v63  }
0x2d: {  	_ =	swait.ge [sflag:s23], $0x2000  }
0x2e: {  	[sflag:s23] =	ssyncset.done $0x0  }
0x2f: {  	s9 =	rddreg [dreg:$0x7];
	[sflag:s23] =	ssyncadd.s32 $0xFFFFE000  }
0x30: {  	[spmem:s9] =	stream.linear.scatter [tilespmem:s25], [sflag:$0x3], $0x2000, $0x38;
	[tilespmem:$0x15100] =	vst v63  }
0x31: {  	_ =	swait.ge [sflag:s23], $0x2000  }
0x32: {  	[sflag:s23] =	ssyncset.done $0x0  }
0x33: {  	s10 =	rddreg [dreg:$0x8];
	[sflag:s23] =	ssyncadd.s32 $0xFFFFE000  }
0x34: {  	[spmem:s10] =	stream.linear.scatter [tilespmem:s25], [sflag:$0x3], $0x2000, $0x38;
	[tilespmem:$0x15100] =	vst v63  }
0x35: {  	_ =	swait.ge [sflag:s23], $0x2000  }
0x36: {  	[sflag:s23] =	ssyncset.done $0x0  }
0x37: {  	[sflag:s23] =	ssyncadd.s32 $0xFFFFE000  }
0x38: {  	[spmem:s12] =	stream.linear.scatter [tilespmem:s25], [sflag:$0x3], $0x2000, $0x38;
	[tilespmem:$0x15100] =	vst v63  }
0x39: {  	_ =	swait.ge [sflag:s23], $0x2000  }
0x3a: {  	[sflag:s23] =	ssyncset.done $0x0  }
0x3b: {  	[sflag:s23] =	ssyncadd.s32 $0xFFFFE000  }
0x3c: {  	[spmem:s13] =	stream.linear.scatter [tilespmem:s25], [sflag:$0x3], $0x2000, $0x38;
	[tilespmem:$0x15100] =	vst v63  }
0x3d: {  	_ =	swait.ge [sflag:s23], $0x2000  }
0x3e: {  	[sflag:s23] =	ssyncset.done $0x0  }
0x3f: {  	[sflag:s23] =	ssyncadd.s32 $0xFFFFE000  }
0x40: {  	[bflag:$0x0] =	sbarrier.arrive $0xFFFF  }
0x41: {  	v1 =	vld [tilespmem:$0x0]  }
0x42: {  	v2 =	vld [tilespmem:$0x2780]  }
0x43: {  	v3 =	vld [tilespmem:$0x10]  }
0x44: {  	v4 =	vld [tilespmem:$0x2790]  }
0x45: {  	v5 =	vld [tilespmem:$0x20]  }
0x46: {  	[tilespmem:$0x4F00] =	vst v1;
	v1 =	vld [tilespmem:$0x27A0]  }
0x47: {  	v60 =	vld [tilespmem:$0x40];
	[tilespmem:$0x5000] =	vst v2  }
0x48: {  	v61 =	vld [tilespmem:$0x27C0];
	[tilespmem:$0x4F10] =	vst v3  }
0x49: {  	v2 =	vld [tilespmem:$0x30];
	[tilespmem:$0x5010] =	vst v4  }
0x4a: {  	v3 =	vld [tilespmem:$0x27B0];
	[tilespmem:$0x4F20] =	vst v5  }
0x4b: {  	[tilespmem:$0x5020] =	vst v1;
	v1 =	vld [tilespmem:$0x50]  }
0x4c: {  	v62 =	vld [tilespmem:$0x27E0];
	[tilespmem:$0x4F40] =	vst v60  }
0x4d: {  	v63 =	vld [tilespmem:$0x70];
	[tilespmem:$0x5040] =	vst v61  }
0x4e: {  	[tilespmem:$0x4F30] =	vst v2;
	v2 =	vld [tilespmem:$0x27D0]  }
0x4f: {  	[tilespmem:$0x5030] =	vst v3;
	v3 =	vld [tilespmem:$0x60]  }
0x50: {  	[tilespmem:$0x4F50] =	vst v1;
	v1 =	vld [tilespmem:$0x27F0]  }
0x51: {  	[tilespmem:$0x5060] =	vst v62  }
0x52: {  	[tilespmem:$0x4F70] =	vst v63  }
0x53: {  	[tilespmem:$0x5050] =	vst v2  }
0x54: {  	[tilespmem:$0x4F60] =	vst v3  }
0x55: {  	s11 =	simm.s32 $0x0;
	[tilespmem:$0x5070] =	vst v1  }
0x56: {  	[tilespmem:s29], [sflag:$0x1] =	stream.indirect.gather [hbm4b:s4+s26], $0x40, s28, s26, $0xb8;
	[tilespmem:$0x15100] =	vst v63  }
0x57: {  	v1 =	vld [tilespmem:s11+$0x80];
	_ =	sdelay $0x4  }
0x58: {  	[tilespmem:$0x4F80] =	vst v1  }
0x59: {  	v1 =	vld [tilespmem:s11+$0x2800];
	_ =	sdelay $0x4  }
0x5a: {  	[tilespmem:$0x5080] =	vst v1  }
0x5b: {  	v1 =	vld [tilespmem:s11+$0x90];
	_ =	sdelay $0x4  }
0x5c: {  	[tilespmem:$0x4F90] =	vst v1  }
0x5d: {  	v1 =	vld [tilespmem:s11+$0x2810];
	_ =	sdelay $0x4  }
0x5e: {  	[tilespmem:$0x5090] =	vst v1  }
0x5f: {  	v1 =	vld [tilespmem:s11+$0xA0];
	_ =	sdelay $0x4  }
0x60: {  	[tilespmem:$0x4FA0] =	vst v1  }
0x61: {  	v1 =	vld [tilespmem:s11+$0x2820];
	_ =	sdelay $0x4  }
0x62: {  	[tilespmem:$0x50A0] =	vst v1  }
0x63: {  	v1 =	vld [tilespmem:s11+$0xB0];
	_ =	sdelay $0x4  }
0x64: {  	[tilespmem:$0x4FB0] =	vst v1  }
0x65: {  	v1 =	vld [tilespmem:s11+$0x2830];
	_ =	sdelay $0x4  }
0x66: {  	[tilespmem:$0x50B0] =	vst v1  }
0x67: {  	v1 =	vld [tilespmem:s11+$0xC0];
	_ =	sdelay $0x4  }
0x68: {  	[tilespmem:$0x4FC0] =	vst v1  }
0x69: {  	v1 =	vld [tilespmem:s11+$0x2840];
	_ =	sdelay $0x4  }
0x6a: {  	[tilespmem:$0x50C0] =	vst v1  }
0x6b: {  	v1 =	vld [tilespmem:s11+$0xD0];
	_ =	sdelay $0x4  }
0x6c: {  	[tilespmem:$0x4FD0] =	vst v1  }
0x6d: {  	v1 =	vld [tilespmem:s11+$0x2850];
	_ =	sdelay $0x4  }
0x6e: {  	[tilespmem:$0x50D0] =	vst v1  }
0x6f: {  	v1 =	vld [tilespmem:s11+$0xE0];
	_ =	sdelay $0x4  }
0x70: {  	[tilespmem:$0x4FE0] =	vst v1  }
0x71: {  	v1 =	vld [tilespmem:s11+$0x2860];
	_ =	sdelay $0x4  }
0x72: {  	[tilespmem:$0x50E0] =	vst v1  }
0x73: {  	v1 =	vld [tilespmem:s11+$0xF0];
	_ =	sdelay $0x4  }
0x74: {  	[tilespmem:$0x4FF0] =	vst v1  }
0x75: {  	v1 =	vld [tilespmem:s11+$0x2870];
	_ =	sdelay $0x4  }
0x76: {  	[tilespmem:$0x50F0] =	vst v1  }
0x77: {  	[tilespmem:s31], [sflag:$0x2] =	stream.indirect.gather [hbm4b:s4+s26], $0x40, s30, s26, $0xb8;
	[tilespmem:$0x15100] =	vst v63  }
0x78: {  	_ =	swait.ge [sflag:s0], $0x2000  }
0x79: {  	[sflag:s0] =	ssyncset.done $0x0  }
0x7a: {  	[sflag:s0] =	ssyncadd.s32 $0xFFFFE000  }
0x7b: {  	[spmem:s1] =	stream.indirect.scatter.add.f32 [tilespmem:s29], [sflag:$0x3], $0x40, s2, s26, $0xb8;
	[tilespmem:$0x15100] =	vst v63  }
0x7c: {  	_ =	swait.ge [sflag:s23], $0x2000  }
0x7d: {  	[sflag:s23] =	ssyncset.done $0x0  }
0x7e: {  	[sflag:s23] =	ssyncadd.s32 $0xFFFFE000  }
0x7f: {  	v1 =	vld [tilespmem:s11+$0x100];
	_ =	sdelay $0x4  }
0x80: {  	[tilespmem:$0x4F00] =	vst v1  }
0x81: {  	v1 =	vld [tilespmem:s11+$0x2880];
	_ =	sdelay $0x4  }
0x82: {  	[tilespmem:$0x5000] =	vst v1  }
0x83: {  	v1 =	vld [tilespmem:s11+$0x110];
	_ =	sdelay $0x4  }
0x84: {  	[tilespmem:$0x4F10] =	vst v1  }
0x85: {  	v1 =	vld [tilespmem:s11+$0x2890];
	_ =	sdelay $0x4  }
0x86: {  	[tilespmem:$0x5010] =	vst v1  }
0x87: {  	v1 =	vld [tilespmem:s11+$0x120];
	_ =	sdelay $0x4  }
0x88: {  	[tilespmem:$0x4F20] =	vst v1  }
0x89: {  	v1 =	vld [tilespmem:s11+$0x28A0];
	_ =	sdelay $0x4  }
0x8a: {  	[tilespmem:$0x5020] =	vst v1  }
0x8b: {  	v1 =	vld [tilespmem:s11+$0x130];
	_ =	sdelay $0x4  }
0x8c: {  	[tilespmem:$0x4F30] =	vst v1  }
0x8d: {  	v1 =	vld [tilespmem:s11+$0x28B0];
	_ =	sdelay $0x4  }
0x8e: {  	[tilespmem:$0x5030] =	vst v1  }
0x8f: {  	v1 =	vld [tilespmem:s11+$0x140];
	_ =	sdelay $0x4  }
0x90: {  	[tilespmem:$0x4F40] =	vst v1  }
0x91: {  	v1 =	vld [tilespmem:s11+$0x28C0];
	_ =	sdelay $0x4  }
0x92: {  	[tilespmem:$0x5040] =	vst v1  }
0x93: {  	v1 =	vld [tilespmem:s11+$0x150];
	_ =	sdelay $0x4  }
0x94: {  	[tilespmem:$0x4F50] =	vst v1  }
0x95: {  	v1 =	vld [tilespmem:s11+$0x28D0];
	_ =	sdelay $0x4  }
0x96: {  	[tilespmem:$0x5050] =	vst v1  }
0x97: {  	v1 =	vld [tilespmem:s11+$0x160];
	_ =	sdelay $0x4  }
0x98: {  	[tilespmem:$0x4F60] =	vst v1  }
0x99: {  	v1 =	vld [tilespmem:s11+$0x28E0];
	_ =	sdelay $0x4  }
0x9a: {  	[tilespmem:$0x5060] =	vst v1  }
0x9b: {  	v1 =	vld [tilespmem:s11+$0x170];
	_ =	sdelay $0x4  }
0x9c: {  	[tilespmem:$0x4F70] =	vst v1  }
0x9d: {  	v1 =	vld [tilespmem:s11+$0x28F0];
	_ =	sdelay $0x4  }
0x9e: {  	[tilespmem:$0x5070] =	vst v1  }
0x9f: {  	[tilespmem:s29], [sflag:$0x1] =	stream.indirect.gather [hbm4b:s4+s26], $0x40, s28, s26, $0xb8;
	[tilespmem:$0x15100] =	vst v63  }
0xa0: {  	_ =	swait.ge [sflag:s24], $0x2000  }
0xa1: {  	[sflag:s24] =	ssyncset.done $0x0  }
0xa2: {  	[sflag:s24] =	ssyncadd.s32 $0xFFFFE000  }
0xa3: {  	[spmem:s1] =	stream.indirect.scatter.add.f32 [tilespmem:s31], [sflag:$0x3], $0x40, s5, s26, $0xb8;
	[tilespmem:$0x15100] =	vst v63  }
0xa4: {  	_ =	swait.ge [sflag:s23], $0x2000  }
0xa5: {  	s8 =	simm.s32 $0x400;
	s9 =	simm.s32 $0x800;
	[sflag:s23] =	ssyncset.done $0x0  }
.LBB2_4:
0xa6: {  	s10 =	sshra.s32 s8, $0x2  }
0xa7: {  	[sflag:s23] =	ssyncadd.s32 $0xFFFFE000;
	s8 =	smov.u32 s9;
	s11 =	sadd.s32 $0x400, s9  }
0xa8: {  	p0 =	sne.s32 s9, $0x9800;
	v1 =	vld [tilespmem:s10+$0x80];
	_ =	sdelay $0x4  }
0xa9: {  	[tilespmem:$0x4F80] =	vst v1  }
0xaa: {  	v1 =	vld [tilespmem:s10+$0x2800];
	_ =	sdelay $0x4  }
0xab: {  	[tilespmem:$0x5080] =	vst v1  }
0xac: {  	v1 =	vld [tilespmem:s10+$0x90];
	_ =	sdelay $0x4  }
0xad: {  	[tilespmem:$0x4F90] =	vst v1  }
0xae: {  	v1 =	vld [tilespmem:s10+$0x2810];
	_ =	sdelay $0x4  }
0xaf: {  	[tilespmem:$0x5090] =	vst v1  }
0xb0: {  	v1 =	vld [tilespmem:s10+$0xA0];
	_ =	sdelay $0x4  }
0xb1: {  	[tilespmem:$0x4FA0] =	vst v1  }
0xb2: {  	v1 =	vld [tilespmem:s10+$0x2820];
	_ =	sdelay $0x4  }
0xb3: {  	[tilespmem:$0x50A0] =	vst v1  }
0xb4: {  	v1 =	vld [tilespmem:s10+$0xB0];
	_ =	sdelay $0x4  }
0xb5: {  	[tilespmem:$0x4FB0] =	vst v1  }
0xb6: {  	v1 =	vld [tilespmem:s10+$0x2830];
	_ =	sdelay $0x4  }
0xb7: {  	[tilespmem:$0x50B0] =	vst v1  }
0xb8: {  	v1 =	vld [tilespmem:s10+$0xC0];
	_ =	sdelay $0x4  }
0xb9: {  	[tilespmem:$0x4FC0] =	vst v1  }
0xba: {  	v1 =	vld [tilespmem:s10+$0x2840];
	_ =	sdelay $0x4  }
0xbb: {  	[tilespmem:$0x50C0] =	vst v1  }
0xbc: {  	v1 =	vld [tilespmem:s10+$0xD0];
	_ =	sdelay $0x4  }
0xbd: {  	[tilespmem:$0x4FD0] =	vst v1  }
0xbe: {  	v1 =	vld [tilespmem:s10+$0x2850];
	_ =	sdelay $0x4  }
0xbf: {  	[tilespmem:$0x50D0] =	vst v1  }
0xc0: {  	v1 =	vld [tilespmem:s10+$0xE0];
	_ =	sdelay $0x4  }
0xc1: {  	[tilespmem:$0x4FE0] =	vst v1  }
0xc2: {  	v1 =	vld [tilespmem:s10+$0x2860];
	_ =	sdelay $0x4  }
0xc3: {  	[tilespmem:$0x50E0] =	vst v1  }
0xc4: {  	v1 =	vld [tilespmem:s10+$0xF0];
	_ =	sdelay $0x4  }
0xc5: {  	[tilespmem:$0x4FF0] =	vst v1  }
0xc6: {  	v1 =	vld [tilespmem:s10+$0x2870];
	_ =	sdelay $0x4  }
0xc7: {  	[tilespmem:$0x50F0] =	vst v1  }
0xc8: {  	[tilespmem:s31], [sflag:$0x2] =	stream.indirect.gather [hbm4b:s4+s26], $0x40, s30, s26, $0xb8;
	[tilespmem:$0x15100] =	vst v63  }
0xc9: {  	_ =	swait.ge [sflag:s0], $0x2000  }
0xca: {  	[sflag:s0] =	ssyncset.done $0x0  }
0xcb: {  	[sflag:s0] =	ssyncadd.s32 $0xFFFFE000  }
0xcc: {  	[spmem:s1] =	stream.indirect.scatter.add.f32 [tilespmem:s29], [sflag:$0x3], $0x40, s2, s26, $0xb8;
	[tilespmem:$0x15100] =	vst v63  }
0xcd: {  	_ =	swait.ge [sflag:s23], $0x2000  }
0xce: {  	[sflag:s23] =	ssyncset.done $0x0  }
0xcf: {  	[sflag:s23] =	ssyncadd.s32 $0xFFFFE000  }
0xd0: {  	v1 =	vld [tilespmem:s10+$0x100];
	_ =	sdelay $0x4  }
0xd1: {  	[tilespmem:$0x4F00] =	vst v1  }
0xd2: {  	v1 =	vld [tilespmem:s10+$0x2880];
	_ =	sdelay $0x4  }
0xd3: {  	[tilespmem:$0x5000] =	vst v1  }
0xd4: {  	v1 =	vld [tilespmem:s10+$0x110];
	_ =	sdelay $0x4  }
0xd5: {  	[tilespmem:$0x4F10] =	vst v1  }
0xd6: {  	v1 =	vld [tilespmem:s10+$0x2890];
	_ =	sdelay $0x4  }
0xd7: {  	[tilespmem:$0x5010] =	vst v1  }
0xd8: {  	v1 =	vld [tilespmem:s10+$0x120];
	_ =	sdelay $0x4  }
0xd9: {  	[tilespmem:$0x4F20] =	vst v1  }
0xda: {  	v1 =	vld [tilespmem:s10+$0x28A0];
	_ =	sdelay $0x4  }
0xdb: {  	[tilespmem:$0x5020] =	vst v1  }
0xdc: {  	v1 =	vld [tilespmem:s10+$0x130];
	_ =	sdelay $0x4  }
0xdd: {  	[tilespmem:$0x4F30] =	vst v1  }
0xde: {  	v1 =	vld [tilespmem:s10+$0x28B0];
	_ =	sdelay $0x4  }
0xdf: {  	[tilespmem:$0x5030] =	vst v1  }
0xe0: {  	v1 =	vld [tilespmem:s10+$0x140];
	_ =	sdelay $0x4  }
0xe1: {  	[tilespmem:$0x4F40] =	vst v1  }
0xe2: {  	v1 =	vld [tilespmem:s10+$0x28C0];
	_ =	sdelay $0x4  }
0xe3: {  	[tilespmem:$0x5040] =	vst v1  }
0xe4: {  	v1 =	vld [tilespmem:s10+$0x150];
	_ =	sdelay $0x4  }
0xe5: {  	[tilespmem:$0x4F50] =	vst v1  }
0xe6: {  	v1 =	vld [tilespmem:s10+$0x28D0];
	_ =	sdelay $0x4  }
0xe7: {  	[tilespmem:$0x5050] =	vst v1  }
0xe8: {  	v1 =	vld [tilespmem:s10+$0x160];
	_ =	sdelay $0x4  }
0xe9: {  	[tilespmem:$0x4F60] =	vst v1  }
0xea: {  	v1 =	vld [tilespmem:s10+$0x28E0];
	_ =	sdelay $0x4  }
0xeb: {  	[tilespmem:$0x5060] =	vst v1  }
0xec: {  	v1 =	vld [tilespmem:s10+$0x170];
	_ =	sdelay $0x4  }
0xed: {  	[tilespmem:$0x4F70] =	vst v1  }
0xee: {  	v1 =	vld [tilespmem:s10+$0x28F0];
	_ =	sdelay $0x4  }
0xef: {  	[tilespmem:$0x5070] =	vst v1  }
0xf0: {  	[tilespmem:s29], [sflag:$0x1] =	stream.indirect.gather [hbm4b:s4+s26], $0x40, s28, s26, $0xb8;
	[tilespmem:$0x15100] =	vst v63  }
0xf1: {  	_ =	swait.ge [sflag:s24], $0x2000  }
.Ltmp1:
0xf2: {  	[sflag:s24] =	ssyncset.done $0x0;
	(pc) =	sbr.rel @p0 .LBB2_4-.Ltmp1, $4  }
0xf3: {  	[sflag:s24] =	ssyncadd.s32 $0xFFFFE000  }
0xf4: {  	[spmem:s1] =	stream.indirect.scatter.add.f32 [tilespmem:s31], [sflag:$0x3], $0x40, s5, s26, $0xb8;
	[tilespmem:$0x15100] =	vst v63  }
0xf5: {  	_ =	swait.ge [sflag:s23], $0x2000  }
0xf6: {  	s9 =	smov.u32 s11;
	[sflag:s23] =	ssyncset.done $0x0  }
0xf7: {  	s8 =	sshra.s32 s8, $0x2;
	[sflag:s23] =	ssyncadd.s32 $0xFFFFE000  }
0xf8: {  	v1 =	vld [tilespmem:s8+$0x80];
	_ =	sdelay $0x4  }
0xf9: {  	[tilespmem:$0x4F80] =	vst v1  }
0xfa: {  	v1 =	vld [tilespmem:s8+$0x2800];
	_ =	sdelay $0x4  }
0xfb: {  	[tilespmem:$0x5080] =	vst v1  }
0xfc: {  	v1 =	vld [tilespmem:s8+$0x90];
	_ =	sdelay $0x4  }
0xfd: {  	[tilespmem:$0x4F90] =	vst v1  }
0xfe: {  	v1 =	vld [tilespmem:s8+$0x2810];
	_ =	sdelay $0x4  }
0xff: {  	[tilespmem:$0x5090] =	vst v1  }
0x100: {  	v1 =	vld [tilespmem:s8+$0xA0];
	_ =	sdelay $0x4  }
0x101: {  	[tilespmem:$0x4FA0] =	vst v1  }
0x102: {  	v1 =	vld [tilespmem:s8+$0x2820];
	_ =	sdelay $0x4  }
0x103: {  	[tilespmem:$0x50A0] =	vst v1  }
0x104: {  	v1 =	vld [tilespmem:s8+$0xB0];
	_ =	sdelay $0x4  }
0x105: {  	[tilespmem:$0x4FB0] =	vst v1  }
0x106: {  	v1 =	vld [tilespmem:s8+$0x2830];
	_ =	sdelay $0x4  }
0x107: {  	[tilespmem:$0x50B0] =	vst v1  }
0x108: {  	v1 =	vld [tilespmem:s8+$0xC0];
	_ =	sdelay $0x4  }
0x109: {  	[tilespmem:$0x4FC0] =	vst v1  }
0x10a: {  	v1 =	vld [tilespmem:s8+$0x2840];
	_ =	sdelay $0x4  }
0x10b: {  	[tilespmem:$0x50C0] =	vst v1  }
0x10c: {  	v1 =	vld [tilespmem:s8+$0xD0];
	_ =	sdelay $0x4  }
0x10d: {  	[tilespmem:$0x4FD0] =	vst v1  }
0x10e: {  	v1 =	vld [tilespmem:s8+$0x2850];
	_ =	sdelay $0x4  }
0x10f: {  	[tilespmem:$0x50D0] =	vst v1  }
0x110: {  	v1 =	vld [tilespmem:s8+$0xE0];
	_ =	sdelay $0x4  }
0x111: {  	[tilespmem:$0x4FE0] =	vst v1  }
0x112: {  	v1 =	vld [tilespmem:s8+$0x2860];
	_ =	sdelay $0x4  }
0x113: {  	[tilespmem:$0x50E0] =	vst v1  }
0x114: {  	v1 =	vld [tilespmem:s8+$0xF0];
	_ =	sdelay $0x4  }
0x115: {  	[tilespmem:$0x4FF0] =	vst v1  }
0x116: {  	v1 =	vld [tilespmem:s8+$0x2870];
	_ =	sdelay $0x4  }
0x117: {  	[tilespmem:$0x50F0] =	vst v1  }
0x118: {  	[tilespmem:s31], [sflag:$0x2] =	stream.indirect.gather [hbm4b:s4+s26], $0x40, s30, s26, $0xb8;
	[tilespmem:$0x15100] =	vst v63  }
0x119: {  	_ =	swait.ge [sflag:s0], $0x2000  }
0x11a: {  	[sflag:s0] =	ssyncset.done $0x0  }
0x11b: {  	[sflag:s0] =	ssyncadd.s32 $0xFFFFE000  }
0x11c: {  	[spmem:s1] =	stream.indirect.scatter.add.f32 [tilespmem:s29], [sflag:$0x3], $0x40, s2, s26, $0xb8;
	[tilespmem:$0x15100] =	vst v63  }
0x11d: {  	_ =	swait.ge [sflag:s23], $0x2000  }
0x11e: {  	[sflag:s23] =	ssyncset.done $0x0  }
0x11f: {  	[sflag:s23] =	ssyncadd.s32 $0xFFFFE000  }
0x120: {  	v1 =	vld [tilespmem:s8+$0x100];
	_ =	sdelay $0x4  }
0x121: {  	[tilespmem:$0x4F00] =	vst v1  }
0x122: {  	v1 =	vld [tilespmem:s8+$0x2880];
	_ =	sdelay $0x4  }
0x123: {  	[tilespmem:$0x5000] =	vst v1  }
0x124: {  	v1 =	vld [tilespmem:s8+$0x110];
	_ =	sdelay $0x4  }
0x125: {  	[tilespmem:$0x4F10] =	vst v1  }
0x126: {  	v1 =	vld [tilespmem:s8+$0x2890];
	_ =	sdelay $0x4  }
0x127: {  	[tilespmem:$0x5010] =	vst v1  }
0x128: {  	v1 =	vld [tilespmem:s8+$0x120];
	_ =	sdelay $0x4  }
0x129: {  	[tilespmem:$0x4F20] =	vst v1  }
0x12a: {  	v1 =	vld [tilespmem:s8+$0x28A0];
	_ =	sdelay $0x4  }
0x12b: {  	[tilespmem:$0x5020] =	vst v1  }
0x12c: {  	v1 =	vld [tilespmem:s8+$0x130];
	_ =	sdelay $0x4  }
0x12d: {  	[tilespmem:$0x4F30] =	vst v1  }
0x12e: {  	v1 =	vld [tilespmem:s8+$0x28B0];
	_ =	sdelay $0x4  }
0x12f: {  	[tilespmem:$0x5030] =	vst v1  }
0x130: {  	v1 =	vld [tilespmem:s8+$0x140];
	_ =	sdelay $0x4  }
0x131: {  	[tilespmem:$0x4F40] =	vst v1  }
0x132: {  	v1 =	vld [tilespmem:s8+$0x28C0];
	_ =	sdelay $0x4  }
0x133: {  	[tilespmem:$0x5040] =	vst v1  }
0x134: {  	v1 =	vld [tilespmem:s8+$0x150];
	_ =	sdelay $0x4  }
0x135: {  	[tilespmem:$0x4F50] =	vst v1  }
0x136: {  	v1 =	vld [tilespmem:s8+$0x28D0];
	_ =	sdelay $0x4  }
0x137: {  	[tilespmem:$0x5050] =	vst v1  }
0x138: {  	v1 =	vld [tilespmem:s8+$0x160];
	_ =	sdelay $0x4  }
0x139: {  	[tilespmem:$0x4F60] =	vst v1  }
0x13a: {  	v1 =	vld [tilespmem:s8+$0x28E0];
	_ =	sdelay $0x4  }
0x13b: {  	[tilespmem:$0x5060] =	vst v1  }
0x13c: {  	v1 =	vld [tilespmem:s8+$0x170];
	_ =	sdelay $0x4  }
0x13d: {  	[tilespmem:$0x4F70] =	vst v1  }
0x13e: {  	v1 =	vld [tilespmem:s8+$0x28F0];
	_ =	sdelay $0x4  }
0x13f: {  	[tilespmem:$0x5070] =	vst v1  }
0x140: {  	[tilespmem:s29], [sflag:$0x1] =	stream.indirect.gather [hbm4b:s4+s26], $0x40, s28, s26, $0xb8;
	[tilespmem:$0x15100] =	vst v63  }
0x141: {  	_ =	swait.ge [sflag:s24], $0x2000  }
0x142: {  	[sflag:s24] =	ssyncset.done $0x0  }
0x143: {  	[sflag:s24] =	ssyncadd.s32 $0xFFFFE000  }
0x144: {  	[spmem:s1] =	stream.indirect.scatter.add.f32 [tilespmem:s31], [sflag:$0x3], $0x40, s5, s26, $0xb8;
	[tilespmem:$0x15100] =	vst v63  }
0x145: {  	_ =	swait.ge [sflag:s23], $0x2000  }
0x146: {  	[sflag:s23] =	ssyncset.done $0x0  }
0x147: {  	[sflag:s23] =	ssyncadd.s32 $0xFFFFE000  }
0x148: {  	_ =	swait.ge [sflag:s0], $0x2000  }
0x149: {  	[sflag:s0] =	ssyncset.done $0x0  }
0x14a: {  	[sflag:s0] =	ssyncadd.s32 $0xFFFFE000  }
0x14b: {  	[spmem:s1] =	stream.indirect.scatter.add.f32 [tilespmem:s29], [sflag:$0x3], $0x40, s2, s26, $0xb8;
	[tilespmem:$0x15100] =	vst v63  }
0x14c: {  	_ =	swait.ge [sflag:s23], $0x2000  }
0x14d: {  	[sflag:s23] =	ssyncset.done $0x0  }
0x14e: {  	[sflag:s23] =	ssyncadd.s32 $0xFFFFE000  }
0x14f: {  	[bflag:$0x0] =	sbarrier.arrive $0xFFFF  }
0x150: {  	s10 =	rddreg [dreg:$0x5]  }
0x151: {  	[tilespmem:s25], [sflag:$0x3] =	stream.linear.gather [spmem:s10], $0x2000, $0x38;
	[tilespmem:$0x15100] =	vst v63  }
0x152: {  	_ =	swait.ge [sflag:s23], $0x2000  }
0x153: {  	[sflag:s23] =	ssyncset.done $0x0  }
0x154: {  	[sflag:s23] =	ssyncadd.s32 $0xFFFFE000  }
0x155: {  	[hbm4b:s14+s3] =	stream.linear.scatter [tilespmem:s25], [sflag:$0x3], $0x2000, $0x38;
	[tilespmem:$0x15100] =	vst v63  }
0x156: {  	_ =	swait.ge [sflag:s23], $0x2000  }
0x157: {  	[sflag:s23] =	ssyncset.done $0x0  }
0x158: {  	[sflag:s23] =	ssyncadd.s32 $0xFFFFE000  }
0x159: {  	[tilespmem:s25], [sflag:$0x3] =	stream.linear.gather [spmem:s15], $0x2000, $0x38;
	[tilespmem:$0x15100] =	vst v63  }
0x15a: {  	_ =	swait.ge [sflag:s23], $0x2000  }
0x15b: {  	[sflag:s23] =	ssyncset.done $0x0  }
0x15c: {  	[sflag:s23] =	ssyncadd.s32 $0xFFFFE000  }
0x15d: {  	[hbm4b:s16+s3] =	stream.linear.scatter [tilespmem:s25], [sflag:$0x3], $0x2000, $0x38;
	[tilespmem:$0x15100] =	vst v63  }
0x15e: {  	_ =	swait.ge [sflag:s23], $0x2000  }
0x15f: {  	[sflag:s23] =	ssyncset.done $0x0  }
0x160: {  	[sflag:s23] =	ssyncadd.s32 $0xFFFFE000  }
0x161: {  	[tilespmem:s25], [sflag:$0x3] =	stream.linear.gather [spmem:s17], $0x2000, $0x38;
	[tilespmem:$0x15100] =	vst v63  }
0x162: {  	_ =	swait.ge [sflag:s23], $0x2000  }
0x163: {  	[sflag:s23] =	ssyncset.done $0x0  }
0x164: {  	[sflag:s23] =	ssyncadd.s32 $0xFFFFE000  }
0x165: {  	[hbm4b:s18+s3] =	stream.linear.scatter [tilespmem:s25], [sflag:$0x3], $0x2000, $0x38;
	[tilespmem:$0x15100] =	vst v63  }
0x166: {  	_ =	swait.ge [sflag:s23], $0x2000  }
0x167: {  	[sflag:s23] =	ssyncset.done $0x0  }
0x168: {  	[sflag:s23] =	ssyncadd.s32 $0xFFFFE000  }
0x169: {  	[tilespmem:s25], [sflag:$0x3] =	stream.linear.gather [spmem:s19], $0x2000, $0x38;
	[tilespmem:$0x15100] =	vst v63  }
0x16a: {  	_ =	swait.ge [sflag:s23], $0x2000  }
0x16b: {  	[sflag:s23] =	ssyncset.done $0x0  }
0x16c: {  	[sflag:s23] =	ssyncadd.s32 $0xFFFFE000  }
0x16d: {  	[hbm4b:s20+s3] =	stream.linear.scatter [tilespmem:s25], [sflag:$0x3], $0x2000, $0x38;
	[tilespmem:$0x15100] =	vst v63  }
0x16e: {  	_ =	swait.ge [sflag:s23], $0x2000  }
0x16f: {  	[sflag:s23] =	ssyncset.done $0x0  }
0x170: {  	[sflag:s23] =	ssyncadd.s32 $0xFFFFE000  }
0x171: {  	[tilespmem:s25], [sflag:$0x3] =	stream.linear.gather [spmem:s21], $0x2000, $0x38;
	[tilespmem:$0x15100] =	vst v63  }
0x172: {  	_ =	swait.ge [sflag:s23], $0x2000  }
0x173: {  	[sflag:s23] =	ssyncset.done $0x0  }
0x174: {  	[sflag:s23] =	ssyncadd.s32 $0xFFFFE000  }
0x175: {  	[hbm4b:s22+s3] =	stream.linear.scatter [tilespmem:s25], [sflag:$0x3], $0x2000, $0x38;
	[tilespmem:$0x15100] =	vst v63  }
0x176: {  	_ =	swait.ge [sflag:s23], $0x2000  }
0x177: {  	s6 =	sadd.s32 $0x1, s6;
	s11 =	rddreg [dreg:$0x6]  }
0x178: {  	p0 =	sne.s32 s6, s11  }
.Ltmp2:
0x179: {  	_ = 	snop;
	(pc) =	sbr.rel @p0 .LBB2_1-.Ltmp2, $3  }
0x17a: {  	_ =	sdelay $0x1  }
0x17b: {  	[sflag:s23] =	ssyncset.done $0x0  }
0x17c: {  	[sflag:s23] =	ssyncadd.s32 $0xFFFFE000  }
0x17d: {  	_ =	sfence.sel $0x180000  }
0x17e: {  	[bflag:$0x0] =	sbarrier.arrive $0xFFFF  }
0x17f: {  	_ =	strace $0x9000004D  }
0x180: {  	s0 =	stileid.u32;
	[bflag:$0x2] =	sbarrier.arrive $0xFFFF  }
0x181: {  	p0 =	sne.s32 s0, $0x0;
	s0 =	rddreg [dreg:$0x2]  }
0x182: {  	s0 =	sadd.s32 @!p0 $0x100000, s0  }
0x183: {  	[sflag:s0] =	ssyncadd.tile.s32 @!p0 $0x1;
	_ =	shalt  }
.Lfunc_end2:
_tile_overlayer_lowered:
.L_overlay_start_2:
0x184: {  	(tag) =	ssettag $0x2  }
0x185: {  	s0 =	rddreg [dreg:$0x0];
	s2 =	stileid.u32  }
0x186: {  	s1 =	rddreg [dreg:$0x1];
	p0 =	sne.s32 s2, $0x0  }
0x187: {  	s3 =	rddreg [dreg:$0x2];
	[bflag:$0x3] =	sbarrier.arrive $0xFFFF;
	s2 =	simm.s32 @!p0 $0x1C03  }
0x188: {  	[timem:s3], [sflag:s2] =	dma.local @!p0 [hbm:s0], s1  }
0x189: {  	s0 =	simm.s32 @!p0 $0x3  }
0x18a: {  	_ =	swait.ge @!p0 [sflag:s0], s1  }
0x18b: {  	s1 =	ssub.s32 @!p0 $0x0, s1;
	[sflag:s0] =	ssyncset.done @!p0 $0x0  }
0x18c: {  	[sflag:s0] =	ssyncadd.s32 @!p0 s1  }
0x18d: {  	[bflag:$0x3] =	sbarrier.arrive $0xFFFF  }
0x18e: {  	_ =	shalt  }

// kernel: kernel.8.cloned.1.call-start
scs
__scs_entry_jumppad:
0x0: {  	(pc) =	sbr.rel $0x88, $3  }
0x1: {  	(tag) =	ssettag $0x0;
	lr =	simm.s32 $0x1  }
0x2: {  	[smem:$0x3F98] =	sst lr;
	_ =	strace $0xD0000000  }
0x3: {  	_ = 	snop  }
0x4: {  	_ = 	snop  }
0x5: {  	_ = 	snop  }
0x6: {  	_ = 	snop  }
0x7: {  	_ = 	snop  }
__scs_overlays_trampoline_lowered:
0x8: {  	[smem:$0x3FA7] =	sst s0  }
0x9: {  	[smem:$0x3FA8] =	sst s1  }
0xa: {  	[smem:$0x3FA9] =	sst s2  }
0xb: {  	[smem:$0x3FAA] =	sst s3  }
0xc: {  	[smem:$0x3FAB] =	sst s4  }
0xd: {  	[smem:$0x3FAC] =	sst s5  }
0xe: {  	[smem:$0x3FAD] =	sst s6  }
0xf: {  	[smem:$0x3FAE] =	sst s7  }
0x10: {  	[smem:$0x3FAF] =	sst s8  }
0x11: {  	[smem:$0x3FB0] =	sst s9;
	s0 =	simm.s32 @!p0 $0x0  }
0x12: {  	s1 =	sld [smem:$0x3F96];
	s0 =	simm.s32 @p0 $0x1  }
0x13: {  	[smem:$0x3FB1] =	sst s0;
	s0 =	simm.s32 @!p1 $0x0  }
0x14: {  	s2 =	sld [smem:$0x3F95];
	s0 =	simm.s32 @p1 $0x1  }
0x15: {  	[smem:$0x3FB2] =	sst s0;
	s0 =	simm.s32 @!p2 $0x0  }
0x16: {  	s3 =	sld [smem:$0x3FDB];
	s0 =	simm.s32 @p2 $0x1  }
0x17: {  	s4 =	simm.s32 $0x1BF5;
	[smem:$0x3FB4] =	sst s0  }
0x18: {  	s0 =	sld [smem:$0x3F97];
	_ =	swait.ge [sflag:s4], $0x0  }
0x19: {  	s7 =	sld [smem:$0x3F98]  }
0x1a: {  	s8 =	sadd.s32 $0xFFFFE003, lr  }
0x1b: {  	s9 =	sadd.s32 $0xFFFFFEF7, lr;
	s5 =	simm.s32 $0xFFFFFFFF;
	p2 =	slt.u32 s8, $0xFFFFF086  }
0x1c: {  	p1 =	slt.u32 s9, $0xF7A;
	s5 =	simm.s32 @!p2 $0x0  }
0x1d: {  	s5 =	simm.s32 @p1 $0x1;
	p0 =	seq.s32 s7, s2  }
0x1e: {  	s7 =	smul.u32 @!p0 $0xF7A, s2;
	p2 =	seq.s32 @!p0 s5, $0x0  }
0x1f: {  	s9 =	smul.u32 $0xF7A, s1;
	s8 =	simm.s32 @!p0 $0x1BF5;
	p2 =	por !p2, p0  }
0x20: {  	[sflag:s8] =	ssyncset.s32 @!p0 $0xFFFFF086;
	s6 =	sadd.s32 @!p0 s3, s7;
	s7 =	simm.s32 @!p0 $0x108  }
0x21: {  	s3 =	sadd.s32 s3, s9;
	s6 =	sadd.s32 @!p0 $0x88, s6;
	s7 =	simm.s32 @p2 $0x1082  }
0x22: {  	[simem:s7], [sflag:s8] =	dma.local @!p0 [hbm:s6], $0xF7A  }
0x23: {  	s9 =	sor.u32 $0xD0000000, s2;
	s6 =	simm.s32 $0x108;
	_ =	swait.ge @!p0 [sflag:s8], $0x0  }
0x24: {  	s3 =	sadd.s32 $0x88, s3;
	s6 =	simm.s32 @!p1 $0x1082;
	[sflag:s4] =	ssyncset.s32 $0xFFFFF086  }
0x25: {  	[simem:s6], [sflag:s4] =	dma.local [hbm:s3], $0xF7A  }
0x26: {  	[smem:$0x3F98] =	sst s1;
	(tag) =	ssettag s2;
	_ =	strace s9  }
0x27: {  	s1 =	sld [smem:$0x3FA8]  }
0x28: {  	s2 =	sld [smem:$0x3FA9]  }
0x29: {  	s4 =	sld [smem:$0x3FAB]  }
0x2a: {  	p0 =	seq.s32 s5, $0x0;
	s5 =	sld [smem:$0x3FAC]  }
0x2b: {  	s6 =	sld [smem:$0x3FAD]  }
0x2c: {  	s7 =	sld [smem:$0x3FAE]  }
0x2d: {  	s3 =	simm.s32 $0x108;
	s8 =	sld [smem:$0x3FAF]  }
0x2e: {  	s3 =	simm.s32 @!p0 $0x1082;
	s9 =	sld [smem:$0x3FB0]  }
0x2f: {  	lr =	sadd.s32 s0, s3;
	s0 =	sld [smem:$0x3FA7]  }
0x30: {  	s3 =	sld [smem:$0x3FAA]  }
0x31: {  	[smem:$0x3FB3] =	sst s10  }
0x32: {  	s10 =	sld [smem:$0x3FB1];
	_ =	sdelay $0x3  }
0x33: {  	p0 =	seq.s32 s10, $0x1;
	s10 =	sld [smem:$0x3FB3];
	_ =	sdelay $0x3  }
0x34: {  	[smem:$0x3FB3] =	sst s10  }
0x35: {  	s10 =	sld [smem:$0x3FB2];
	_ =	sdelay $0x3  }
0x36: {  	p1 =	seq.s32 s10, $0x1;
	s10 =	sld [smem:$0x3FB3];
	_ =	sdelay $0x3  }
0x37: {  	[smem:$0x3FB3] =	sst s10  }
0x38: {  	s10 =	sld [smem:$0x3FB4]  }
0x39: {  	_ = 	snop;
	(pc) =	sbr.ind lr, $3  }
0x3a: {  	_ = 	snop  }
0x3b: {  	_ = 	snop  }
0x3c: {  	p2 =	seq.s32 s10, $0x1;
	s10 =	sld [smem:$0x3FB3]  }
0x3d: {  	_ =	shalt  }
0x3e: {  	_ =	shalt  }
0x3f: {  	_ =	shalt  }
0x40: {  	_ =	shalt  }
0x41: {  	_ =	shalt  }
0x42: {  	_ =	shalt  }
0x43: {  	_ =	shalt  }
0x44: {  	_ =	shalt  }
0x45: {  	_ =	shalt  }
0x46: {  	_ =	shalt  }
0x47: {  	_ =	shalt  }
0x48: {  	_ =	shalt  }
0x49: {  	_ =	shalt  }
0x4a: {  	_ =	shalt  }
0x4b: {  	_ =	shalt  }
0x4c: {  	_ =	shalt  }
0x4d: {  	_ =	shalt  }
0x4e: {  	_ =	shalt  }
0x4f: {  	_ =	shalt  }
0x50: {  	_ =	shalt  }
0x51: {  	_ =	shalt  }
0x52: {  	_ =	shalt  }
0x53: {  	_ =	shalt  }
0x54: {  	_ =	shalt  }
0x55: {  	_ =	shalt  }
0x56: {  	_ =	shalt  }
0x57: {  	_ =	shalt  }
0x58: {  	_ =	shalt  }
0x59: {  	_ =	shalt  }
0x5a: {  	_ =	shalt  }
0x5b: {  	_ =	shalt  }
0x5c: {  	_ =	shalt  }
0x5d: {  	_ =	shalt  }
0x5e: {  	_ =	shalt  }
0x5f: {  	_ =	shalt  }
0x60: {  	_ =	shalt  }
0x61: {  	_ =	shalt  }
0x62: {  	_ =	shalt  }
0x63: {  	_ =	shalt  }
0x64: {  	_ =	shalt  }
0x65: {  	_ =	shalt  }
0x66: {  	_ =	shalt  }
0x67: {  	_ =	shalt  }
0x68: {  	_ =	shalt  }
0x69: {  	_ =	shalt  }
0x6a: {  	_ =	shalt  }
0x6b: {  	_ =	shalt  }
0x6c: {  	_ =	shalt  }
0x6d: {  	_ =	shalt  }
0x6e: {  	_ =	shalt  }
0x6f: {  	_ =	shalt  }
0x70: {  	_ =	shalt  }
0x71: {  	_ =	shalt  }
0x72: {  	_ =	shalt  }
0x73: {  	_ =	shalt  }
0x74: {  	_ =	shalt  }
0x75: {  	_ =	shalt  }
0x76: {  	_ =	shalt  }
0x77: {  	_ =	shalt  }
0x78: {  	_ =	shalt  }
0x79: {  	_ =	shalt  }
0x7a: {  	_ =	shalt  }
0x7b: {  	_ =	shalt  }
0x7c: {  	_ =	shalt  }
0x7d: {  	_ =	shalt  }
0x7e: {  	_ =	shalt  }
0x7f: {  	_ =	shalt  }
0x80: {  	_ =	shalt  }
0x81: {  	_ =	shalt  }
0x82: {  	_ =	shalt  }
0x83: {  	_ =	shalt  }
0x84: {  	_ =	shalt  }
0x85: {  	_ =	shalt  }
0x86: {  	_ =	shalt  }
0x87: {  	_ =	shalt  }
.Lfunc_end0:
.L_simem_size_0:
called_computation_lowered:
.L_overlay_start_0:
0x88: {  	s2 =	sld [smem:$0x3FD9]  }
0x89: {  	s3 =	sld [smem:$0x3FFE];
	_ =	sdelay $0x1  }
0x8a: {  	s1 =	srdreg.scid  }
0x8b: {  	s0 =	sand.u32 $0x1, s1  }
0x8c: {  	s16 =	sshll.u32 s0, $0xA;
	s2 =	sadd.s32 s3, s2  }
0x8d: {  	s2 =	sadd.s32 s2, s16  }
0x8e: {  	[smem:$0x3FBF] =	sst s2  }
0x8f: {  	_ = 	snop  }
0x90: {  	(tm) =	ssettm $0x1  }
0x91: {  	s17 =	sld [smem:$0x3FFB];
	_ =	sdelay $0x3  }
0x92: {  	_ =	strace s17  }
0x93: {  	s2 =	sld [smem:$0x3FFC];
	_ =	sdelay $0x3  }
0x94: {  	_ =	strace s2  }
0x95: {  	s2 =	sld [smem:$0x3FFD];
	_ =	sdelay $0x3  }
0x96: {  	_ =	strace s2  }
0x97: {  	_ =	strace $0x8FFFFFFF  }
0x98: {  	s18 =	sld [smem:$0x3FDB];
	_ =	sdelay $0x1  }
0x99: {  	s19 =	simm.s32 $_scs_section_size  }
0x9a: {  	s4 =	simm.s32 $_size__tile_overlayer_lowered;
	s5 =	simm.s32 $_tile_overlayer_lowered  }
0x9b: {  	s22 =	simm.s32 $0x1BFF;
	s21 =	sshll.u32 s5, $0x1;
	s2 =	sadd.s32 s19, s18  }
0x9c: {  	s6 =	simm.s32 $0x0;
	s20 =	sshll.u32 s4, $0x1;
	s4 =	sadd.s32 s21, s2  }
0x9d: {  	[timem:s6], [sflag:s22] =	dma.local [hbm:s4], s20  }
0x9e: {  	_ =	swait.ge [sflag:s22], s20  }
0x9f: {  	s3 =	ssub.s32 $0x0, s20;
	[sflag:s22] =	ssyncset.done $0x0  }
0xa0: {  	[sflag:s22] =	ssyncadd.s32 s3;
	_ =	sdelay $0x1  }
0xa1: {  	s23 =	simm.s32 $0x1B8B  }
0xa2: {  	_ =	swait.ge [sflag:s23], $0x1  }
0xa3: {  	[sflag:s23] =	ssyncset.done $0x0  }
0xa4: {  	s25 =	simm.s32 $0x1B8E;
	s24 =	sld [smem:$0x3FFE];
	[sflag:s23] =	ssyncadd.s32 $0xFFFFFFFF  }
0xa5: {  	s26 =	simm.s32 $execute0_lowered;
	[smem:$0x3FD2] =	sst s25  }
0xa6: {  	s4 =	sshll.u32 s26, $0x1;
	_ =	strace $0x80000046;
	[dreg:$0x1] =	wrdreg $0xFFFFFFFF  }
0xa7: {  	s28 =	simm.s32 $_size_execute0_lowered;
	s2 =	sadd.s32 s2, s4;
	[dreg:$0x0] =	wrdreg $0x0  }
0xa8: {  	s4 =	sshll.u32 s28, $0x1;
	[dreg:$0x2] =	wrdreg s2  }
0xa9: {  	[dreg:$0x3] =	wrdreg s4  }
0xaa: {  	[dreg:$0x4] =	wrdreg $0xC0  }
0xab: {  	_ =	task [dreg:s6], $0x5FFFF  }
0xac: {  	[dreg:$0x1] =	wrdreg $0xFFFFFFFF  }
0xad: {  	[dreg:$0x0] =	wrdreg $0x60  }
0xae: {  	[dreg:$0x2] =	wrdreg s24  }
0xaf: {  	[dreg:$0x3] =	wrdreg $0x9  }
0xb0: {  	_ =	task.clear_ibuf [dreg:s6], $0x4FFFF;
	_ =	strace $0x90000046  }
0xb1: {  	s29 =	simm.s32 $0x9;
	_ =	strace $0x80000048  }
0xb2: {  	_ =	swait.ge [sflag:s29], $0x1  }
0xb3: {  	[sflag:s29] =	ssyncadd.s32 $0xFFFFFFFF  }
0xb4: {  	_ =	strace $0x90000048  }
0xb5: {  	_ =	sfence  }
0xb6: {  	s30 =	sld [smem:$0x0];
	_ =	sdelay $0x2  }
0xb7: {  	s31 =	sshll.u32 s1, $0xD;
	s1 =	sshrl.u32 s1, $0x2  }
0xb8: {  	s3 =	sand.u32 $0x4000, s31;
	s1 =	sadd.s32 s1, s30  }
0xb9: {  	s0 =	sor.u32 s3, s0;
	s1 =	sshll.u32 s1, $0x11  }
0xba: {  	s0 =	sor.u32 s1, s0  }
0xbb: {  	s0 =	sadd.s32 $0x8F2B, s0  }
0xbc: {  	[sflag:s0] =	ssyncadd.remote.s32 $0x1  }
0xbd: {  	_ =	sfence.sel $0xFFFF  }
0xbe: {  	[dreg:$0x0] =	wrdreg $0xFFFFFFFF;
	(pc) =	sbr.abs _section_cstart, $3  }
0xbf: {  	[dreg:$0x1] =	wrdreg $0xFFFFFFFF  }
0xc0: {  	_ =	task.clear_ibuf [dreg:s6], $0x2FFFF;
	_ =	strace $0x9FFFFFFF  }
0xc1: {  	(tm) =	ssettm $0x7FFFFFFF  }
tec
execute0_lowered:
.L_overlay_start_1:
0x0: {  	(tag) =	ssettag $0x1  }
0x1: {  	s0 =	srdreg.scid  }
0x2: {  	s4 =	rddreg [dreg:$0x0];
	s3 =	sand.u32 $0x1, s0  }
0x3: {  	s9 =	simm.s32 $0x400;
	s0 =	stileid.u32;
	s5 =	smul.u32 $0x13C000, s3  }
0x4: {  	s10 =	simm.s32 $0x0;
	s1 =	sshll.u32 s3, $0x4;
	s6 =	smul.u32 $0x13C00, s0  }
0x5: {  	s8 =	sshll.u32 s0, $0x7;
	s3 =	ssub.s32 $0x2, s3;
	s2 =	sor.u32 s0, s1  }
0x6: {  	s1 =	rddreg [dreg:$0x1];
	s8 =	sand.u32 $0x380, s8;
	s7 =	sshrl.u32 s2, $0x3  }
0x7: {  	s2 =	simm.s32 $0x0;
	s5 =	sadd.s32 s6, s5;
	s7 =	smul.u32 $0x14000, s7  }
0x8: {  	s31 =	sshrl.u32 s3, $0x1;
	[smem:$0x7FF] =	sst s2;
	s5 =	sshrl.u32 s5, $0x3  }
0x9: {  	_ =	strace $0x80000047;
	s5 =	sadd.s32 s5, s4;
	s30 =	sor.u32 s8, s7  }
0xa: {  	s7 =	simm.s32 $0x13C00;
	s8 =	simm.s32 $0x80;
	s6 =	sshrl.u32 s30, $0x3  }
0xb: {  	s4 =	sadd.s32 s6, s4;
	s6 =	ssub.s32 s3, s31;
	s3 =	sadd.s32 $0x1E00, s5  }
0xc: {  	v0 =	vimm.f32 $0.0e+00;
	v1 =	vimm.f32 $1.000000000e+00;
	s4 =	sadd.s32 $0x50E00, s4;
	s5 =	smax.u32 s6, $0x1;
	s6 =	simm.s32 $0x1  }
.LBB2_1:
0xd: {  	[tilespmem:s2], [sflag:$0x1] =	stream.linear.gather [hbm4b:s3+s2], $0x13880, $0x38;
	[tilespmem:$0x16400] =	vst v63  }
0xe: {  	_ =	swait.ge [sflag:s6], $0x13880  }
0xf: {  	[sflag:s6] =	ssyncset.done $0x0  }
0x10: {  	s11 =	simm.s32 $0x0;
	[sflag:s6] =	ssyncadd.s32 $0xFFFEC780  }
.LBB2_2:
0x11: {  	p0 =	sne.s32 s11, $0x9FC0  }
.Ltmp0:
0x12: {  	_ = 	snop;
	(pc) =	sbr.rel @p0 .LBB2_2-.Ltmp0, $3  }
0x13: {  	_ =	sdelay $0x1  }
0x14: {  	s12 =	sshra.s32 s11, $0x2  }
0x15: {  	s11 =	sadd.s32 $0x40, s11;
	[tilespmem:s12+$0x13C00] =	vst v0  }
0x16: {  	s12 =	simm.s32 $0x0;
	s11 =	simm.s32 $0x200  }
.LBB2_4:
0x17: {  	p0 =	sne.s32 s11, $0x4E000;
	v2 =	vld [tilespmem:s12+$0x0];
	_ =	sdelay $0x3  }
.Ltmp1:
0x18: {  	(pc) =	sbr.rel @p0 .LBB2_4-.Ltmp1, $2  }
0x19: {  	_ =	sdelay $0x2  }
0x1a: {  	s12 =	sshra.s32 s11, $0x2;
	s11 =	sadd.s32 $0x200, s11;
	[tilespmem:v2+s7+$0x0] =	vst.idx.add.f32.msk $0xffff, v1  }
0x1b: {  	v2 =	vld [tilespmem:s12+$0x0];
	_ =	sdelay $0x5  }
0x1c: {  	s10 =	sadd.s32 $0x1, s10  }
0x1d: {  	p0 =	sne.s32 s10, s5  }
.Ltmp2:
0x1e: {  	[tilespmem:v2+s7+$0x0] =	vst.idx.add.f32.msk $0xffff, v1;
	(pc) =	sbr.rel @p0 .LBB2_1-.Ltmp2, $4  }
0x1f: {  	[hbm4b:s4+s8] =	stream.strided.scatter [tilespmem:s7], [sflag:$0x1], $0x2800, s9, s8, $0x38;
	[tilespmem:$0x16400] =	vst v63  }
0x20: {  	_ =	swait.ge [sflag:s6], $0x2800  }
0x21: {  	[sflag:s6] =	ssyncset.done $0x0  }
0x22: {  	[sflag:s6] =	ssyncadd.s32 $0xFFFFD800  }
0x23: {  	_ =	sfence.sel $0x180000  }
0x24: {  	[bflag:$0x0] =	sbarrier.arrive $0xFFFF  }
0x25: {  	p0 =	sne.s32 s0, $0x0;
	_ =	strace $0x90000047  }
0x26: {  	s0 =	sadd.s32 @!p0 $0x100000, s1;
	[bflag:$0x2] =	sbarrier.arrive $0xFFFF  }
0x27: {  	[sflag:s0] =	ssyncadd.tile.s32 @!p0 $0x1;
	_ =	shalt  }
.Lfunc_end2:
_tile_overlayer_lowered:
.L_overlay_start_2:
0x28: {  	(tag) =	ssettag $0x2  }
0x29: {  	s0 =	rddreg [dreg:$0x0];
	s2 =	stileid.u32  }
0x2a: {  	s1 =	rddreg [dreg:$0x1];
	p0 =	sne.s32 s2, $0x0  }
0x2b: {  	s3 =	rddreg [dreg:$0x2];
	[bflag:$0x3] =	sbarrier.arrive $0xFFFF;
	s2 =	simm.s32 @!p0 $0x1C01  }
0x2c: {  	[timem:s3], [sflag:s2] =	dma.local @!p0 [hbm:s0], s1  }
0x2d: {  	s0 =	simm.s32 @!p0 $0x1  }
0x2e: {  	_ =	swait.ge @!p0 [sflag:s0], s1  }
0x2f: {  	s1 =	ssub.s32 @!p0 $0x0, s1;
	[sflag:s0] =	ssyncset.done @!p0 $0x0  }
0x30: {  	[sflag:s0] =	ssyncadd.s32 @!p0 s1  }
0x31: {  	[bflag:$0x3] =	sbarrier.arrive $0xFFFF  }
0x32: {  	_ =	shalt  }

</sc_bundles>
